<compile_context>
chip_gen: v7x
topology: tpu7x:2x2x1
jax: 0.10.2.dev20260603
libtpu: 0.0.44.dev20260713+nightly
codegen_flags: <defaults>
</compile_context>

<pallas_src>
import jax
import jax.numpy as jnp
from jax import lax
from jax.experimental import pallas as pl
from jax.experimental.pallas import tpu as pltpu
from jax.experimental.pallas import tpu_sc as plsc

N = 100000
B = 128
K = 32
F = 7
NW = 32
BPW = B // NW
CROWS = 4000
CR8 = CROWS * 5 // 8
NCH = N // CROWS
BLK = 10
BLKPTS = BLK * 16
BLOCKS = CROWS // BLKPTS
IBUF_STRIDE = 64
GAMMA2 = 1.1 * 1.1


def _splat(buf2d, r, c):
    idx = jnp.full((16,), r, jnp.int32), jnp.full((16,), c, jnp.int32)
    return plsc.load_gather(buf2d, list(idx))


def _sc_body(pts8_hbm, boxes_hbm, out_hbm,
             pbuf, bbuf, ibuf, gbuf, featbuf, outbuf, dsem):
    wid = lax.axis_index("c") * 16 + lax.axis_index("s")
    iota = lax.iota(jnp.int32, 16)

    pltpu.sync_copy(boxes_hbm, bbuf)
    base_box = wid * BPW
    cxs, cys, r2s, vxs, vys = [], [], [], [], []
    for j in range(BPW):
        r = base_box + j
        cxs.append(_splat(bbuf, r, 0))
        cys.append(_splat(bbuf, r, 1))
        hx = _splat(bbuf, r, 3) * jnp.float32(0.5)
        hy = _splat(bbuf, r, 4) * jnp.float32(0.5)
        r2s.append((hx * hx + hy * hy) * jnp.float32(GAMMA2))
        vxs.append(_splat(bbuf, r, 7))
        vys.append(_splat(bbuf, r, 8))

    kv = jnp.full((16,), K, jnp.int32)

    def not_done(cvs):
        lo = jnp.minimum(jnp.minimum(cvs[0], cvs[1]),
                         jnp.minimum(cvs[2], cvs[3]))
        return lo[0] < K

    def chunk_cond(st):
        return (st[0] < NCH) & not_done(st[2:])

    def chunk_body(st):
        c = st[0]
        off = pl.multiple_of(c * CR8, 4)
        pltpu.sync_copy(pts8_hbm.at[pl.ds(off, CR8)], pbuf)

        def blk_cond(st):
            return (st[1] < BLOCKS) & not_done(st[2:])

        def blk_body(st):
            b = st[1]
            base_f = (c * CROWS + b * BLKPTS + iota).astype(jnp.float32)
            seven = jnp.full((16,), 7, jnp.int32)
            xvs, yvs = [], []
            for s in range(BLK):
                t5 = (b * BLKPTS + s * 16 + iota) * 5
                t6 = t5 + 1
                xvs.append(plsc.load_gather(pbuf, [t5 >> 3, t5 & seven]))
                yvs.append(plsc.load_gather(pbuf, [t6 >> 3, t6 & seven]))
            new = []
            for j in range(BPW):
                cv0 = st[2 + j]

                def do_box(cv=cv0, j=j):
                    cv = cv
                    for s in range(BLK):
                        dx = xvs[s] - cxs[j]
                        dy = yvs[s] - cys[j]
                        m = dx * dx + dy * dy <= r2s[j]
                        cs = plsc.cumsum(m.astype(jnp.int32))
                        pos = (jnp.minimum(cv, kv) + cs
                               + (j * IBUF_STRIDE - 1))
                        plsc.store_scatter(ibuf, [pos],
                                           base_f + jnp.float32(s * 16),
                                           mask=m)
                        cv = cv + plsc.all_reduce_population_count(m)
                    return cv

                new.append(lax.cond(cv0[0] < K, do_box, lambda cv=cv0: cv))
            return (c, b + 1) + tuple(new)

        st2 = lax.while_loop(blk_cond, blk_body,
                             (c, jnp.int32(0)) + st[2:])
        return (c + 1,) + st2[1:]

    zero = jnp.int32(0)
    zv = jnp.zeros((16,), jnp.int32)
    st = lax.while_loop(chunk_cond, chunk_body, (zero, zero) + (zv,) * BPW)
    cnts = [v[0] for v in st[2:]]

    qmax = jnp.full((16,), N * 5 // 8 - 1, jnp.int32)
    for j in range(BPW):
        cj = jnp.minimum(cnts[j], K)
        for t in (0, 16):
            v = ibuf[pl.ds(j * IBUF_STRIDE + t, 16)].astype(jnp.int32)
            valid = (t + iota) < cj
            v = jnp.where(valid, v, 0)
            q = (v * 5) >> 3
            sl2 = (j * K + t + iota) * 2
            plsc.store_scatter(gbuf, [sl2], q)
            plsc.store_scatter(gbuf, [sl2 + 1], jnp.minimum(q + 1, qmax))
    pltpu.async_copy(pts8_hbm.at[gbuf], featbuf, dsem).wait()

    zf = jnp.zeros((16,), jnp.float32)
    seven = jnp.full((16,), 7, jnp.int32)
    for j in range(BPW):
        cj = jnp.minimum(cnts[j], K)
        jcol = jnp.full((16,), j, jnp.int32)
        for t in (0, 16):
            v = ibuf[pl.ds(j * IBUF_STRIDE + t, 16)].astype(jnp.int32)
            slot = t + iota
            valid = slot < cj
            v = jnp.where(valid, v, 0)
            o = (v * 5) & seven
            sl2 = (j * K + t + iota) * 2
            for f in range(5):
                of = o + f
                row = sl2 + (of >> 3)
                col = of & seven
                val = plsc.load_gather(featbuf, [row, col])
                plsc.store_scatter(outbuf, [jcol, slot,
                                            jnp.full((16,), f, jnp.int32)],
                                   jnp.where(valid, val, zf))
            v5 = jnp.full((16,), 5, jnp.int32)
            v6 = jnp.full((16,), 6, jnp.int32)
            plsc.store_scatter(outbuf, [jcol, slot, v5],
                               jnp.where(valid, vxs[j], zf))
            plsc.store_scatter(outbuf, [jcol, slot, v6],
                               jnp.where(valid, vys[j], zf))

    pltpu.sync_copy(outbuf, out_hbm.at[pl.ds(base_box, BPW)])


@jax.jit
def _voxel_sample(pts8, boxes):
    mesh = plsc.VectorSubcoreMesh(core_axis_name="c", subcore_axis_name="s",
                                  num_cores=2, num_subcores=16)
    return pl.kernel(
        _sc_body,
        out_type=jax.ShapeDtypeStruct((B, K, F), jnp.float32),
        mesh=mesh,
        compiler_params=pltpu.CompilerParams(needs_layout_passes=False,
                                             use_tc_tiling_on_sc=False),
        scratch_types=[
            pltpu.VMEM((CR8, 8), jnp.float32),
            pltpu.VMEM((B, 9), jnp.float32),
            pltpu.VMEM((BPW * IBUF_STRIDE,), jnp.float32),
            pltpu.VMEM((BPW * K * 2,), jnp.int32),
            pltpu.VMEM((BPW * K * 2, 8), jnp.float32),
            pltpu.VMEM((BPW, K, F), jnp.float32),
            pltpu.SemaphoreType.DMA,
        ],
    )(pts8, boxes)


def kernel(points, boxes, num_sample):
    del num_sample
    return _voxel_sample(points.reshape(N * 5 // 8, 8), boxes)

# --- scband reference (transcript-rebuilt; emitter-appended) ---
"""Pipeline reference for scband-voxel-sampler-40381282517052 (READ-ONLY COPY).

The authoritative reference and input builder live on the scoring server;
editing this copy changes nothing except your own understanding.
"""

import jax, jax.numpy as jnp
import numpy as np

GAMMA = 1.1

def setup_inputs(seed: int = 0) -> dict:
    key = jax.random.key(seed)
    k1, k2 = jax.random.split(key)
    # points: [N, 5] = (x, y, z, intensity, timestamp), spread over the scene
    points = jax.random.normal(k1, (100000, 5), dtype=jnp.float32) * 30.0
    # boxes: [B, 9] = (cx, cy, cz, dx, dy, dz, heading, vx, vy)
    boxes = jax.random.normal(k2, (128, 9), dtype=jnp.float32) * 10.0
    boxes = boxes.at[:, 3:6].set(jnp.abs(boxes[:, 3:6]) + 1.0)  # positive box sizes
    return {"points": points, "boxes": boxes, "num_sample": 32}

def reference(points, boxes, num_sample):
    # Faithful jax translation of VoxelSampler.cylindrical_pool (pool='even' path),
    # the core topk-masking kernel of this module.
    gamma = GAMMA
    k_static = 32
    # cur_radiis = norm(boxes[:, 3:5] / 2) * gamma
    cur_radiis = jnp.linalg.norm(boxes[:, 3:5] / 2.0, axis=-1) * gamma
    # dis[b, n] = || points[n, :2] - boxes[b, :2] ||
    dis = jnp.linalg.norm(points[None, :, :2] - boxes[:, None, :2], axis=2)
    # point_mask: which points fall inside each box's cylinder
    point_mask = (dis <= cur_radiis[:, None]).astype(jnp.float32)
    # topk over the binary mask selects num_sample in-radius points per box
    sampled_mask, sampled_idx = jax.lax.top_k(point_mask, k_static)
    # gather point features: [B, num_sample, 5]
    sampled_points = jnp.take(points, sampled_idx, axis=0)
    # concat box velocity (last 2 dims) broadcast to each sampled point
    box_vel = jnp.broadcast_to(boxes[:, None, -2:], (boxes.shape[0], k_static, 2))
    sampled_points = jnp.concatenate([sampled_points, box_vel], axis=-1)
    # zero out slots whose mask is 0 (fewer than num_sample in-radius points)
    sampled_points = jnp.where((sampled_mask == 0)[..., None], 0.0, sampled_points)
    sampled_points = sampled_points + jnp.zeros((), dtype=sampled_points.dtype) * num_sample
    return sampled_points

if __name__ == "__main__":
    import jax
    _d = setup_inputs()
    print(jax.jit(kernel)(*tuple(_d.values())))

</pallas_src>

<mosaic_0001>
#map = affine_map<(d0, d1) -> (0, 0)>
#map1 = affine_map<(d0, d1) -> (0, 0, 0)>
module attributes {stable_mosaic.version = 14 : i64} {
  func.func @_sc_body(%arg0: i32, %arg1: i32, %arg2: memref<62500x8xf32, #tpu.memory_space<hbm>>, %arg3: memref<128x9xf32, #tpu.memory_space<hbm>>, %arg4: memref<128x32x7xf32, #tpu.memory_space<hbm>>, %arg5: memref<2500x8xf32, #tpu.memory_space<vmem>>, %arg6: memref<128x9xf32, #tpu.memory_space<vmem>>, %arg7: memref<256xf32, #tpu.memory_space<vmem>>, %arg8: memref<256xi32, #tpu.memory_space<vmem>>, %arg9: memref<256x8xf32, #tpu.memory_space<vmem>>, %arg10: memref<4x32x7xf32, #tpu.memory_space<vmem>>, %arg11: memref<!tpu.dma_semaphore, #tpu.memory_space<semaphore_mem>>) attributes {dimension_semantics = [#tpu.dimension_semantics<core_parallel>, #tpu.dimension_semantics<subcore_parallel>], iteration_bounds = array<i64: 2, 16>, scalar_prefetch = 0 : i64, scratch_operands = 7 : i64, tpu.core_type = #tpu.core_type<sc_vector_subcore>, window_params = [{transform_indices = #map}, {transform_indices = #map}, {transform_indices = #map1}]} {
    %mul3A = arith.constant 16 : i32
    %mul3A_0 = arith.muli %arg0, %mul3A : i32
    %add3A = arith.addi %mul3A_0, %arg1 : i32
    %iota3A = tpu.iota {dimensions = array<i32: 0>} : vector<16xi32>
    "tpu.region"() ({
      %run_scoped3A = tpu.sem_alloc : memref<!tpu.dma_semaphore, #tpu.memory_space<semaphore_mem>>
      tpu.enqueue_dma source(%arg3 : memref<128x9xf32, #tpu.memory_space<hbm>>) target(%arg6 : memref<128x9xf32, #tpu.memory_space<vmem>>) target_semaphore(%run_scoped3A : memref<!tpu.dma_semaphore, #tpu.memory_space<semaphore_mem>>)
      tpu.wait_dma2 semaphore(%run_scoped3A : memref<!tpu.dma_semaphore, #tpu.memory_space<semaphore_mem>>) src(%arg3 : memref<128x9xf32, #tpu.memory_space<hbm>>) dst(%arg6 : memref<128x9xf32, #tpu.memory_space<vmem>>)
      tpu.yield
    }) : () -> ()
    %mul3A_1 = arith.constant 4 : i32
    %mul3A_2 = arith.muli %add3A, %mul3A_1 : i32
    %add3A_3 = arith.constant 0 : i32
    %add3A_4 = arith.addi %mul3A_2, %add3A_3 : i32
    %broadcast_in_dim3A = vector.broadcast %add3A_4 : i32 to vector<16xi32>
    %broadcast_in_dim3A_5 = arith.constant 0 : i32
    %broadcast_in_dim3A_6 = vector.broadcast %broadcast_in_dim3A_5 : i32 to vector<16xi32>
    %gather3A = tpu.vector_load_idx %arg6[%broadcast_in_dim3A, %broadcast_in_dim3A_6] : memref<128x9xf32, #tpu.memory_space<vmem>>[vector<16xi32>, vector<16xi32>], vector<16xf32>,
    %broadcast_in_dim3A_7 = vector.broadcast %add3A_4 : i32 to vector<16xi32>
    %broadcast_in_dim3A_8 = arith.constant 1 : i32
    %broadcast_in_dim3A_9 = vector.broadcast %broadcast_in_dim3A_8 : i32 to vector<16xi32>
    %gather3A_10 = tpu.vector_load_idx %arg6[%broadcast_in_dim3A_7, %broadcast_in_dim3A_9] : memref<128x9xf32, #tpu.memory_space<vmem>>[vector<16xi32>, vector<16xi32>], vector<16xf32>,
    %broadcast_in_dim3A_11 = vector.broadcast %add3A_4 : i32 to vector<16xi32>
    %broadcast_in_dim3A_12 = arith.constant 3 : i32
    %broadcast_in_dim3A_13 = vector.broadcast %broadcast_in_dim3A_12 : i32 to vector<16xi32>
    %gather3A_14 = tpu.vector_load_idx %arg6[%broadcast_in_dim3A_11, %broadcast_in_dim3A_13] : memref<128x9xf32, #tpu.memory_space<vmem>>[vector<16xi32>, vector<16xi32>], vector<16xf32>,
    %mul3A_15 = arith.constant 5.000000e-01 : f32
    %mul3A_16 = vector.broadcast %mul3A_15 : f32 to vector<16xf32>
    %mul3A_17 = arith.mulf %gather3A_14, %mul3A_16 : vector<16xf32>
    %broadcast_in_dim3A_18 = vector.broadcast %add3A_4 : i32 to vector<16xi32>
    %broadcast_in_dim3A_19 = arith.constant 4 : i32
    %broadcast_in_dim3A_20 = vector.broadcast %broadcast_in_dim3A_19 : i32 to vector<16xi32>
    %gather3A_21 = tpu.vector_load_idx %arg6[%broadcast_in_dim3A_18, %broadcast_in_dim3A_20] : memref<128x9xf32, #tpu.memory_space<vmem>>[vector<16xi32>, vector<16xi32>], vector<16xf32>,
    %mul3A_22 = arith.constant 5.000000e-01 : f32
    %mul3A_23 = vector.broadcast %mul3A_22 : f32 to vector<16xf32>
    %mul3A_24 = arith.mulf %gather3A_21, %mul3A_23 : vector<16xf32>
    %mul3A_25 = arith.mulf %mul3A_17, %mul3A_17 : vector<16xf32>
    %mul3A_26 = arith.mulf %mul3A_24, %mul3A_24 : vector<16xf32>
    %add3A_27 = arith.addf %mul3A_25, %mul3A_26 : vector<16xf32>
    %mul3A_28 = arith.constant 1.210000e+00 : f32
    %mul3A_29 = vector.broadcast %mul3A_28 : f32 to vector<16xf32>
    %mul3A_30 = arith.mulf %add3A_27, %mul3A_29 : vector<16xf32>
    %broadcast_in_dim3A_31 = vector.broadcast %add3A_4 : i32 to vector<16xi32>
    %broadcast_in_dim3A_32 = arith.constant 7 : i32
    %broadcast_in_dim3A_33 = vector.broadcast %broadcast_in_dim3A_32 : i32 to vector<16xi32>
    %gather3A_34 = tpu.vector_load_idx %arg6[%broadcast_in_dim3A_31, %broadcast_in_dim3A_33] : memref<128x9xf32, #tpu.memory_space<vmem>>[vector<16xi32>, vector<16xi32>], vector<16xf32>,
    %broadcast_in_dim3A_35 = vector.broadcast %add3A_4 : i32 to vector<16xi32>
    %broadcast_in_dim3A_36 = arith.constant 8 : i32
    %broadcast_in_dim3A_37 = vector.broadcast %broadcast_in_dim3A_36 : i32 to vector<16xi32>
    %gather3A_38 = tpu.vector_load_idx %arg6[%broadcast_in_dim3A_35, %broadcast_in_dim3A_37] : memref<128x9xf32, #tpu.memory_space<vmem>>[vector<16xi32>, vector<16xi32>], vector<16xf32>,
    %add3A_39 = arith.constant 1 : i32
    %add3A_40 = arith.addi %mul3A_2, %add3A_39 : i32
    %broadcast_in_dim3A_41 = vector.broadcast %add3A_40 : i32 to vector<16xi32>
    %broadcast_in_dim3A_42 = arith.constant 0 : i32
    %broadcast_in_dim3A_43 = vector.broadcast %broadcast_in_dim3A_42 : i32 to vector<16xi32>
    %gather3A_44 = tpu.vector_load_idx %arg6[%broadcast_in_dim3A_41, %broadcast_in_dim3A_43] : memref<128x9xf32, #tpu.memory_space<vmem>>[vector<16xi32>, vector<16xi32>], vector<16xf32>,
    %broadcast_in_dim3A_45 = vector.broadcast %add3A_40 : i32 to vector<16xi32>
    %broadcast_in_dim3A_46 = arith.constant 1 : i32
    %broadcast_in_dim3A_47 = vector.broadcast %broadcast_in_dim3A_46 : i32 to vector<16xi32>
    %gather3A_48 = tpu.vector_load_idx %arg6[%broadcast_in_dim3A_45, %broadcast_in_dim3A_47] : memref<128x9xf32, #tpu.memory_space<vmem>>[vector<16xi32>, vector<16xi32>], vector<16xf32>,
    %broadcast_in_dim3A_49 = vector.broadcast %add3A_40 : i32 to vector<16xi32>
    %broadcast_in_dim3A_50 = arith.constant 3 : i32
    %broadcast_in_dim3A_51 = vector.broadcast %broadcast_in_dim3A_50 : i32 to vector<16xi32>
    %gather3A_52 = tpu.vector_load_idx %arg6[%broadcast_in_dim3A_49, %broadcast_in_dim3A_51] : memref<128x9xf32, #tpu.memory_space<vmem>>[vector<16xi32>, vector<16xi32>], vector<16xf32>,
    %mul3A_53 = arith.constant 5.000000e-01 : f32
    %mul3A_54 = vector.broadcast %mul3A_53 : f32 to vector<16xf32>
    %mul3A_55 = arith.mulf %gather3A_52, %mul3A_54 : vector<16xf32>
    %broadcast_in_dim3A_56 = vector.broadcast %add3A_40 : i32 to vector<16xi32>
    %broadcast_in_dim3A_57 = arith.constant 4 : i32
    %broadcast_in_dim3A_58 = vector.broadcast %broadcast_in_dim3A_57 : i32 to vector<16xi32>
    %gather3A_59 = tpu.vector_load_idx %arg6[%broadcast_in_dim3A_56, %broadcast_in_dim3A_58] : memref<128x9xf32, #tpu.memory_space<vmem>>[vector<16xi32>, vector<16xi32>], vector<16xf32>,
    %mul3A_60 = arith.constant 5.000000e-01 : f32
    %mul3A_61 = vector.broadcast %mul3A_60 : f32 to vector<16xf32>
    %mul3A_62 = arith.mulf %gather3A_59, %mul3A_61 : vector<16xf32>
    %mul3A_63 = arith.mulf %mul3A_55, %mul3A_55 : vector<16xf32>
    %mul3A_64 = arith.mulf %mul3A_62, %mul3A_62 : vector<16xf32>
    %add3A_65 = arith.addf %mul3A_63, %mul3A_64 : vector<16xf32>
    %mul3A_66 = arith.constant 1.210000e+00 : f32
    %mul3A_67 = vector.broadcast %mul3A_66 : f32 to vector<16xf32>
    %mul3A_68 = arith.mulf %add3A_65, %mul3A_67 : vector<16xf32>
    %broadcast_in_dim3A_69 = vector.broadcast %add3A_40 : i32 to vector<16xi32>
    %broadcast_in_dim3A_70 = arith.constant 7 : i32
    %broadcast_in_dim3A_71 = vector.broadcast %broadcast_in_dim3A_70 : i32 to vector<16xi32>
    %gather3A_72 = tpu.vector_load_idx %arg6[%broadcast_in_dim3A_69, %broadcast_in_dim3A_71] : memref<128x9xf32, #tpu.memory_space<vmem>>[vector<16xi32>, vector<16xi32>], vector<16xf32>,
    %broadcast_in_dim3A_73 = vector.broadcast %add3A_40 : i32 to vector<16xi32>
    %broadcast_in_dim3A_74 = arith.constant 8 : i32
    %broadcast_in_dim3A_75 = vector.broadcast %broadcast_in_dim3A_74 : i32 to vector<16xi32>
    %gather3A_76 = tpu.vector_load_idx %arg6[%broadcast_in_dim3A_73, %broadcast_in_dim3A_75] : memref<128x9xf32, #tpu.memory_space<vmem>>[vector<16xi32>, vector<16xi32>], vector<16xf32>,
    %add3A_77 = arith.constant 2 : i32
    %add3A_78 = arith.addi %mul3A_2, %add3A_77 : i32
    %broadcast_in_dim3A_79 = vector.broadcast %add3A_78 : i32 to vector<16xi32>
    %broadcast_in_dim3A_80 = arith.constant 0 : i32
    %broadcast_in_dim3A_81 = vector.broadcast %broadcast_in_dim3A_80 : i32 to vector<16xi32>
    %gather3A_82 = tpu.vector_load_idx %arg6[%broadcast_in_dim3A_79, %broadcast_in_dim3A_81] : memref<128x9xf32, #tpu.memory_space<vmem>>[vector<16xi32>, vector<16xi32>], vector<16xf32>,
    %broadcast_in_dim3A_83 = vector.broadcast %add3A_78 : i32 to vector<16xi32>
    %broadcast_in_dim3A_84 = arith.constant 1 : i32
    %broadcast_in_dim3A_85 = vector.broadcast %broadcast_in_dim3A_84 : i32 to vector<16xi32>
    %gather3A_86 = tpu.vector_load_idx %arg6[%broadcast_in_dim3A_83, %broadcast_in_dim3A_85] : memref<128x9xf32, #tpu.memory_space<vmem>>[vector<16xi32>, vector<16xi32>], vector<16xf32>,
    %broadcast_in_dim3A_87 = vector.broadcast %add3A_78 : i32 to vector<16xi32>
    %broadcast_in_dim3A_88 = arith.constant 3 : i32
    %broadcast_in_dim3A_89 = vector.broadcast %broadcast_in_dim3A_88 : i32 to vector<16xi32>
    %gather3A_90 = tpu.vector_load_idx %arg6[%broadcast_in_dim3A_87, %broadcast_in_dim3A_89] : memref<128x9xf32, #tpu.memory_space<vmem>>[vector<16xi32>, vector<16xi32>], vector<16xf32>,
    %mul3A_91 = arith.constant 5.000000e-01 : f32
    %mul3A_92 = vector.broadcast %mul3A_91 : f32 to vector<16xf32>
    %mul3A_93 = arith.mulf %gather3A_90, %mul3A_92 : vector<16xf32>
    %broadcast_in_dim3A_94 = vector.broadcast %add3A_78 : i32 to vector<16xi32>
    %broadcast_in_dim3A_95 = arith.constant 4 : i32
    %broadcast_in_dim3A_96 = vector.broadcast %broadcast_in_dim3A_95 : i32 to vector<16xi32>
    %gather3A_97 = tpu.vector_load_idx %arg6[%broadcast_in_dim3A_94, %broadcast_in_dim3A_96] : memref<128x9xf32, #tpu.memory_space<vmem>>[vector<16xi32>, vector<16xi32>], vector<16xf32>,
    %mul3A_98 = arith.constant 5.000000e-01 : f32
    %mul3A_99 = vector.broadcast %mul3A_98 : f32 to vector<16xf32>
    %mul3A_100 = arith.mulf %gather3A_97, %mul3A_99 : vector<16xf32>
    %mul3A_101 = arith.mulf %mul3A_93, %mul3A_93 : vector<16xf32>
    %mul3A_102 = arith.mulf %mul3A_100, %mul3A_100 : vector<16xf32>
    %add3A_103 = arith.addf %mul3A_101, %mul3A_102 : vector<16xf32>
    %mul3A_104 = arith.constant 1.210000e+00 : f32
    %mul3A_105 = vector.broadcast %mul3A_104 : f32 to vector<16xf32>
    %mul3A_106 = arith.mulf %add3A_103, %mul3A_105 : vector<16xf32>
    %broadcast_in_dim3A_107 = vector.broadcast %add3A_78 : i32 to vector<16xi32>
    %broadcast_in_dim3A_108 = arith.constant 7 : i32
    %broadcast_in_dim3A_109 = vector.broadcast %broadcast_in_dim3A_108 : i32 to vector<16xi32>
    %gather3A_110 = tpu.vector_load_idx %arg6[%broadcast_in_dim3A_107, %broadcast_in_dim3A_109] : memref<128x9xf32, #tpu.memory_space<vmem>>[vector<16xi32>, vector<16xi32>], vector<16xf32>,
    %broadcast_in_dim3A_111 = vector.broadcast %add3A_78 : i32 to vector<16xi32>
    %broadcast_in_dim3A_112 = arith.constant 8 : i32
    %broadcast_in_dim3A_113 = vector.broadcast %broadcast_in_dim3A_112 : i32 to vector<16xi32>
    %gather3A_114 = tpu.vector_load_idx %arg6[%broadcast_in_dim3A_111, %broadcast_in_dim3A_113] : memref<128x9xf32, #tpu.memory_space<vmem>>[vector<16xi32>, vector<16xi32>], vector<16xf32>,
    %add3A_115 = arith.constant 3 : i32
    %add3A_116 = arith.addi %mul3A_2, %add3A_115 : i32
    %broadcast_in_dim3A_117 = vector.broadcast %add3A_116 : i32 to vector<16xi32>
    %broadcast_in_dim3A_118 = arith.constant 0 : i32
    %broadcast_in_dim3A_119 = vector.broadcast %broadcast_in_dim3A_118 : i32 to vector<16xi32>
    %gather3A_120 = tpu.vector_load_idx %arg6[%broadcast_in_dim3A_117, %broadcast_in_dim3A_119] : memref<128x9xf32, #tpu.memory_space<vmem>>[vector<16xi32>, vector<16xi32>], vector<16xf32>,
    %broadcast_in_dim3A_121 = vector.broadcast %add3A_116 : i32 to vector<16xi32>
    %broadcast_in_dim3A_122 = arith.constant 1 : i32
    %broadcast_in_dim3A_123 = vector.broadcast %broadcast_in_dim3A_122 : i32 to vector<16xi32>
    %gather3A_124 = tpu.vector_load_idx %arg6[%broadcast_in_dim3A_121, %broadcast_in_dim3A_123] : memref<128x9xf32, #tpu.memory_space<vmem>>[vector<16xi32>, vector<16xi32>], vector<16xf32>,
    %broadcast_in_dim3A_125 = vector.broadcast %add3A_116 : i32 to vector<16xi32>
    %broadcast_in_dim3A_126 = arith.constant 3 : i32
    %broadcast_in_dim3A_127 = vector.broadcast %broadcast_in_dim3A_126 : i32 to vector<16xi32>
    %gather3A_128 = tpu.vector_load_idx %arg6[%broadcast_in_dim3A_125, %broadcast_in_dim3A_127] : memref<128x9xf32, #tpu.memory_space<vmem>>[vector<16xi32>, vector<16xi32>], vector<16xf32>,
    %mul3A_129 = arith.constant 5.000000e-01 : f32
    %mul3A_130 = vector.broadcast %mul3A_129 : f32 to vector<16xf32>
    %mul3A_131 = arith.mulf %gather3A_128, %mul3A_130 : vector<16xf32>
    %broadcast_in_dim3A_132 = vector.broadcast %add3A_116 : i32 to vector<16xi32>
    %broadcast_in_dim3A_133 = arith.constant 4 : i32
    %broadcast_in_dim3A_134 = vector.broadcast %broadcast_in_dim3A_133 : i32 to vector<16xi32>
    %gather3A_135 = tpu.vector_load_idx %arg6[%broadcast_in_dim3A_132, %broadcast_in_dim3A_134] : memref<128x9xf32, #tpu.memory_space<vmem>>[vector<16xi32>, vector<16xi32>], vector<16xf32>,
    %mul3A_136 = arith.constant 5.000000e-01 : f32
    %mul3A_137 = vector.broadcast %mul3A_136 : f32 to vector<16xf32>
    %mul3A_138 = arith.mulf %gather3A_135, %mul3A_137 : vector<16xf32>
    %mul3A_139 = arith.mulf %mul3A_131, %mul3A_131 : vector<16xf32>
    %mul3A_140 = arith.mulf %mul3A_138, %mul3A_138 : vector<16xf32>
    %add3A_141 = arith.addf %mul3A_139, %mul3A_140 : vector<16xf32>
    %mul3A_142 = arith.constant 1.210000e+00 : f32
    %mul3A_143 = vector.broadcast %mul3A_142 : f32 to vector<16xf32>
    %mul3A_144 = arith.mulf %add3A_141, %mul3A_143 : vector<16xf32>
    %broadcast_in_dim3A_145 = vector.broadcast %add3A_116 : i32 to vector<16xi32>
    %broadcast_in_dim3A_146 = arith.constant 7 : i32
    %broadcast_in_dim3A_147 = vector.broadcast %broadcast_in_dim3A_146 : i32 to vector<16xi32>
    %gather3A_148 = tpu.vector_load_idx %arg6[%broadcast_in_dim3A_145, %broadcast_in_dim3A_147] : memref<128x9xf32, #tpu.memory_space<vmem>>[vector<16xi32>, vector<16xi32>], vector<16xf32>,
    %broadcast_in_dim3A_149 = vector.broadcast %add3A_116 : i32 to vector<16xi32>
    %broadcast_in_dim3A_150 = arith.constant 8 : i32
    %broadcast_in_dim3A_151 = vector.broadcast %broadcast_in_dim3A_150 : i32 to vector<16xi32>
    %gather3A_152 = tpu.vector_load_idx %arg6[%broadcast_in_dim3A_149, %broadcast_in_dim3A_151] : memref<128x9xf32, #tpu.memory_space<vmem>>[vector<16xi32>, vector<16xi32>], vector<16xf32>,
    %broadcast_in_dim3A_153 = arith.constant 32 : i32
    %broadcast_in_dim3A_154 = vector.broadcast %broadcast_in_dim3A_153 : i32 to vector<16xi32>
    %broadcast_in_dim3A_155 = arith.constant 0 : i32
    %broadcast_in_dim3A_156 = vector.broadcast %broadcast_in_dim3A_155 : i32 to vector<16xi32>
    %while3A = arith.constant 0 : i32
    %while3A_157 = arith.constant 0 : i32
    %while3A_158:6 = scf.while (%while3A_1127 = %while3A, %while3A_1128 = %while3A_157, %while3A_1129 = %broadcast_in_dim3A_156, %while3A_1130 = %broadcast_in_dim3A_156, %while3A_1131 = %broadcast_in_dim3A_156, %while3A_1132 = %broadcast_in_dim3A_156) : (i32, i32, vector<16xi32>, vector<16xi32>, vector<16xi32>, vector<16xi32>) -> (i32, i32, vector<16xi32>, vector<16xi32>, vector<16xi32>, vector<16xi32>) {
      %lt3A_1133 = arith.constant 25 : i32
      %lt3A_1134 = arith.cmpi slt, %while3A_1127, %lt3A_1133 : i32
      %min3A_1135 = arith.minsi %while3A_1129, %while3A_1130 : vector<16xi32>
      %min3A_1136 = arith.minsi %while3A_1131, %while3A_1132 : vector<16xi32>
      %min3A_1137 = arith.minsi %min3A_1135, %min3A_1136 : vector<16xi32>
      %slice3A_1138 = vector.extract_strided_slice %min3A_1137 {offsets = [0], sizes = [1], strides = [1]} : vector<16xi32> to vector<1xi32>
      %squeeze3A_1139 = vector.extract %slice3A_1138[0] : i32 from vector<1xi32>
      %lt3A_1140 = arith.constant 32 : i32
      %lt3A_1141 = arith.cmpi slt, %squeeze3A_1139, %lt3A_1140 : i32
      %and3A_1142 = arith.andi %lt3A_1134, %lt3A_1141 : i1
      scf.condition(%and3A_1142) %while3A_1127, %while3A_1128, %while3A_1129, %while3A_1130, %while3A_1131, %while3A_1132 : i32, i32, vector<16xi32>, vector<16xi32>, vector<16xi32>, vector<16xi32>
    } do {
    ^bb0(%while3A_1127: i32, %while3A_1128: i32, %while3A_1129: vector<16xi32>, %while3A_1130: vector<16xi32>, %while3A_1131: vector<16xi32>, %while3A_1132: vector<16xi32>):
      %mul3A_1133 = arith.constant 2500 : i32
      %mul3A_1134 = arith.muli %while3A_1127, %mul3A_1133 : i32
      %multiple_of3A = tpu.assume_multiple %mul3A_1134, 4 : i32
      "tpu.region"() ({
        %run_scoped3A = tpu.sem_alloc : memref<!tpu.dma_semaphore, #tpu.memory_space<semaphore_mem>>
        %dma_start3A_1139 = arith.constant 0 : i32
        %dma_start3A_1140 = tpu.memref_slice %arg2[%multiple_of3A, %dma_start3A_1139] : memref<62500x8xf32, #tpu.memory_space<hbm>> -> memref<2500x8xf32, #tpu.memory_space<hbm>>
        %dma_start3A_1141 = arith.constant 0 : i32
        %dma_start3A_1142 = tpu.memref_slice %arg2[%multiple_of3A, %dma_start3A_1141] : memref<62500x8xf32, #tpu.memory_space<hbm>> -> memref<2500x8xf32, #tpu.memory_space<hbm>>
        tpu.enqueue_dma source(%dma_start3A_1142 : memref<2500x8xf32, #tpu.memory_space<hbm>>) target(%arg5 : memref<2500x8xf32, #tpu.memory_space<vmem>>) target_semaphore(%run_scoped3A : memref<!tpu.dma_semaphore, #tpu.memory_space<semaphore_mem>>)
        %dma_wait3A_1143 = arith.constant 0 : i32
        %dma_wait3A_1144 = tpu.memref_slice %arg2[%multiple_of3A, %dma_wait3A_1143] : memref<62500x8xf32, #tpu.memory_space<hbm>> -> memref<2500x8xf32, #tpu.memory_space<hbm>>
        %dma_wait3A_1145 = arith.constant 0 : i32
        %dma_wait3A_1146 = tpu.memref_slice %arg2[%multiple_of3A, %dma_wait3A_1145] : memref<62500x8xf32, #tpu.memory_space<hbm>> -> memref<2500x8xf32, #tpu.memory_space<hbm>>
        tpu.wait_dma2 semaphore(%run_scoped3A : memref<!tpu.dma_semaphore, #tpu.memory_space<semaphore_mem>>) src(%dma_wait3A_1146 : memref<2500x8xf32, #tpu.memory_space<hbm>>) dst(%arg5 : memref<2500x8xf32, #tpu.memory_space<vmem>>)
        tpu.yield
      }) : () -> ()
      %while3A_1135 = arith.constant 0 : i32
      %while3A_1136:6 = scf.while (%while3A_1139 = %while3A_1127, %while3A_1140 = %while3A_1135, %while3A_1141 = %while3A_1129, %while3A_1142 = %while3A_1130, %while3A_1143 = %while3A_1131, %while3A_1144 = %while3A_1132) : (i32, i32, vector<16xi32>, vector<16xi32>, vector<16xi32>, vector<16xi32>) -> (i32, i32, vector<16xi32>, vector<16xi32>, vector<16xi32>, vector<16xi32>) {
        %lt3A_1145 = arith.constant 25 : i32
        %lt3A_1146 = arith.cmpi slt, %while3A_1140, %lt3A_1145 : i32
        %min3A_1147 = arith.minsi %while3A_1141, %while3A_1142 : vector<16xi32>
        %min3A_1148 = arith.minsi %while3A_1143, %while3A_1144 : vector<16xi32>
        %min3A_1149 = arith.minsi %min3A_1147, %min3A_1148 : vector<16xi32>
        %slice3A_1150 = vector.extract_strided_slice %min3A_1149 {offsets = [0], sizes = [1], strides = [1]} : vector<16xi32> to vector<1xi32>
        %squeeze3A_1151 = vector.extract %slice3A_1150[0] : i32 from vector<1xi32>
        %lt3A_1152 = arith.constant 32 : i32
        %lt3A_1153 = arith.cmpi slt, %squeeze3A_1151, %lt3A_1152 : i32
        %and3A_1154 = arith.andi %lt3A_1146, %lt3A_1153 : i1
        scf.condition(%and3A_1154) %while3A_1139, %while3A_1140, %while3A_1141, %while3A_1142, %while3A_1143, %while3A_1144 : i32, i32, vector<16xi32>, vector<16xi32>, vector<16xi32>, vector<16xi32>
      } do {
      ^bb0(%while3A_1139: i32, %while3A_1140: i32, %while3A_1141: vector<16xi32>, %while3A_1142: vector<16xi32>, %while3A_1143: vector<16xi32>, %while3A_1144: vector<16xi32>):
        %mul3A_1145 = arith.constant 4000 : i32
        %mul3A_1146 = arith.muli %while3A_1127, %mul3A_1145 : i32
        %mul3A_1147 = arith.constant 160 : i32
        %mul3A_1148 = arith.muli %while3A_1140, %mul3A_1147 : i32
        %add3A_1149 = arith.addi %mul3A_1146, %mul3A_1148 : i32
        %add3A_1150 = vector.broadcast %add3A_1149 : i32 to vector<16xi32>
        %add3A_1151 = arith.addi %add3A_1150, %iota3A : vector<16xi32>
        %convert_element_type3A_1152 = arith.sitofp %add3A_1151 : vector<16xi32> to vector<16xf32>
        %broadcast_in_dim3A_1153 = arith.constant 7 : i32
        %broadcast_in_dim3A_1154 = vector.broadcast %broadcast_in_dim3A_1153 : i32 to vector<16xi32>
        %mul3A_1155 = arith.constant 160 : i32
        %mul3A_1156 = arith.muli %while3A_1140, %mul3A_1155 : i32
        %add3A_1157 = arith.constant 0 : i32
        %add3A_1158 = arith.addi %mul3A_1156, %add3A_1157 : i32
        %add3A_1159 = vector.broadcast %add3A_1158 : i32 to vector<16xi32>
        %add3A_1160 = arith.addi %add3A_1159, %iota3A : vector<16xi32>
        %mul3A_1161 = arith.constant 5 : i32
        %mul3A_1162 = vector.broadcast %mul3A_1161 : i32 to vector<16xi32>
        %mul3A_1163 = arith.muli %add3A_1160, %mul3A_1162 : vector<16xi32>
        %add3A_1164 = arith.constant 1 : i32
        %add3A_1165 = vector.broadcast %add3A_1164 : i32 to vector<16xi32>
        %add3A_1166 = arith.addi %mul3A_1163, %add3A_1165 : vector<16xi32>
        %shift_right_arithmetic3A_1167 = arith.constant 3 : i32
        %shift_right_arithmetic3A_1168 = vector.broadcast %shift_right_arithmetic3A_1167 : i32 to vector<16xi32>
        %shift_right_arithmetic3A_1169 = arith.shrsi %mul3A_1163, %shift_right_arithmetic3A_1168 : vector<16xi32>
        %and3A_1170 = arith.andi %mul3A_1163, %broadcast_in_dim3A_1154 : vector<16xi32>
        %gather3A_1171 = tpu.vector_load_idx %arg5[%shift_right_arithmetic3A_1169, %and3A_1170] : memref<2500x8xf32, #tpu.memory_space<vmem>>[vector<16xi32>, vector<16xi32>], vector<16xf32>,
        %shift_right_arithmetic3A_1172 = arith.constant 3 : i32
        %shift_right_arithmetic3A_1173 = vector.broadcast %shift_right_arithmetic3A_1172 : i32 to vector<16xi32>
        %shift_right_arithmetic3A_1174 = arith.shrsi %add3A_1166, %shift_right_arithmetic3A_1173 : vector<16xi32>
        %and3A_1175 = arith.andi %add3A_1166, %broadcast_in_dim3A_1154 : vector<16xi32>
        %gather3A_1176 = tpu.vector_load_idx %arg5[%shift_right_arithmetic3A_1174, %and3A_1175] : memref<2500x8xf32, #tpu.memory_space<vmem>>[vector<16xi32>, vector<16xi32>], vector<16xf32>,
        %mul3A_1177 = arith.constant 160 : i32
        %mul3A_1178 = arith.muli %while3A_1140, %mul3A_1177 : i32
        %add3A_1179 = arith.constant 16 : i32
        %add3A_1180 = arith.addi %mul3A_1178, %add3A_1179 : i32
        %add3A_1181 = vector.broadcast %add3A_1180 : i32 to vector<16xi32>
        %add3A_1182 = arith.addi %add3A_1181, %iota3A : vector<16xi32>
        %mul3A_1183 = arith.constant 5 : i32
        %mul3A_1184 = vector.broadcast %mul3A_1183 : i32 to vector<16xi32>
        %mul3A_1185 = arith.muli %add3A_1182, %mul3A_1184 : vector<16xi32>
        %add3A_1186 = arith.constant 1 : i32
        %add3A_1187 = vector.broadcast %add3A_1186 : i32 to vector<16xi32>
        %add3A_1188 = arith.addi %mul3A_1185, %add3A_1187 : vector<16xi32>
        %shift_right_arithmetic3A_1189 = arith.constant 3 : i32
        %shift_right_arithmetic3A_1190 = vector.broadcast %shift_right_arithmetic3A_1189 : i32 to vector<16xi32>
        %shift_right_arithmetic3A_1191 = arith.shrsi %mul3A_1185, %shift_right_arithmetic3A_1190 : vector<16xi32>
        %and3A_1192 = arith.andi %mul3A_1185, %broadcast_in_dim3A_1154 : vector<16xi32>
        %gather3A_1193 = tpu.vector_load_idx %arg5[%shift_right_arithmetic3A_1191, %and3A_1192] : memref<2500x8xf32, #tpu.memory_space<vmem>>[vector<16xi32>, vector<16xi32>], vector<16xf32>,
        %shift_right_arithmetic3A_1194 = arith.constant 3 : i32
        %shift_right_arithmetic3A_1195 = vector.broadcast %shift_right_arithmetic3A_1194 : i32 to vector<16xi32>
        %shift_right_arithmetic3A_1196 = arith.shrsi %add3A_1188, %shift_right_arithmetic3A_1195 : vector<16xi32>
        %and3A_1197 = arith.andi %add3A_1188, %broadcast_in_dim3A_1154 : vector<16xi32>
        %gather3A_1198 = tpu.vector_load_idx %arg5[%shift_right_arithmetic3A_1196, %and3A_1197] : memref<2500x8xf32, #tpu.memory_space<vmem>>[vector<16xi32>, vector<16xi32>], vector<16xf32>,
        %mul3A_1199 = arith.constant 160 : i32
        %mul3A_1200 = arith.muli %while3A_1140, %mul3A_1199 : i32
        %add3A_1201 = arith.constant 32 : i32
        %add3A_1202 = arith.addi %mul3A_1200, %add3A_1201 : i32
        %add3A_1203 = vector.broadcast %add3A_1202 : i32 to vector<16xi32>
        %add3A_1204 = arith.addi %add3A_1203, %iota3A : vector<16xi32>
        %mul3A_1205 = arith.constant 5 : i32
        %mul3A_1206 = vector.broadcast %mul3A_1205 : i32 to vector<16xi32>
        %mul3A_1207 = arith.muli %add3A_1204, %mul3A_1206 : vector<16xi32>
        %add3A_1208 = arith.constant 1 : i32
        %add3A_1209 = vector.broadcast %add3A_1208 : i32 to vector<16xi32>
        %add3A_1210 = arith.addi %mul3A_1207, %add3A_1209 : vector<16xi32>
        %shift_right_arithmetic3A_1211 = arith.constant 3 : i32
        %shift_right_arithmetic3A_1212 = vector.broadcast %shift_right_arithmetic3A_1211 : i32 to vector<16xi32>
        %shift_right_arithmetic3A_1213 = arith.shrsi %mul3A_1207, %shift_right_arithmetic3A_1212 : vector<16xi32>
        %and3A_1214 = arith.andi %mul3A_1207, %broadcast_in_dim3A_1154 : vector<16xi32>
        %gather3A_1215 = tpu.vector_load_idx %arg5[%shift_right_arithmetic3A_1213, %and3A_1214] : memref<2500x8xf32, #tpu.memory_space<vmem>>[vector<16xi32>, vector<16xi32>], vector<16xf32>,
        %shift_right_arithmetic3A_1216 = arith.constant 3 : i32
        %shift_right_arithmetic3A_1217 = vector.broadcast %shift_right_arithmetic3A_1216 : i32 to vector<16xi32>
        %shift_right_arithmetic3A_1218 = arith.shrsi %add3A_1210, %shift_right_arithmetic3A_1217 : vector<16xi32>
        %and3A_1219 = arith.andi %add3A_1210, %broadcast_in_dim3A_1154 : vector<16xi32>
        %gather3A_1220 = tpu.vector_load_idx %arg5[%shift_right_arithmetic3A_1218, %and3A_1219] : memref<2500x8xf32, #tpu.memory_space<vmem>>[vector<16xi32>, vector<16xi32>], vector<16xf32>,
        %mul3A_1221 = arith.constant 160 : i32
        %mul3A_1222 = arith.muli %while3A_1140, %mul3A_1221 : i32
        %add3A_1223 = arith.constant 48 : i32
        %add3A_1224 = arith.addi %mul3A_1222, %add3A_1223 : i32
        %add3A_1225 = vector.broadcast %add3A_1224 : i32 to vector<16xi32>
        %add3A_1226 = arith.addi %add3A_1225, %iota3A : vector<16xi32>
        %mul3A_1227 = arith.constant 5 : i32
        %mul3A_1228 = vector.broadcast %mul3A_1227 : i32 to vector<16xi32>
        %mul3A_1229 = arith.muli %add3A_1226, %mul3A_1228 : vector<16xi32>
        %add3A_1230 = arith.constant 1 : i32
        %add3A_1231 = vector.broadcast %add3A_1230 : i32 to vector<16xi32>
        %add3A_1232 = arith.addi %mul3A_1229, %add3A_1231 : vector<16xi32>
        %shift_right_arithmetic3A_1233 = arith.constant 3 : i32
        %shift_right_arithmetic3A_1234 = vector.broadcast %shift_right_arithmetic3A_1233 : i32 to vector<16xi32>
        %shift_right_arithmetic3A_1235 = arith.shrsi %mul3A_1229, %shift_right_arithmetic3A_1234 : vector<16xi32>
        %and3A_1236 = arith.andi %mul3A_1229, %broadcast_in_dim3A_1154 : vector<16xi32>
        %gather3A_1237 = tpu.vector_load_idx %arg5[%shift_right_arithmetic3A_1235, %and3A_1236] : memref<2500x8xf32, #tpu.memory_space<vmem>>[vector<16xi32>, vector<16xi32>], vector<16xf32>,
        %shift_right_arithmetic3A_1238 = arith.constant 3 : i32
        %shift_right_arithmetic3A_1239 = vector.broadcast %shift_right_arithmetic3A_1238 : i32 to vector<16xi32>
        %shift_right_arithmetic3A_1240 = arith.shrsi %add3A_1232, %shift_right_arithmetic3A_1239 : vector<16xi32>
        %and3A_1241 = arith.andi %add3A_1232, %broadcast_in_dim3A_1154 : vector<16xi32>
        %gather3A_1242 = tpu.vector_load_idx %arg5[%shift_right_arithmetic3A_1240, %and3A_1241] : memref<2500x8xf32, #tpu.memory_space<vmem>>[vector<16xi32>, vector<16xi32>], vector<16xf32>,
        %mul3A_1243 = arith.constant 160 : i32
        %mul3A_1244 = arith.muli %while3A_1140, %mul3A_1243 : i32
        %add3A_1245 = arith.constant 64 : i32
        %add3A_1246 = arith.addi %mul3A_1244, %add3A_1245 : i32
        %add3A_1247 = vector.broadcast %add3A_1246 : i32 to vector<16xi32>
        %add3A_1248 = arith.addi %add3A_1247, %iota3A : vector<16xi32>
        %mul3A_1249 = arith.constant 5 : i32
        %mul3A_1250 = vector.broadcast %mul3A_1249 : i32 to vector<16xi32>
        %mul3A_1251 = arith.muli %add3A_1248, %mul3A_1250 : vector<16xi32>
        %add3A_1252 = arith.constant 1 : i32
        %add3A_1253 = vector.broadcast %add3A_1252 : i32 to vector<16xi32>
        %add3A_1254 = arith.addi %mul3A_1251, %add3A_1253 : vector<16xi32>
        %shift_right_arithmetic3A_1255 = arith.constant 3 : i32
        %shift_right_arithmetic3A_1256 = vector.broadcast %shift_right_arithmetic3A_1255 : i32 to vector<16xi32>
        %shift_right_arithmetic3A_1257 = arith.shrsi %mul3A_1251, %shift_right_arithmetic3A_1256 : vector<16xi32>
        %and3A_1258 = arith.andi %mul3A_1251, %broadcast_in_dim3A_1154 : vector<16xi32>
        %gather3A_1259 = tpu.vector_load_idx %arg5[%shift_right_arithmetic3A_1257, %and3A_1258] : memref<2500x8xf32, #tpu.memory_space<vmem>>[vector<16xi32>, vector<16xi32>], vector<16xf32>,
        %shift_right_arithmetic3A_1260 = arith.constant 3 : i32
        %shift_right_arithmetic3A_1261 = vector.broadcast %shift_right_arithmetic3A_1260 : i32 to vector<16xi32>
        %shift_right_arithmetic3A_1262 = arith.shrsi %add3A_1254, %shift_right_arithmetic3A_1261 : vector<16xi32>
        %and3A_1263 = arith.andi %add3A_1254, %broadcast_in_dim3A_1154 : vector<16xi32>
        %gather3A_1264 = tpu.vector_load_idx %arg5[%shift_right_arithmetic3A_1262, %and3A_1263] : memref<2500x8xf32, #tpu.memory_space<vmem>>[vector<16xi32>, vector<16xi32>], vector<16xf32>,
        %mul3A_1265 = arith.constant 160 : i32
        %mul3A_1266 = arith.muli %while3A_1140, %mul3A_1265 : i32
        %add3A_1267 = arith.constant 80 : i32
        %add3A_1268 = arith.addi %mul3A_1266, %add3A_1267 : i32
        %add3A_1269 = vector.broadcast %add3A_1268 : i32 to vector<16xi32>
        %add3A_1270 = arith.addi %add3A_1269, %iota3A : vector<16xi32>
        %mul3A_1271 = arith.constant 5 : i32
        %mul3A_1272 = vector.broadcast %mul3A_1271 : i32 to vector<16xi32>
        %mul3A_1273 = arith.muli %add3A_1270, %mul3A_1272 : vector<16xi32>
        %add3A_1274 = arith.constant 1 : i32
        %add3A_1275 = vector.broadcast %add3A_1274 : i32 to vector<16xi32>
        %add3A_1276 = arith.addi %mul3A_1273, %add3A_1275 : vector<16xi32>
        %shift_right_arithmetic3A_1277 = arith.constant 3 : i32
        %shift_right_arithmetic3A_1278 = vector.broadcast %shift_right_arithmetic3A_1277 : i32 to vector<16xi32>
        %shift_right_arithmetic3A_1279 = arith.shrsi %mul3A_1273, %shift_right_arithmetic3A_1278 : vector<16xi32>
        %and3A_1280 = arith.andi %mul3A_1273, %broadcast_in_dim3A_1154 : vector<16xi32>
        %gather3A_1281 = tpu.vector_load_idx %arg5[%shift_right_arithmetic3A_1279, %and3A_1280] : memref<2500x8xf32, #tpu.memory_space<vmem>>[vector<16xi32>, vector<16xi32>], vector<16xf32>,
        %shift_right_arithmetic3A_1282 = arith.constant 3 : i32
        %shift_right_arithmetic3A_1283 = vector.broadcast %shift_right_arithmetic3A_1282 : i32 to vector<16xi32>
        %shift_right_arithmetic3A_1284 = arith.shrsi %add3A_1276, %shift_right_arithmetic3A_1283 : vector<16xi32>
        %and3A_1285 = arith.andi %add3A_1276, %broadcast_in_dim3A_1154 : vector<16xi32>
        %gather3A_1286 = tpu.vector_load_idx %arg5[%shift_right_arithmetic3A_1284, %and3A_1285] : memref<2500x8xf32, #tpu.memory_space<vmem>>[vector<16xi32>, vector<16xi32>], vector<16xf32>,
        %mul3A_1287 = arith.constant 160 : i32
        %mul3A_1288 = arith.muli %while3A_1140, %mul3A_1287 : i32
        %add3A_1289 = arith.constant 96 : i32
        %add3A_1290 = arith.addi %mul3A_1288, %add3A_1289 : i32
        %add3A_1291 = vector.broadcast %add3A_1290 : i32 to vector<16xi32>
        %add3A_1292 = arith.addi %add3A_1291, %iota3A : vector<16xi32>
        %mul3A_1293 = arith.constant 5 : i32
        %mul3A_1294 = vector.broadcast %mul3A_1293 : i32 to vector<16xi32>
        %mul3A_1295 = arith.muli %add3A_1292, %mul3A_1294 : vector<16xi32>
        %add3A_1296 = arith.constant 1 : i32
        %add3A_1297 = vector.broadcast %add3A_1296 : i32 to vector<16xi32>
        %add3A_1298 = arith.addi %mul3A_1295, %add3A_1297 : vector<16xi32>
        %shift_right_arithmetic3A_1299 = arith.constant 3 : i32
        %shift_right_arithmetic3A_1300 = vector.broadcast %shift_right_arithmetic3A_1299 : i32 to vector<16xi32>
        %shift_right_arithmetic3A_1301 = arith.shrsi %mul3A_1295, %shift_right_arithmetic3A_1300 : vector<16xi32>
        %and3A_1302 = arith.andi %mul3A_1295, %broadcast_in_dim3A_1154 : vector<16xi32>
        %gather3A_1303 = tpu.vector_load_idx %arg5[%shift_right_arithmetic3A_1301, %and3A_1302] : memref<2500x8xf32, #tpu.memory_space<vmem>>[vector<16xi32>, vector<16xi32>], vector<16xf32>,
        %shift_right_arithmetic3A_1304 = arith.constant 3 : i32
        %shift_right_arithmetic3A_1305 = vector.broadcast %shift_right_arithmetic3A_1304 : i32 to vector<16xi32>
        %shift_right_arithmetic3A_1306 = arith.shrsi %add3A_1298, %shift_right_arithmetic3A_1305 : vector<16xi32>
        %and3A_1307 = arith.andi %add3A_1298, %broadcast_in_dim3A_1154 : vector<16xi32>
        %gather3A_1308 = tpu.vector_load_idx %arg5[%shift_right_arithmetic3A_1306, %and3A_1307] : memref<2500x8xf32, #tpu.memory_space<vmem>>[vector<16xi32>, vector<16xi32>], vector<16xf32>,
        %mul3A_1309 = arith.constant 160 : i32
        %mul3A_1310 = arith.muli %while3A_1140, %mul3A_1309 : i32
        %add3A_1311 = arith.constant 112 : i32
        %add3A_1312 = arith.addi %mul3A_1310, %add3A_1311 : i32
        %add3A_1313 = vector.broadcast %add3A_1312 : i32 to vector<16xi32>
        %add3A_1314 = arith.addi %add3A_1313, %iota3A : vector<16xi32>
        %mul3A_1315 = arith.constant 5 : i32
        %mul3A_1316 = vector.broadcast %mul3A_1315 : i32 to vector<16xi32>
        %mul3A_1317 = arith.muli %add3A_1314, %mul3A_1316 : vector<16xi32>
        %add3A_1318 = arith.constant 1 : i32
        %add3A_1319 = vector.broadcast %add3A_1318 : i32 to vector<16xi32>
        %add3A_1320 = arith.addi %mul3A_1317, %add3A_1319 : vector<16xi32>
        %shift_right_arithmetic3A_1321 = arith.constant 3 : i32
        %shift_right_arithmetic3A_1322 = vector.broadcast %shift_right_arithmetic3A_1321 : i32 to vector<16xi32>
        %shift_right_arithmetic3A_1323 = arith.shrsi %mul3A_1317, %shift_right_arithmetic3A_1322 : vector<16xi32>
        %and3A_1324 = arith.andi %mul3A_1317, %broadcast_in_dim3A_1154 : vector<16xi32>
        %gather3A_1325 = tpu.vector_load_idx %arg5[%shift_right_arithmetic3A_1323, %and3A_1324] : memref<2500x8xf32, #tpu.memory_space<vmem>>[vector<16xi32>, vector<16xi32>], vector<16xf32>,
        %shift_right_arithmetic3A_1326 = arith.constant 3 : i32
        %shift_right_arithmetic3A_1327 = vector.broadcast %shift_right_arithmetic3A_1326 : i32 to vector<16xi32>
        %shift_right_arithmetic3A_1328 = arith.shrsi %add3A_1320, %shift_right_arithmetic3A_1327 : vector<16xi32>
        %and3A_1329 = arith.andi %add3A_1320, %broadcast_in_dim3A_1154 : vector<16xi32>
        %gather3A_1330 = tpu.vector_load_idx %arg5[%shift_right_arithmetic3A_1328, %and3A_1329] : memref<2500x8xf32, #tpu.memory_space<vmem>>[vector<16xi32>, vector<16xi32>], vector<16xf32>,
        %mul3A_1331 = arith.constant 160 : i32
        %mul3A_1332 = arith.muli %while3A_1140, %mul3A_1331 : i32
        %add3A_1333 = arith.constant 128 : i32
        %add3A_1334 = arith.addi %mul3A_1332, %add3A_1333 : i32
        %add3A_1335 = vector.broadcast %add3A_1334 : i32 to vector<16xi32>
        %add3A_1336 = arith.addi %add3A_1335, %iota3A : vector<16xi32>
        %mul3A_1337 = arith.constant 5 : i32
        %mul3A_1338 = vector.broadcast %mul3A_1337 : i32 to vector<16xi32>
        %mul3A_1339 = arith.muli %add3A_1336, %mul3A_1338 : vector<16xi32>
        %add3A_1340 = arith.constant 1 : i32
        %add3A_1341 = vector.broadcast %add3A_1340 : i32 to vector<16xi32>
        %add3A_1342 = arith.addi %mul3A_1339, %add3A_1341 : vector<16xi32>
        %shift_right_arithmetic3A_1343 = arith.constant 3 : i32
        %shift_right_arithmetic3A_1344 = vector.broadcast %shift_right_arithmetic3A_1343 : i32 to vector<16xi32>
        %shift_right_arithmetic3A_1345 = arith.shrsi %mul3A_1339, %shift_right_arithmetic3A_1344 : vector<16xi32>
        %and3A_1346 = arith.andi %mul3A_1339, %broadcast_in_dim3A_1154 : vector<16xi32>
        %gather3A_1347 = tpu.vector_load_idx %arg5[%shift_right_arithmetic3A_1345, %and3A_1346] : memref<2500x8xf32, #tpu.memory_space<vmem>>[vector<16xi32>, vector<16xi32>], vector<16xf32>,
        %shift_right_arithmetic3A_1348 = arith.constant 3 : i32
        %shift_right_arithmetic3A_1349 = vector.broadcast %shift_right_arithmetic3A_1348 : i32 to vector<16xi32>
        %shift_right_arithmetic3A_1350 = arith.shrsi %add3A_1342, %shift_right_arithmetic3A_1349 : vector<16xi32>
        %and3A_1351 = arith.andi %add3A_1342, %broadcast_in_dim3A_1154 : vector<16xi32>
        %gather3A_1352 = tpu.vector_load_idx %arg5[%shift_right_arithmetic3A_1350, %and3A_1351] : memref<2500x8xf32, #tpu.memory_space<vmem>>[vector<16xi32>, vector<16xi32>], vector<16xf32>,
        %mul3A_1353 = arith.constant 160 : i32
        %mul3A_1354 = arith.muli %while3A_1140, %mul3A_1353 : i32
        %add3A_1355 = arith.constant 144 : i32
        %add3A_1356 = arith.addi %mul3A_1354, %add3A_1355 : i32
        %add3A_1357 = vector.broadcast %add3A_1356 : i32 to vector<16xi32>
        %add3A_1358 = arith.addi %add3A_1357, %iota3A : vector<16xi32>
        %mul3A_1359 = arith.constant 5 : i32
        %mul3A_1360 = vector.broadcast %mul3A_1359 : i32 to vector<16xi32>
        %mul3A_1361 = arith.muli %add3A_1358, %mul3A_1360 : vector<16xi32>
        %add3A_1362 = arith.constant 1 : i32
        %add3A_1363 = vector.broadcast %add3A_1362 : i32 to vector<16xi32>
        %add3A_1364 = arith.addi %mul3A_1361, %add3A_1363 : vector<16xi32>
        %shift_right_arithmetic3A_1365 = arith.constant 3 : i32
        %shift_right_arithmetic3A_1366 = vector.broadcast %shift_right_arithmetic3A_1365 : i32 to vector<16xi32>
        %shift_right_arithmetic3A_1367 = arith.shrsi %mul3A_1361, %shift_right_arithmetic3A_1366 : vector<16xi32>
        %and3A_1368 = arith.andi %mul3A_1361, %broadcast_in_dim3A_1154 : vector<16xi32>
        %gather3A_1369 = tpu.vector_load_idx %arg5[%shift_right_arithmetic3A_1367, %and3A_1368] : memref<2500x8xf32, #tpu.memory_space<vmem>>[vector<16xi32>, vector<16xi32>], vector<16xf32>,
        %shift_right_arithmetic3A_1370 = arith.constant 3 : i32
        %shift_right_arithmetic3A_1371 = vector.broadcast %shift_right_arithmetic3A_1370 : i32 to vector<16xi32>
        %shift_right_arithmetic3A_1372 = arith.shrsi %add3A_1364, %shift_right_arithmetic3A_1371 : vector<16xi32>
        %and3A_1373 = arith.andi %add3A_1364, %broadcast_in_dim3A_1154 : vector<16xi32>
        %gather3A_1374 = tpu.vector_load_idx %arg5[%shift_right_arithmetic3A_1372, %and3A_1373] : memref<2500x8xf32, #tpu.memory_space<vmem>>[vector<16xi32>, vector<16xi32>], vector<16xf32>,
        %slice3A_1375 = vector.extract_strided_slice %while3A_1141 {offsets = [0], sizes = [1], strides = [1]} : vector<16xi32> to vector<1xi32>
        %squeeze3A_1376 = vector.extract %slice3A_1375[0] : i32 from vector<1xi32>
        %lt3A_1377 = arith.constant 32 : i32
        %lt3A_1378 = arith.cmpi slt, %squeeze3A_1376, %lt3A_1377 : i32
        %convert_element_type3A_1379 = arith.extui %lt3A_1378 : i1 to i32
        %cond3A = arith.constant 0 : i32
        %cond3A_1380 = arith.cmpi ne, %convert_element_type3A_1379, %cond3A : i32
        %cond3A_1381 = scf.if %cond3A_1380 -> (vector<16xi32>) {
          %sub3A = arith.subf %gather3A_1171, %gather3A : vector<16xf32>
          %sub3A_1408 = arith.subf %gather3A_1176, %gather3A_10 : vector<16xf32>
          %mul3A_1409 = arith.mulf %sub3A, %sub3A : vector<16xf32>
          %mul3A_1410 = arith.mulf %sub3A_1408, %sub3A_1408 : vector<16xf32>
          %add3A_1411 = arith.addf %mul3A_1409, %mul3A_1410 : vector<16xf32>
          %le3A = arith.cmpf ole, %add3A_1411, %mul3A_30 : vector<16xf32>
          %convert_element_type3A_1412 = arith.extui %le3A : vector<16xi1> to vector<16xi32>
          %broadcast_in_dim3A_1413 = arith.constant true
          %broadcast_in_dim3A_1414 = vector.broadcast %broadcast_in_dim3A_1413 : i1 to vector<16xi1>
          %masked_cumsum3A = tpu.scan <sum>, %convert_element_type3A_1412 masked %broadcast_in_dim3A_1414 : vector<16xi32>, vector<16xi1> -> vector<16xi32>
          %min3A_1415 = arith.minsi %while3A_1141, %broadcast_in_dim3A_154 : vector<16xi32>
          %add3A_1416 = arith.addi %min3A_1415, %masked_cumsum3A : vector<16xi32>
          %add3A_1417 = arith.constant -1 : i32
          %add3A_1418 = vector.broadcast %add3A_1417 : i32 to vector<16xi32>
          %add3A_1419 = arith.addi %add3A_1416, %add3A_1418 : vector<16xi32>
          %add3A_1420 = arith.constant 0.000000e+00 : f32
          %add3A_1421 = vector.broadcast %add3A_1420 : f32 to vector<16xf32>
          %add3A_1422 = arith.addf %convert_element_type3A_1152, %add3A_1421 : vector<16xf32>
          tpu.vector_store_idx %arg7[%add3A_1419], %add3A_1422 masked %le3A : memref<256xf32, #tpu.memory_space<vmem>>[vector<16xi32>], vector<16xf32>, vector<16xi1>
          %all_reduce_population_count3A = tpu.all_reduce %le3A {dim = 0 : i64, kind = #tpu.reduction_kind<sum>} : vector<16xi1> -> vector<16xi32>
          %add3A_1423 = arith.addi %while3A_1141, %all_reduce_population_count3A : vector<16xi32>
          %sub3A_1424 = arith.subf %gather3A_1193, %gather3A : vector<16xf32>
          %sub3A_1425 = arith.subf %gather3A_1198, %gather3A_10 : vector<16xf32>
          %mul3A_1426 = arith.mulf %sub3A_1424, %sub3A_1424 : vector<16xf32>
          %mul3A_1427 = arith.mulf %sub3A_1425, %sub3A_1425 : vector<16xf32>
          %add3A_1428 = arith.addf %mul3A_1426, %mul3A_1427 : vector<16xf32>
          %le3A_1429 = arith.cmpf ole, %add3A_1428, %mul3A_30 : vector<16xf32>
          %convert_element_type3A_1430 = arith.extui %le3A_1429 : vector<16xi1> to vector<16xi32>
          %broadcast_in_dim3A_1431 = arith.constant true
          %broadcast_in_dim3A_1432 = vector.broadcast %broadcast_in_dim3A_1431 : i1 to vector<16xi1>
          %masked_cumsum3A_1433 = tpu.scan <sum>, %convert_element_type3A_1430 masked %broadcast_in_dim3A_1432 : vector<16xi32>, vector<16xi1> -> vector<16xi32>
          %min3A_1434 = arith.minsi %add3A_1423, %broadcast_in_dim3A_154 : vector<16xi32>
          %add3A_1435 = arith.addi %min3A_1434, %masked_cumsum3A_1433 : vector<16xi32>
          %add3A_1436 = arith.constant -1 : i32
          %add3A_1437 = vector.broadcast %add3A_1436 : i32 to vector<16xi32>
          %add3A_1438 = arith.addi %add3A_1435, %add3A_1437 : vector<16xi32>
          %add3A_1439 = arith.constant 1.600000e+01 : f32
          %add3A_1440 = vector.broadcast %add3A_1439 : f32 to vector<16xf32>
          %add3A_1441 = arith.addf %convert_element_type3A_1152, %add3A_1440 : vector<16xf32>
          tpu.vector_store_idx %arg7[%add3A_1438], %add3A_1441 masked %le3A_1429 : memref<256xf32, #tpu.memory_space<vmem>>[vector<16xi32>], vector<16xf32>, vector<16xi1>
          %all_reduce_population_count3A_1442 = tpu.all_reduce %le3A_1429 {dim = 0 : i64, kind = #tpu.reduction_kind<sum>} : vector<16xi1> -> vector<16xi32>
          %add3A_1443 = arith.addi %add3A_1423, %all_reduce_population_count3A_1442 : vector<16xi32>
          %sub3A_1444 = arith.subf %gather3A_1215, %gather3A : vector<16xf32>
          %sub3A_1445 = arith.subf %gather3A_1220, %gather3A_10 : vector<16xf32>
          %mul3A_1446 = arith.mulf %sub3A_1444, %sub3A_1444 : vector<16xf32>
          %mul3A_1447 = arith.mulf %sub3A_1445, %sub3A_1445 : vector<16xf32>
          %add3A_1448 = arith.addf %mul3A_1446, %mul3A_1447 : vector<16xf32>
          %le3A_1449 = arith.cmpf ole, %add3A_1448, %mul3A_30 : vector<16xf32>
          %convert_element_type3A_1450 = arith.extui %le3A_1449 : vector<16xi1> to vector<16xi32>
          %broadcast_in_dim3A_1451 = arith.constant true
          %broadcast_in_dim3A_1452 = vector.broadcast %broadcast_in_dim3A_1451 : i1 to vector<16xi1>
          %masked_cumsum3A_1453 = tpu.scan <sum>, %convert_element_type3A_1450 masked %broadcast_in_dim3A_1452 : vector<16xi32>, vector<16xi1> -> vector<16xi32>
          %min3A_1454 = arith.minsi %add3A_1443, %broadcast_in_dim3A_154 : vector<16xi32>
          %add3A_1455 = arith.addi %min3A_1454, %masked_cumsum3A_1453 : vector<16xi32>
          %add3A_1456 = arith.constant -1 : i32
          %add3A_1457 = vector.broadcast %add3A_1456 : i32 to vector<16xi32>
          %add3A_1458 = arith.addi %add3A_1455, %add3A_1457 : vector<16xi32>
          %add3A_1459 = arith.constant 3.200000e+01 : f32
          %add3A_1460 = vector.broadcast %add3A_1459 : f32 to vector<16xf32>
          %add3A_1461 = arith.addf %convert_element_type3A_1152, %add3A_1460 : vector<16xf32>
          tpu.vector_store_idx %arg7[%add3A_1458], %add3A_1461 masked %le3A_1449 : memref<256xf32, #tpu.memory_space<vmem>>[vector<16xi32>], vector<16xf32>, vector<16xi1>
          %all_reduce_population_count3A_1462 = tpu.all_reduce %le3A_1449 {dim = 0 : i64, kind = #tpu.reduction_kind<sum>} : vector<16xi1> -> vector<16xi32>
          %add3A_1463 = arith.addi %add3A_1443, %all_reduce_population_count3A_1462 : vector<16xi32>
          %sub3A_1464 = arith.subf %gather3A_1237, %gather3A : vector<16xf32>
          %sub3A_1465 = arith.subf %gather3A_1242, %gather3A_10 : vector<16xf32>
          %mul3A_1466 = arith.mulf %sub3A_1464, %sub3A_1464 : vector<16xf32>
          %mul3A_1467 = arith.mulf %sub3A_1465, %sub3A_1465 : vector<16xf32>
          %add3A_1468 = arith.addf %mul3A_1466, %mul3A_1467 : vector<16xf32>
          %le3A_1469 = arith.cmpf ole, %add3A_1468, %mul3A_30 : vector<16xf32>
          %convert_element_type3A_1470 = arith.extui %le3A_1469 : vector<16xi1> to vector<16xi32>
          %broadcast_in_dim3A_1471 = arith.constant true
          %broadcast_in_dim3A_1472 = vector.broadcast %broadcast_in_dim3A_1471 : i1 to vector<16xi1>
          %masked_cumsum3A_1473 = tpu.scan <sum>, %convert_element_type3A_1470 masked %broadcast_in_dim3A_1472 : vector<16xi32>, vector<16xi1> -> vector<16xi32>
          %min3A_1474 = arith.minsi %add3A_1463, %broadcast_in_dim3A_154 : vector<16xi32>
          %add3A_1475 = arith.addi %min3A_1474, %masked_cumsum3A_1473 : vector<16xi32>
          %add3A_1476 = arith.constant -1 : i32
          %add3A_1477 = vector.broadcast %add3A_1476 : i32 to vector<16xi32>
          %add3A_1478 = arith.addi %add3A_1475, %add3A_1477 : vector<16xi32>
          %add3A_1479 = arith.constant 4.800000e+01 : f32
          %add3A_1480 = vector.broadcast %add3A_1479 : f32 to vector<16xf32>
          %add3A_1481 = arith.addf %convert_element_type3A_1152, %add3A_1480 : vector<16xf32>
          tpu.vector_store_idx %arg7[%add3A_1478], %add3A_1481 masked %le3A_1469 : memref<256xf32, #tpu.memory_space<vmem>>[vector<16xi32>], vector<16xf32>, vector<16xi1>
          %all_reduce_population_count3A_1482 = tpu.all_reduce %le3A_1469 {dim = 0 : i64, kind = #tpu.reduction_kind<sum>} : vector<16xi1> -> vector<16xi32>
          %add3A_1483 = arith.addi %add3A_1463, %all_reduce_population_count3A_1482 : vector<16xi32>
          %sub3A_1484 = arith.subf %gather3A_1259, %gather3A : vector<16xf32>
          %sub3A_1485 = arith.subf %gather3A_1264, %gather3A_10 : vector<16xf32>
          %mul3A_1486 = arith.mulf %sub3A_1484, %sub3A_1484 : vector<16xf32>
          %mul3A_1487 = arith.mulf %sub3A_1485, %sub3A_1485 : vector<16xf32>
          %add3A_1488 = arith.addf %mul3A_1486, %mul3A_1487 : vector<16xf32>
          %le3A_1489 = arith.cmpf ole, %add3A_1488, %mul3A_30 : vector<16xf32>
          %convert_element_type3A_1490 = arith.extui %le3A_1489 : vector<16xi1> to vector<16xi32>
          %broadcast_in_dim3A_1491 = arith.constant true
          %broadcast_in_dim3A_1492 = vector.broadcast %broadcast_in_dim3A_1491 : i1 to vector<16xi1>
          %masked_cumsum3A_1493 = tpu.scan <sum>, %convert_element_type3A_1490 masked %broadcast_in_dim3A_1492 : vector<16xi32>, vector<16xi1> -> vector<16xi32>
          %min3A_1494 = arith.minsi %add3A_1483, %broadcast_in_dim3A_154 : vector<16xi32>
          %add3A_1495 = arith.addi %min3A_1494, %masked_cumsum3A_1493 : vector<16xi32>
          %add3A_1496 = arith.constant -1 : i32
          %add3A_1497 = vector.broadcast %add3A_1496 : i32 to vector<16xi32>
          %add3A_1498 = arith.addi %add3A_1495, %add3A_1497 : vector<16xi32>
          %add3A_1499 = arith.constant 6.400000e+01 : f32
          %add3A_1500 = vector.broadcast %add3A_1499 : f32 to vector<16xf32>
          %add3A_1501 = arith.addf %convert_element_type3A_1152, %add3A_1500 : vector<16xf32>
          tpu.vector_store_idx %arg7[%add3A_1498], %add3A_1501 masked %le3A_1489 : memref<256xf32, #tpu.memory_space<vmem>>[vector<16xi32>], vector<16xf32>, vector<16xi1>
          %all_reduce_population_count3A_1502 = tpu.all_reduce %le3A_1489 {dim = 0 : i64, kind = #tpu.reduction_kind<sum>} : vector<16xi1> -> vector<16xi32>
          %add3A_1503 = arith.addi %add3A_1483, %all_reduce_population_count3A_1502 : vector<16xi32>
          %sub3A_1504 = arith.subf %gather3A_1281, %gather3A : vector<16xf32>
          %sub3A_1505 = arith.subf %gather3A_1286, %gather3A_10 : vector<16xf32>
          %mul3A_1506 = arith.mulf %sub3A_1504, %sub3A_1504 : vector<16xf32>
          %mul3A_1507 = arith.mulf %sub3A_1505, %sub3A_1505 : vector<16xf32>
          %add3A_1508 = arith.addf %mul3A_1506, %mul3A_1507 : vector<16xf32>
          %le3A_1509 = arith.cmpf ole, %add3A_1508, %mul3A_30 : vector<16xf32>
          %convert_element_type3A_1510 = arith.extui %le3A_1509 : vector<16xi1> to vector<16xi32>
          %broadcast_in_dim3A_1511 = arith.constant true
          %broadcast_in_dim3A_1512 = vector.broadcast %broadcast_in_dim3A_1511 : i1 to vector<16xi1>
          %masked_cumsum3A_1513 = tpu.scan <sum>, %convert_element_type3A_1510 masked %broadcast_in_dim3A_1512 : vector<16xi32>, vector<16xi1> -> vector<16xi32>
          %min3A_1514 = arith.minsi %add3A_1503, %broadcast_in_dim3A_154 : vector<16xi32>
          %add3A_1515 = arith.addi %min3A_1514, %masked_cumsum3A_1513 : vector<16xi32>
          %add3A_1516 = arith.constant -1 : i32
          %add3A_1517 = vector.broadcast %add3A_1516 : i32 to vector<16xi32>
          %add3A_1518 = arith.addi %add3A_1515, %add3A_1517 : vector<16xi32>
          %add3A_1519 = arith.constant 8.000000e+01 : f32
          %add3A_1520 = vector.broadcast %add3A_1519 : f32 to vector<16xf32>
          %add3A_1521 = arith.addf %convert_element_type3A_1152, %add3A_1520 : vector<16xf32>
          tpu.vector_store_idx %arg7[%add3A_1518], %add3A_1521 masked %le3A_1509 : memref<256xf32, #tpu.memory_space<vmem>>[vector<16xi32>], vector<16xf32>, vector<16xi1>
          %all_reduce_population_count3A_1522 = tpu.all_reduce %le3A_1509 {dim = 0 : i64, kind = #tpu.reduction_kind<sum>} : vector<16xi1> -> vector<16xi32>
          %add3A_1523 = arith.addi %add3A_1503, %all_reduce_population_count3A_1522 : vector<16xi32>
          %sub3A_1524 = arith.subf %gather3A_1303, %gather3A : vector<16xf32>
          %sub3A_1525 = arith.subf %gather3A_1308, %gather3A_10 : vector<16xf32>
          %mul3A_1526 = arith.mulf %sub3A_1524, %sub3A_1524 : vector<16xf32>
          %mul3A_1527 = arith.mulf %sub3A_1525, %sub3A_1525 : vector<16xf32>
          %add3A_1528 = arith.addf %mul3A_1526, %mul3A_1527 : vector<16xf32>
          %le3A_1529 = arith.cmpf ole, %add3A_1528, %mul3A_30 : vector<16xf32>
          %convert_element_type3A_1530 = arith.extui %le3A_1529 : vector<16xi1> to vector<16xi32>
          %broadcast_in_dim3A_1531 = arith.constant true
          %broadcast_in_dim3A_1532 = vector.broadcast %broadcast_in_dim3A_1531 : i1 to vector<16xi1>
          %masked_cumsum3A_1533 = tpu.scan <sum>, %convert_element_type3A_1530 masked %broadcast_in_dim3A_1532 : vector<16xi32>, vector<16xi1> -> vector<16xi32>
          %min3A_1534 = arith.minsi %add3A_1523, %broadcast_in_dim3A_154 : vector<16xi32>
          %add3A_1535 = arith.addi %min3A_1534, %masked_cumsum3A_1533 : vector<16xi32>
          %add3A_1536 = arith.constant -1 : i32
          %add3A_1537 = vector.broadcast %add3A_1536 : i32 to vector<16xi32>
          %add3A_1538 = arith.addi %add3A_1535, %add3A_1537 : vector<16xi32>
          %add3A_1539 = arith.constant 9.600000e+01 : f32
          %add3A_1540 = vector.broadcast %add3A_1539 : f32 to vector<16xf32>
          %add3A_1541 = arith.addf %convert_element_type3A_1152, %add3A_1540 : vector<16xf32>
          tpu.vector_store_idx %arg7[%add3A_1538], %add3A_1541 masked %le3A_1529 : memref<256xf32, #tpu.memory_space<vmem>>[vector<16xi32>], vector<16xf32>, vector<16xi1>
          %all_reduce_population_count3A_1542 = tpu.all_reduce %le3A_1529 {dim = 0 : i64, kind = #tpu.reduction_kind<sum>} : vector<16xi1> -> vector<16xi32>
          %add3A_1543 = arith.addi %add3A_1523, %all_reduce_population_count3A_1542 : vector<16xi32>
          %sub3A_1544 = arith.subf %gather3A_1325, %gather3A : vector<16xf32>
          %sub3A_1545 = arith.subf %gather3A_1330, %gather3A_10 : vector<16xf32>
          %mul3A_1546 = arith.mulf %sub3A_1544, %sub3A_1544 : vector<16xf32>
          %mul3A_1547 = arith.mulf %sub3A_1545, %sub3A_1545 : vector<16xf32>
          %add3A_1548 = arith.addf %mul3A_1546, %mul3A_1547 : vector<16xf32>
          %le3A_1549 = arith.cmpf ole, %add3A_1548, %mul3A_30 : vector<16xf32>
          %convert_element_type3A_1550 = arith.extui %le3A_1549 : vector<16xi1> to vector<16xi32>
          %broadcast_in_dim3A_1551 = arith.constant true
          %broadcast_in_dim3A_1552 = vector.broadcast %broadcast_in_dim3A_1551 : i1 to vector<16xi1>
          %masked_cumsum3A_1553 = tpu.scan <sum>, %convert_element_type3A_1550 masked %broadcast_in_dim3A_1552 : vector<16xi32>, vector<16xi1> -> vector<16xi32>
          %min3A_1554 = arith.minsi %add3A_1543, %broadcast_in_dim3A_154 : vector<16xi32>
          %add3A_1555 = arith.addi %min3A_1554, %masked_cumsum3A_1553 : vector<16xi32>
          %add3A_1556 = arith.constant -1 : i32
          %add3A_1557 = vector.broadcast %add3A_1556 : i32 to vector<16xi32>
          %add3A_1558 = arith.addi %add3A_1555, %add3A_1557 : vector<16xi32>
          %add3A_1559 = arith.constant 1.120000e+02 : f32
          %add3A_1560 = vector.broadcast %add3A_1559 : f32 to vector<16xf32>
          %add3A_1561 = arith.addf %convert_element_type3A_1152, %add3A_1560 : vector<16xf32>
          tpu.vector_store_idx %arg7[%add3A_1558], %add3A_1561 masked %le3A_1549 : memref<256xf32, #tpu.memory_space<vmem>>[vector<16xi32>], vector<16xf32>, vector<16xi1>
          %all_reduce_population_count3A_1562 = tpu.all_reduce %le3A_1549 {dim = 0 : i64, kind = #tpu.reduction_kind<sum>} : vector<16xi1> -> vector<16xi32>
          %add3A_1563 = arith.addi %add3A_1543, %all_reduce_population_count3A_1562 : vector<16xi32>
          %sub3A_1564 = arith.subf %gather3A_1347, %gather3A : vector<16xf32>
          %sub3A_1565 = arith.subf %gather3A_1352, %gather3A_10 : vector<16xf32>
          %mul3A_1566 = arith.mulf %sub3A_1564, %sub3A_1564 : vector<16xf32>
          %mul3A_1567 = arith.mulf %sub3A_1565, %sub3A_1565 : vector<16xf32>
          %add3A_1568 = arith.addf %mul3A_1566, %mul3A_1567 : vector<16xf32>
          %le3A_1569 = arith.cmpf ole, %add3A_1568, %mul3A_30 : vector<16xf32>
          %convert_element_type3A_1570 = arith.extui %le3A_1569 : vector<16xi1> to vector<16xi32>
          %broadcast_in_dim3A_1571 = arith.constant true
          %broadcast_in_dim3A_1572 = vector.broadcast %broadcast_in_dim3A_1571 : i1 to vector<16xi1>
          %masked_cumsum3A_1573 = tpu.scan <sum>, %convert_element_type3A_1570 masked %broadcast_in_dim3A_1572 : vector<16xi32>, vector<16xi1> -> vector<16xi32>
          %min3A_1574 = arith.minsi %add3A_1563, %broadcast_in_dim3A_154 : vector<16xi32>
          %add3A_1575 = arith.addi %min3A_1574, %masked_cumsum3A_1573 : vector<16xi32>
          %add3A_1576 = arith.constant -1 : i32
          %add3A_1577 = vector.broadcast %add3A_1576 : i32 to vector<16xi32>
          %add3A_1578 = arith.addi %add3A_1575, %add3A_1577 : vector<16xi32>
          %add3A_1579 = arith.constant 1.280000e+02 : f32
          %add3A_1580 = vector.broadcast %add3A_1579 : f32 to vector<16xf32>
          %add3A_1581 = arith.addf %convert_element_type3A_1152, %add3A_1580 : vector<16xf32>
          tpu.vector_store_idx %arg7[%add3A_1578], %add3A_1581 masked %le3A_1569 : memref<256xf32, #tpu.memory_space<vmem>>[vector<16xi32>], vector<16xf32>, vector<16xi1>
          %all_reduce_population_count3A_1582 = tpu.all_reduce %le3A_1569 {dim = 0 : i64, kind = #tpu.reduction_kind<sum>} : vector<16xi1> -> vector<16xi32>
          %add3A_1583 = arith.addi %add3A_1563, %all_reduce_population_count3A_1582 : vector<16xi32>
          %sub3A_1584 = arith.subf %gather3A_1369, %gather3A : vector<16xf32>
          %sub3A_1585 = arith.subf %gather3A_1374, %gather3A_10 : vector<16xf32>
          %mul3A_1586 = arith.mulf %sub3A_1584, %sub3A_1584 : vector<16xf32>
          %mul3A_1587 = arith.mulf %sub3A_1585, %sub3A_1585 : vector<16xf32>
          %add3A_1588 = arith.addf %mul3A_1586, %mul3A_1587 : vector<16xf32>
          %le3A_1589 = arith.cmpf ole, %add3A_1588, %mul3A_30 : vector<16xf32>
          %convert_element_type3A_1590 = arith.extui %le3A_1589 : vector<16xi1> to vector<16xi32>
          %broadcast_in_dim3A_1591 = arith.constant true
          %broadcast_in_dim3A_1592 = vector.broadcast %broadcast_in_dim3A_1591 : i1 to vector<16xi1>
          %masked_cumsum3A_1593 = tpu.scan <sum>, %convert_element_type3A_1590 masked %broadcast_in_dim3A_1592 : vector<16xi32>, vector<16xi1> -> vector<16xi32>
          %min3A_1594 = arith.minsi %add3A_1583, %broadcast_in_dim3A_154 : vector<16xi32>
          %add3A_1595 = arith.addi %min3A_1594, %masked_cumsum3A_1593 : vector<16xi32>
          %add3A_1596 = arith.constant -1 : i32
          %add3A_1597 = vector.broadcast %add3A_1596 : i32 to vector<16xi32>
          %add3A_1598 = arith.addi %add3A_1595, %add3A_1597 : vector<16xi32>
          %add3A_1599 = arith.constant 1.440000e+02 : f32
          %add3A_1600 = vector.broadcast %add3A_1599 : f32 to vector<16xf32>
          %add3A_1601 = arith.addf %convert_element_type3A_1152, %add3A_1600 : vector<16xf32>
          tpu.vector_store_idx %arg7[%add3A_1598], %add3A_1601 masked %le3A_1589 : memref<256xf32, #tpu.memory_space<vmem>>[vector<16xi32>], vector<16xf32>, vector<16xi1>
          %all_reduce_population_count3A_1602 = tpu.all_reduce %le3A_1589 {dim = 0 : i64, kind = #tpu.reduction_kind<sum>} : vector<16xi1> -> vector<16xi32>
          %add3A_1603 = arith.addi %add3A_1583, %all_reduce_population_count3A_1602 : vector<16xi32>
          scf.yield %add3A_1603 : vector<16xi32>
        } else {
          scf.yield %while3A_1141 : vector<16xi32>
        }
        %slice3A_1382 = vector.extract_strided_slice %while3A_1142 {offsets = [0], sizes = [1], strides = [1]} : vector<16xi32> to vector<1xi32>
        %squeeze3A_1383 = vector.extract %slice3A_1382[0] : i32 from vector<1xi32>
        %lt3A_1384 = arith.constant 32 : i32
        %lt3A_1385 = arith.cmpi slt, %squeeze3A_1383, %lt3A_1384 : i32
        %convert_element_type3A_1386 = arith.extui %lt3A_1385 : i1 to i32
        %cond3A_1387 = arith.constant 0 : i32
        %cond3A_1388 = arith.cmpi ne, %convert_element_type3A_1386, %cond3A_1387 : i32
        %cond3A_1389 = scf.if %cond3A_1388 -> (vector<16xi32>) {
          %sub3A = arith.subf %gather3A_1171, %gather3A_44 : vector<16xf32>
          %sub3A_1408 = arith.subf %gather3A_1176, %gather3A_48 : vector<16xf32>
          %mul3A_1409 = arith.mulf %sub3A, %sub3A : vector<16xf32>
          %mul3A_1410 = arith.mulf %sub3A_1408, %sub3A_1408 : vector<16xf32>
          %add3A_1411 = arith.addf %mul3A_1409, %mul3A_1410 : vector<16xf32>
          %le3A = arith.cmpf ole, %add3A_1411, %mul3A_68 : vector<16xf32>
          %convert_element_type3A_1412 = arith.extui %le3A : vector<16xi1> to vector<16xi32>
          %broadcast_in_dim3A_1413 = arith.constant true
          %broadcast_in_dim3A_1414 = vector.broadcast %broadcast_in_dim3A_1413 : i1 to vector<16xi1>
          %masked_cumsum3A = tpu.scan <sum>, %convert_element_type3A_1412 masked %broadcast_in_dim3A_1414 : vector<16xi32>, vector<16xi1> -> vector<16xi32>
          %min3A_1415 = arith.minsi %while3A_1142, %broadcast_in_dim3A_154 : vector<16xi32>
          %add3A_1416 = arith.addi %min3A_1415, %masked_cumsum3A : vector<16xi32>
          %add3A_1417 = arith.constant 63 : i32
          %add3A_1418 = vector.broadcast %add3A_1417 : i32 to vector<16xi32>
          %add3A_1419 = arith.addi %add3A_1416, %add3A_1418 : vector<16xi32>
          %add3A_1420 = arith.constant 0.000000e+00 : f32
          %add3A_1421 = vector.broadcast %add3A_1420 : f32 to vector<16xf32>
          %add3A_1422 = arith.addf %convert_element_type3A_1152, %add3A_1421 : vector<16xf32>
          tpu.vector_store_idx %arg7[%add3A_1419], %add3A_1422 masked %le3A : memref<256xf32, #tpu.memory_space<vmem>>[vector<16xi32>], vector<16xf32>, vector<16xi1>
          %all_reduce_population_count3A = tpu.all_reduce %le3A {dim = 0 : i64, kind = #tpu.reduction_kind<sum>} : vector<16xi1> -> vector<16xi32>
          %add3A_1423 = arith.addi %while3A_1142, %all_reduce_population_count3A : vector<16xi32>
          %sub3A_1424 = arith.subf %gather3A_1193, %gather3A_44 : vector<16xf32>
          %sub3A_1425 = arith.subf %gather3A_1198, %gather3A_48 : vector<16xf32>
          %mul3A_1426 = arith.mulf %sub3A_1424, %sub3A_1424 : vector<16xf32>
          %mul3A_1427 = arith.mulf %sub3A_1425, %sub3A_1425 : vector<16xf32>
          %add3A_1428 = arith.addf %mul3A_1426, %mul3A_1427 : vector<16xf32>
          %le3A_1429 = arith.cmpf ole, %add3A_1428, %mul3A_68 : vector<16xf32>
          %convert_element_type3A_1430 = arith.extui %le3A_1429 : vector<16xi1> to vector<16xi32>
          %broadcast_in_dim3A_1431 = arith.constant true
          %broadcast_in_dim3A_1432 = vector.broadcast %broadcast_in_dim3A_1431 : i1 to vector<16xi1>
          %masked_cumsum3A_1433 = tpu.scan <sum>, %convert_element_type3A_1430 masked %broadcast_in_dim3A_1432 : vector<16xi32>, vector<16xi1> -> vector<16xi32>
          %min3A_1434 = arith.minsi %add3A_1423, %broadcast_in_dim3A_154 : vector<16xi32>
          %add3A_1435 = arith.addi %min3A_1434, %masked_cumsum3A_1433 : vector<16xi32>
          %add3A_1436 = arith.constant 63 : i32
          %add3A_1437 = vector.broadcast %add3A_1436 : i32 to vector<16xi32>
          %add3A_1438 = arith.addi %add3A_1435, %add3A_1437 : vector<16xi32>
          %add3A_1439 = arith.constant 1.600000e+01 : f32
          %add3A_1440 = vector.broadcast %add3A_1439 : f32 to vector<16xf32>
          %add3A_1441 = arith.addf %convert_element_type3A_1152, %add3A_1440 : vector<16xf32>
          tpu.vector_store_idx %arg7[%add3A_1438], %add3A_1441 masked %le3A_1429 : memref<256xf32, #tpu.memory_space<vmem>>[vector<16xi32>], vector<16xf32>, vector<16xi1>
          %all_reduce_population_count3A_1442 = tpu.all_reduce %le3A_1429 {dim = 0 : i64, kind = #tpu.reduction_kind<sum>} : vector<16xi1> -> vector<16xi32>
          %add3A_1443 = arith.addi %add3A_1423, %all_reduce_population_count3A_1442 : vector<16xi32>
          %sub3A_1444 = arith.subf %gather3A_1215, %gather3A_44 : vector<16xf32>
          %sub3A_1445 = arith.subf %gather3A_1220, %gather3A_48 : vector<16xf32>
          %mul3A_1446 = arith.mulf %sub3A_1444, %sub3A_1444 : vector<16xf32>
          %mul3A_1447 = arith.mulf %sub3A_1445, %sub3A_1445 : vector<16xf32>
          %add3A_1448 = arith.addf %mul3A_1446, %mul3A_1447 : vector<16xf32>
          %le3A_1449 = arith.cmpf ole, %add3A_1448, %mul3A_68 : vector<16xf32>
          %convert_element_type3A_1450 = arith.extui %le3A_1449 : vector<16xi1> to vector<16xi32>
          %broadcast_in_dim3A_1451 = arith.constant true
          %broadcast_in_dim3A_1452 = vector.broadcast %broadcast_in_dim3A_1451 : i1 to vector<16xi1>
          %masked_cumsum3A_1453 = tpu.scan <sum>, %convert_element_type3A_1450 masked %broadcast_in_dim3A_1452 : vector<16xi32>, vector<16xi1> -> vector<16xi32>
          %min3A_1454 = arith.minsi %add3A_1443, %broadcast_in_dim3A_154 : vector<16xi32>
          %add3A_1455 = arith.addi %min3A_1454, %masked_cumsum3A_1453 : vector<16xi32>
          %add3A_1456 = arith.constant 63 : i32
          %add3A_1457 = vector.broadcast %add3A_1456 : i32 to vector<16xi32>
          %add3A_1458 = arith.addi %add3A_1455, %add3A_1457 : vector<16xi32>
          %add3A_1459 = arith.constant 3.200000e+01 : f32
          %add3A_1460 = vector.broadcast %add3A_1459 : f32 to vector<16xf32>
          %add3A_1461 = arith.addf %convert_element_type3A_1152, %add3A_1460 : vector<16xf32>
          tpu.vector_store_idx %arg7[%add3A_1458], %add3A_1461 masked %le3A_1449 : memref<256xf32, #tpu.memory_space<vmem>>[vector<16xi32>], vector<16xf32>, vector<16xi1>
          %all_reduce_population_count3A_1462 = tpu.all_reduce %le3A_1449 {dim = 0 : i64, kind = #tpu.reduction_kind<sum>} : vector<16xi1> -> vector<16xi32>
          %add3A_1463 = arith.addi %add3A_1443, %all_reduce_population_count3A_1462 : vector<16xi32>
          %sub3A_1464 = arith.subf %gather3A_1237, %gather3A_44 : vector<16xf32>
          %sub3A_1465 = arith.subf %gather3A_1242, %gather3A_48 : vector<16xf32>
          %mul3A_1466 = arith.mulf %sub3A_1464, %sub3A_1464 : vector<16xf32>
          %mul3A_1467 = arith.mulf %sub3A_1465, %sub3A_1465 : vector<16xf32>
          %add3A_1468 = arith.addf %mul3A_1466, %mul3A_1467 : vector<16xf32>
          %le3A_1469 = arith.cmpf ole, %add3A_1468, %mul3A_68 : vector<16xf32>
          %convert_element_type3A_1470 = arith.extui %le3A_1469 : vector<16xi1> to vector<16xi32>
          %broadcast_in_dim3A_1471 = arith.constant true
          %broadcast_in_dim3A_1472 = vector.broadcast %broadcast_in_dim3A_1471 : i1 to vector<16xi1>
          %masked_cumsum3A_1473 = tpu.scan <sum>, %convert_element_type3A_1470 masked %broadcast_in_dim3A_1472 : vector<16xi32>, vector<16xi1> -> vector<16xi32>
          %min3A_1474 = arith.minsi %add3A_1463, %broadcast_in_dim3A_154 : vector<16xi32>
          %add3A_1475 = arith.addi %min3A_1474, %masked_cumsum3A_1473 : vector<16xi32>
          %add3A_1476 = arith.constant 63 : i32
          %add3A_1477 = vector.broadcast %add3A_1476 : i32 to vector<16xi32>
          %add3A_1478 = arith.addi %add3A_1475, %add3A_1477 : vector<16xi32>
          %add3A_1479 = arith.constant 4.800000e+01 : f32
          %add3A_1480 = vector.broadcast %add3A_1479 : f32 to vector<16xf32>
          %add3A_1481 = arith.addf %convert_element_type3A_1152, %add3A_1480 : vector<16xf32>
          tpu.vector_store_idx %arg7[%add3A_1478], %add3A_1481 masked %le3A_1469 : memref<256xf32, #tpu.memory_space<vmem>>[vector<16xi32>], vector<16xf32>, vector<16xi1>
          %all_reduce_population_count3A_1482 = tpu.all_reduce %le3A_1469 {dim = 0 : i64, kind = #tpu.reduction_kind<sum>} : vector<16xi1> -> vector<16xi32>
          %add3A_1483 = arith.addi %add3A_1463, %all_reduce_population_count3A_1482 : vector<16xi32>
          %sub3A_1484 = arith.subf %gather3A_1259, %gather3A_44 : vector<16xf32>
          %sub3A_1485 = arith.subf %gather3A_1264, %gather3A_48 : vector<16xf32>
          %mul3A_1486 = arith.mulf %sub3A_1484, %sub3A_1484 : vector<16xf32>
          %mul3A_1487 = arith.mulf %sub3A_1485, %sub3A_1485 : vector<16xf32>
          %add3A_1488 = arith.addf %mul3A_1486, %mul3A_1487 : vector<16xf32>
          %le3A_1489 = arith.cmpf ole, %add3A_1488, %mul3A_68 : vector<16xf32>
          %convert_element_type3A_1490 = arith.extui %le3A_1489 : vector<16xi1> to vector<16xi32>
          %broadcast_in_dim3A_1491 = arith.constant true
          %broadcast_in_dim3A_1492 = vector.broadcast %broadcast_in_dim3A_1491 : i1 to vector<16xi1>
          %masked_cumsum3A_1493 = tpu.scan <sum>, %convert_element_type3A_1490 masked %broadcast_in_dim3A_1492 : vector<16xi32>, vector<16xi1> -> vector<16xi32>
          %min3A_1494 = arith.minsi %add3A_1483, %broadcast_in_dim3A_154 : vector<16xi32>
          %add3A_1495 = arith.addi %min3A_1494, %masked_cumsum3A_1493 : vector<16xi32>
          %add3A_1496 = arith.constant 63 : i32
          %add3A_1497 = vector.broadcast %add3A_1496 : i32 to vector<16xi32>
          %add3A_1498 = arith.addi %add3A_1495, %add3A_1497 : vector<16xi32>
          %add3A_1499 = arith.constant 6.400000e+01 : f32
          %add3A_1500 = vector.broadcast %add3A_1499 : f32 to vector<16xf32>
          %add3A_1501 = arith.addf %convert_element_type3A_1152, %add3A_1500 : vector<16xf32>
          tpu.vector_store_idx %arg7[%add3A_1498], %add3A_1501 masked %le3A_1489 : memref<256xf32, #tpu.memory_space<vmem>>[vector<16xi32>], vector<16xf32>, vector<16xi1>
          %all_reduce_population_count3A_1502 = tpu.all_reduce %le3A_1489 {dim = 0 : i64, kind = #tpu.reduction_kind<sum>} : vector<16xi1> -> vector<16xi32>
          %add3A_1503 = arith.addi %add3A_1483, %all_reduce_population_count3A_1502 : vector<16xi32>
          %sub3A_1504 = arith.subf %gather3A_1281, %gather3A_44 : vector<16xf32>
          %sub3A_1505 = arith.subf %gather3A_1286, %gather3A_48 : vector<16xf32>
          %mul3A_1506 = arith.mulf %sub3A_1504, %sub3A_1504 : vector<16xf32>
          %mul3A_1507 = arith.mulf %sub3A_1505, %sub3A_1505 : vector<16xf32>
          %add3A_1508 = arith.addf %mul3A_1506, %mul3A_1507 : vector<16xf32>
          %le3A_1509 = arith.cmpf ole, %add3A_1508, %mul3A_68 : vector<16xf32>
          %convert_element_type3A_1510 = arith.extui %le3A_1509 : vector<16xi1> to vector<16xi32>
          %broadcast_in_dim3A_1511 = arith.constant true
          %broadcast_in_dim3A_1512 = vector.broadcast %broadcast_in_dim3A_1511 : i1 to vector<16xi1>
          %masked_cumsum3A_1513 = tpu.scan <sum>, %convert_element_type3A_1510 masked %broadcast_in_dim3A_1512 : vector<16xi32>, vector<16xi1> -> vector<16xi32>
          %min3A_1514 = arith.minsi %add3A_1503, %broadcast_in_dim3A_154 : vector<16xi32>
          %add3A_1515 = arith.addi %min3A_1514, %masked_cumsum3A_1513 : vector<16xi32>
          %add3A_1516 = arith.constant 63 : i32
          %add3A_1517 = vector.broadcast %add3A_1516 : i32 to vector<16xi32>
          %add3A_1518 = arith.addi %add3A_1515, %add3A_1517 : vector<16xi32>
          %add3A_1519 = arith.constant 8.000000e+01 : f32
          %add3A_1520 = vector.broadcast %add3A_1519 : f32 to vector<16xf32>
          %add3A_1521 = arith.addf %convert_element_type3A_1152, %add3A_1520 : vector<16xf32>
          tpu.vector_store_idx %arg7[%add3A_1518], %add3A_1521 masked %le3A_1509 : memref<256xf32, #tpu.memory_space<vmem>>[vector<16xi32>], vector<16xf32>, vector<16xi1>
          %all_reduce_population_count3A_1522 = tpu.all_reduce %le3A_1509 {dim = 0 : i64, kind = #tpu.reduction_kind<sum>} : vector<16xi1> -> vector<16xi32>
          %add3A_1523 = arith.addi %add3A_1503, %all_reduce_population_count3A_1522 : vector<16xi32>
          %sub3A_1524 = arith.subf %gather3A_1303, %gather3A_44 : vector<16xf32>
          %sub3A_1525 = arith.subf %gather3A_1308, %gather3A_48 : vector<16xf32>
          %mul3A_1526 = arith.mulf %sub3A_1524, %sub3A_1524 : vector<16xf32>
          %mul3A_1527 = arith.mulf %sub3A_1525, %sub3A_1525 : vector<16xf32>
          %add3A_1528 = arith.addf %mul3A_1526, %mul3A_1527 : vector<16xf32>
          %le3A_1529 = arith.cmpf ole, %add3A_1528, %mul3A_68 : vector<16xf32>
          %convert_element_type3A_1530 = arith.extui %le3A_1529 : vector<16xi1> to vector<16xi32>
          %broadcast_in_dim3A_1531 = arith.constant true
          %broadcast_in_dim3A_1532 = vector.broadcast %broadcast_in_dim3A_1531 : i1 to vector<16xi1>
          %masked_cumsum3A_1533 = tpu.scan <sum>, %convert_element_type3A_1530 masked %broadcast_in_dim3A_1532 : vector<16xi32>, vector<16xi1> -> vector<16xi32>
          %min3A_1534 = arith.minsi %add3A_1523, %broadcast_in_dim3A_154 : vector<16xi32>
          %add3A_1535 = arith.addi %min3A_1534, %masked_cumsum3A_1533 : vector<16xi32>
          %add3A_1536 = arith.constant 63 : i32
          %add3A_1537 = vector.broadcast %add3A_1536 : i32 to vector<16xi32>
          %add3A_1538 = arith.addi %add3A_1535, %add3A_1537 : vector<16xi32>
          %add3A_1539 = arith.constant 9.600000e+01 : f32
          %add3A_1540 = vector.broadcast %add3A_1539 : f32 to vector<16xf32>
          %add3A_1541 = arith.addf %convert_element_type3A_1152, %add3A_1540 : vector<16xf32>
          tpu.vector_store_idx %arg7[%add3A_1538], %add3A_1541 masked %le3A_1529 : memref<256xf32, #tpu.memory_space<vmem>>[vector<16xi32>], vector<16xf32>, vector<16xi1>
          %all_reduce_population_count3A_1542 = tpu.all_reduce %le3A_1529 {dim = 0 : i64, kind = #tpu.reduction_kind<sum>} : vector<16xi1> -> vector<16xi32>
          %add3A_1543 = arith.addi %add3A_1523, %all_reduce_population_count3A_1542 : vector<16xi32>
          %sub3A_1544 = arith.subf %gather3A_1325, %gather3A_44 : vector<16xf32>
          %sub3A_1545 = arith.subf %gather3A_1330, %gather3A_48 : vector<16xf32>
          %mul3A_1546 = arith.mulf %sub3A_1544, %sub3A_1544 : vector<16xf32>
          %mul3A_1547 = arith.mulf %sub3A_1545, %sub3A_1545 : vector<16xf32>
          %add3A_1548 = arith.addf %mul3A_1546, %mul3A_1547 : vector<16xf32>
          %le3A_1549 = arith.cmpf ole, %add3A_1548, %mul3A_68 : vector<16xf32>
          %convert_element_type3A_1550 = arith.extui %le3A_1549 : vector<16xi1> to vector<16xi32>
          %broadcast_in_dim3A_1551 = arith.constant true
          %broadcast_in_dim3A_1552 = vector.broadcast %broadcast_in_dim3A_1551 : i1 to vector<16xi1>
          %masked_cumsum3A_1553 = tpu.scan <sum>, %convert_element_type3A_1550 masked %broadcast_in_dim3A_1552 : vector<16xi32>, vector<16xi1> -> vector<16xi32>
          %min3A_1554 = arith.minsi %add3A_1543, %broadcast_in_dim3A_154 : vector<16xi32>
          %add3A_1555 = arith.addi %min3A_1554, %masked_cumsum3A_1553 : vector<16xi32>
          %add3A_1556 = arith.constant 63 : i32
          %add3A_1557 = vector.broadcast %add3A_1556 : i32 to vector<16xi32>
          %add3A_1558 = arith.addi %add3A_1555, %add3A_1557 : vector<16xi32>
          %add3A_1559 = arith.constant 1.120000e+02 : f32
          %add3A_1560 = vector.broadcast %add3A_1559 : f32 to vector<16xf32>
          %add3A_1561 = arith.addf %convert_element_type3A_1152, %add3A_1560 : vector<16xf32>
          tpu.vector_store_idx %arg7[%add3A_1558], %add3A_1561 masked %le3A_1549 : memref<256xf32, #tpu.memory_space<vmem>>[vector<16xi32>], vector<16xf32>, vector<16xi1>
          %all_reduce_population_count3A_1562 = tpu.all_reduce %le3A_1549 {dim = 0 : i64, kind = #tpu.reduction_kind<sum>} : vector<16xi1> -> vector<16xi32>
          %add3A_1563 = arith.addi %add3A_1543, %all_reduce_population_count3A_1562 : vector<16xi32>
          %sub3A_1564 = arith.subf %gather3A_1347, %gather3A_44 : vector<16xf32>
          %sub3A_1565 = arith.subf %gather3A_1352, %gather3A_48 : vector<16xf32>
          %mul3A_1566 = arith.mulf %sub3A_1564, %sub3A_1564 : vector<16xf32>
          %mul3A_1567 = arith.mulf %sub3A_1565, %sub3A_1565 : vector<16xf32>
          %add3A_1568 = arith.addf %mul3A_1566, %mul3A_1567 : vector<16xf32>
          %le3A_1569 = arith.cmpf ole, %add3A_1568, %mul3A_68 : vector<16xf32>
          %convert_element_type3A_1570 = arith.extui %le3A_1569 : vector<16xi1> to vector<16xi32>
          %broadcast_in_dim3A_1571 = arith.constant true
          %broadcast_in_dim3A_1572 = vector.broadcast %broadcast_in_dim3A_1571 : i1 to vector<16xi1>
          %masked_cumsum3A_1573 = tpu.scan <sum>, %convert_element_type3A_1570 masked %broadcast_in_dim3A_1572 : vector<16xi32>, vector<16xi1> -> vector<16xi32>
          %min3A_1574 = arith.minsi %add3A_1563, %broadcast_in_dim3A_154 : vector<16xi32>
          %add3A_1575 = arith.addi %min3A_1574, %masked_cumsum3A_1573 : vector<16xi32>
          %add3A_1576 = arith.constant 63 : i32
          %add3A_1577 = vector.broadcast %add3A_1576 : i32 to vector<16xi32>
          %add3A_1578 = arith.addi %add3A_1575, %add3A_1577 : vector<16xi32>
          %add3A_1579 = arith.constant 1.280000e+02 : f32
          %add3A_1580 = vector.broadcast %add3A_1579 : f32 to vector<16xf32>
          %add3A_1581 = arith.addf %convert_element_type3A_1152, %add3A_1580 : vector<16xf32>
          tpu.vector_store_idx %arg7[%add3A_1578], %add3A_1581 masked %le3A_1569 : memref<256xf32, #tpu.memory_space<vmem>>[vector<16xi32>], vector<16xf32>, vector<16xi1>
          %all_reduce_population_count3A_1582 = tpu.all_reduce %le3A_1569 {dim = 0 : i64, kind = #tpu.reduction_kind<sum>} : vector<16xi1> -> vector<16xi32>
          %add3A_1583 = arith.addi %add3A_1563, %all_reduce_population_count3A_1582 : vector<16xi32>
          %sub3A_1584 = arith.subf %gather3A_1369, %gather3A_44 : vector<16xf32>
          %sub3A_1585 = arith.subf %gather3A_1374, %gather3A_48 : vector<16xf32>
          %mul3A_1586 = arith.mulf %sub3A_1584, %sub3A_1584 : vector<16xf32>
          %mul3A_1587 = arith.mulf %sub3A_1585, %sub3A_1585 : vector<16xf32>
          %add3A_1588 = arith.addf %mul3A_1586, %mul3A_1587 : vector<16xf32>
          %le3A_1589 = arith.cmpf ole, %add3A_1588, %mul3A_68 : vector<16xf32>
          %convert_element_type3A_1590 = arith.extui %le3A_1589 : vector<16xi1> to vector<16xi32>
          %broadcast_in_dim3A_1591 = arith.constant true
          %broadcast_in_dim3A_1592 = vector.broadcast %broadcast_in_dim3A_1591 : i1 to vector<16xi1>
          %masked_cumsum3A_1593 = tpu.scan <sum>, %convert_element_type3A_1590 masked %broadcast_in_dim3A_1592 : vector<16xi32>, vector<16xi1> -> vector<16xi32>
          %min3A_1594 = arith.minsi %add3A_1583, %broadcast_in_dim3A_154 : vector<16xi32>
          %add3A_1595 = arith.addi %min3A_1594, %masked_cumsum3A_1593 : vector<16xi32>
          %add3A_1596 = arith.constant 63 : i32
          %add3A_1597 = vector.broadcast %add3A_1596 : i32 to vector<16xi32>
          %add3A_1598 = arith.addi %add3A_1595, %add3A_1597 : vector<16xi32>
          %add3A_1599 = arith.constant 1.440000e+02 : f32
          %add3A_1600 = vector.broadcast %add3A_1599 : f32 to vector<16xf32>
          %add3A_1601 = arith.addf %convert_element_type3A_1152, %add3A_1600 : vector<16xf32>
          tpu.vector_store_idx %arg7[%add3A_1598], %add3A_1601 masked %le3A_1589 : memref<256xf32, #tpu.memory_space<vmem>>[vector<16xi32>], vector<16xf32>, vector<16xi1>
          %all_reduce_population_count3A_1602 = tpu.all_reduce %le3A_1589 {dim = 0 : i64, kind = #tpu.reduction_kind<sum>} : vector<16xi1> -> vector<16xi32>
          %add3A_1603 = arith.addi %add3A_1583, %all_reduce_population_count3A_1602 : vector<16xi32>
          scf.yield %add3A_1603 : vector<16xi32>
        } else {
          scf.yield %while3A_1142 : vector<16xi32>
        }
        %slice3A_1390 = vector.extract_strided_slice %while3A_1143 {offsets = [0], sizes = [1], strides = [1]} : vector<16xi32> to vector<1xi32>
        %squeeze3A_1391 = vector.extract %slice3A_1390[0] : i32 from vector<1xi32>
        %lt3A_1392 = arith.constant 32 : i32
        %lt3A_1393 = arith.cmpi slt, %squeeze3A_1391, %lt3A_1392 : i32
        %convert_element_type3A_1394 = arith.extui %lt3A_1393 : i1 to i32
        %cond3A_1395 = arith.constant 0 : i32
        %cond3A_1396 = arith.cmpi ne, %convert_element_type3A_1394, %cond3A_1395 : i32
        %cond3A_1397 = scf.if %cond3A_1396 -> (vector<16xi32>) {
          %sub3A = arith.subf %gather3A_1171, %gather3A_82 : vector<16xf32>
          %sub3A_1408 = arith.subf %gather3A_1176, %gather3A_86 : vector<16xf32>
          %mul3A_1409 = arith.mulf %sub3A, %sub3A : vector<16xf32>
          %mul3A_1410 = arith.mulf %sub3A_1408, %sub3A_1408 : vector<16xf32>
          %add3A_1411 = arith.addf %mul3A_1409, %mul3A_1410 : vector<16xf32>
          %le3A = arith.cmpf ole, %add3A_1411, %mul3A_106 : vector<16xf32>
          %convert_element_type3A_1412 = arith.extui %le3A : vector<16xi1> to vector<16xi32>
          %broadcast_in_dim3A_1413 = arith.constant true
          %broadcast_in_dim3A_1414 = vector.broadcast %broadcast_in_dim3A_1413 : i1 to vector<16xi1>
          %masked_cumsum3A = tpu.scan <sum>, %convert_element_type3A_1412 masked %broadcast_in_dim3A_1414 : vector<16xi32>, vector<16xi1> -> vector<16xi32>
          %min3A_1415 = arith.minsi %while3A_1143, %broadcast_in_dim3A_154 : vector<16xi32>
          %add3A_1416 = arith.addi %min3A_1415, %masked_cumsum3A : vector<16xi32>
          %add3A_1417 = arith.constant 127 : i32
          %add3A_1418 = vector.broadcast %add3A_1417 : i32 to vector<16xi32>
          %add3A_1419 = arith.addi %add3A_1416, %add3A_1418 : vector<16xi32>
          %add3A_1420 = arith.constant 0.000000e+00 : f32
          %add3A_1421 = vector.broadcast %add3A_1420 : f32 to vector<16xf32>
          %add3A_1422 = arith.addf %convert_element_type3A_1152, %add3A_1421 : vector<16xf32>
          tpu.vector_store_idx %arg7[%add3A_1419], %add3A_1422 masked %le3A : memref<256xf32, #tpu.memory_space<vmem>>[vector<16xi32>], vector<16xf32>, vector<16xi1>
          %all_reduce_population_count3A = tpu.all_reduce %le3A {dim = 0 : i64, kind = #tpu.reduction_kind<sum>} : vector<16xi1> -> vector<16xi32>
          %add3A_1423 = arith.addi %while3A_1143, %all_reduce_population_count3A : vector<16xi32>
          %sub3A_1424 = arith.subf %gather3A_1193, %gather3A_82 : vector<16xf32>
          %sub3A_1425 = arith.subf %gather3A_1198, %gather3A_86 : vector<16xf32>
          %mul3A_1426 = arith.mulf %sub3A_1424, %sub3A_1424 : vector<16xf32>
          %mul3A_1427 = arith.mulf %sub3A_1425, %sub3A_1425 : vector<16xf32>
          %add3A_1428 = arith.addf %mul3A_1426, %mul3A_1427 : vector<16xf32>
          %le3A_1429 = arith.cmpf ole, %add3A_1428, %mul3A_106 : vector<16xf32>
          %convert_element_type3A_1430 = arith.extui %le3A_1429 : vector<16xi1> to vector<16xi32>
          %broadcast_in_dim3A_1431 = arith.constant true
          %broadcast_in_dim3A_1432 = vector.broadcast %broadcast_in_dim3A_1431 : i1 to vector<16xi1>
          %masked_cumsum3A_1433 = tpu.scan <sum>, %convert_element_type3A_1430 masked %broadcast_in_dim3A_1432 : vector<16xi32>, vector<16xi1> -> vector<16xi32>
          %min3A_1434 = arith.minsi %add3A_1423, %broadcast_in_dim3A_154 : vector<16xi32>
          %add3A_1435 = arith.addi %min3A_1434, %masked_cumsum3A_1433 : vector<16xi32>
          %add3A_1436 = arith.constant 127 : i32
          %add3A_1437 = vector.broadcast %add3A_1436 : i32 to vector<16xi32>
          %add3A_1438 = arith.addi %add3A_1435, %add3A_1437 : vector<16xi32>
          %add3A_1439 = arith.constant 1.600000e+01 : f32
          %add3A_1440 = vector.broadcast %add3A_1439 : f32 to vector<16xf32>
          %add3A_1441 = arith.addf %convert_element_type3A_1152, %add3A_1440 : vector<16xf32>
          tpu.vector_store_idx %arg7[%add3A_1438], %add3A_1441 masked %le3A_1429 : memref<256xf32, #tpu.memory_space<vmem>>[vector<16xi32>], vector<16xf32>, vector<16xi1>
          %all_reduce_population_count3A_1442 = tpu.all_reduce %le3A_1429 {dim = 0 : i64, kind = #tpu.reduction_kind<sum>} : vector<16xi1> -> vector<16xi32>
          %add3A_1443 = arith.addi %add3A_1423, %all_reduce_population_count3A_1442 : vector<16xi32>
          %sub3A_1444 = arith.subf %gather3A_1215, %gather3A_82 : vector<16xf32>
          %sub3A_1445 = arith.subf %gather3A_1220, %gather3A_86 : vector<16xf32>
          %mul3A_1446 = arith.mulf %sub3A_1444, %sub3A_1444 : vector<16xf32>
          %mul3A_1447 = arith.mulf %sub3A_1445, %sub3A_1445 : vector<16xf32>
          %add3A_1448 = arith.addf %mul3A_1446, %mul3A_1447 : vector<16xf32>
          %le3A_1449 = arith.cmpf ole, %add3A_1448, %mul3A_106 : vector<16xf32>
          %convert_element_type3A_1450 = arith.extui %le3A_1449 : vector<16xi1> to vector<16xi32>
          %broadcast_in_dim3A_1451 = arith.constant true
          %broadcast_in_dim3A_1452 = vector.broadcast %broadcast_in_dim3A_1451 : i1 to vector<16xi1>
          %masked_cumsum3A_1453 = tpu.scan <sum>, %convert_element_type3A_1450 masked %broadcast_in_dim3A_1452 : vector<16xi32>, vector<16xi1> -> vector<16xi32>
          %min3A_1454 = arith.minsi %add3A_1443, %broadcast_in_dim3A_154 : vector<16xi32>
          %add3A_1455 = arith.addi %min3A_1454, %masked_cumsum3A_1453 : vector<16xi32>
          %add3A_1456 = arith.constant 127 : i32
          %add3A_1457 = vector.broadcast %add3A_1456 : i32 to vector<16xi32>
          %add3A_1458 = arith.addi %add3A_1455, %add3A_1457 : vector<16xi32>
          %add3A_1459 = arith.constant 3.200000e+01 : f32
          %add3A_1460 = vector.broadcast %add3A_1459 : f32 to vector<16xf32>
          %add3A_1461 = arith.addf %convert_element_type3A_1152, %add3A_1460 : vector<16xf32>
          tpu.vector_store_idx %arg7[%add3A_1458], %add3A_1461 masked %le3A_1449 : memref<256xf32, #tpu.memory_space<vmem>>[vector<16xi32>], vector<16xf32>, vector<16xi1>
          %all_reduce_population_count3A_1462 = tpu.all_reduce %le3A_1449 {dim = 0 : i64, kind = #tpu.reduction_kind<sum>} : vector<16xi1> -> vector<16xi32>
          %add3A_1463 = arith.addi %add3A_1443, %all_reduce_population_count3A_1462 : vector<16xi32>
          %sub3A_1464 = arith.subf %gather3A_1237, %gather3A_82 : vector<16xf32>
          %sub3A_1465 = arith.subf %gather3A_1242, %gather3A_86 : vector<16xf32>
          %mul3A_1466 = arith.mulf %sub3A_1464, %sub3A_1464 : vector<16xf32>
          %mul3A_1467 = arith.mulf %sub3A_1465, %sub3A_1465 : vector<16xf32>
          %add3A_1468 = arith.addf %mul3A_1466, %mul3A_1467 : vector<16xf32>
          %le3A_1469 = arith.cmpf ole, %add3A_1468, %mul3A_106 : vector<16xf32>
          %convert_element_type3A_1470 = arith.extui %le3A_1469 : vector<16xi1> to vector<16xi32>
          %broadcast_in_dim3A_1471 = arith.constant true
          %broadcast_in_dim3A_1472 = vector.broadcast %broadcast_in_dim3A_1471 : i1 to vector<16xi1>
          %masked_cumsum3A_1473 = tpu.scan <sum>, %convert_element_type3A_1470 masked %broadcast_in_dim3A_1472 : vector<16xi32>, vector<16xi1> -> vector<16xi32>
          %min3A_1474 = arith.minsi %add3A_1463, %broadcast_in_dim3A_154 : vector<16xi32>
          %add3A_1475 = arith.addi %min3A_1474, %masked_cumsum3A_1473 : vector<16xi32>
          %add3A_1476 = arith.constant 127 : i32
          %add3A_1477 = vector.broadcast %add3A_1476 : i32 to vector<16xi32>
          %add3A_1478 = arith.addi %add3A_1475, %add3A_1477 : vector<16xi32>
          %add3A_1479 = arith.constant 4.800000e+01 : f32
          %add3A_1480 = vector.broadcast %add3A_1479 : f32 to vector<16xf32>
          %add3A_1481 = arith.addf %convert_element_type3A_1152, %add3A_1480 : vector<16xf32>
          tpu.vector_store_idx %arg7[%add3A_1478], %add3A_1481 masked %le3A_1469 : memref<256xf32, #tpu.memory_space<vmem>>[vector<16xi32>], vector<16xf32>, vector<16xi1>
          %all_reduce_population_count3A_1482 = tpu.all_reduce %le3A_1469 {dim = 0 : i64, kind = #tpu.reduction_kind<sum>} : vector<16xi1> -> vector<16xi32>
          %add3A_1483 = arith.addi %add3A_1463, %all_reduce_population_count3A_1482 : vector<16xi32>
          %sub3A_1484 = arith.subf %gather3A_1259, %gather3A_82 : vector<16xf32>
          %sub3A_1485 = arith.subf %gather3A_1264, %gather3A_86 : vector<16xf32>
          %mul3A_1486 = arith.mulf %sub3A_1484, %sub3A_1484 : vector<16xf32>
          %mul3A_1487 = arith.mulf %sub3A_1485, %sub3A_1485 : vector<16xf32>
          %add3A_1488 = arith.addf %mul3A_1486, %mul3A_1487 : vector<16xf32>
          %le3A_1489 = arith.cmpf ole, %add3A_1488, %mul3A_106 : vector<16xf32>
          %convert_element_type3A_1490 = arith.extui %le3A_1489 : vector<16xi1> to vector<16xi32>
          %broadcast_in_dim3A_1491 = arith.constant true
          %broadcast_in_dim3A_1492 = vector.broadcast %broadcast_in_dim3A_1491 : i1 to vector<16xi1>
          %masked_cumsum3A_1493 = tpu.scan <sum>, %convert_element_type3A_1490 masked %broadcast_in_dim3A_1492 : vector<16xi32>, vector<16xi1> -> vector<16xi32>
          %min3A_1494 = arith.minsi %add3A_1483, %broadcast_in_dim3A_154 : vector<16xi32>
          %add3A_1495 = arith.addi %min3A_1494, %masked_cumsum3A_1493 : vector<16xi32>
          %add3A_1496 = arith.constant 127 : i32
          %add3A_1497 = vector.broadcast %add3A_1496 : i32 to vector<16xi32>
          %add3A_1498 = arith.addi %add3A_1495, %add3A_1497 : vector<16xi32>
          %add3A_1499 = arith.constant 6.400000e+01 : f32
          %add3A_1500 = vector.broadcast %add3A_1499 : f32 to vector<16xf32>
          %add3A_1501 = arith.addf %convert_element_type3A_1152, %add3A_1500 : vector<16xf32>
          tpu.vector_store_idx %arg7[%add3A_1498], %add3A_1501 masked %le3A_1489 : memref<256xf32, #tpu.memory_space<vmem>>[vector<16xi32>], vector<16xf32>, vector<16xi1>
          %all_reduce_population_count3A_1502 = tpu.all_reduce %le3A_1489 {dim = 0 : i64, kind = #tpu.reduction_kind<sum>} : vector<16xi1> -> vector<16xi32>
          %add3A_1503 = arith.addi %add3A_1483, %all_reduce_population_count3A_1502 : vector<16xi32>
          %sub3A_1504 = arith.subf %gather3A_1281, %gather3A_82 : vector<16xf32>
          %sub3A_1505 = arith.subf %gather3A_1286, %gather3A_86 : vector<16xf32>
          %mul3A_1506 = arith.mulf %sub3A_1504, %sub3A_1504 : vector<16xf32>
          %mul3A_1507 = arith.mulf %sub3A_1505, %sub3A_1505 : vector<16xf32>
          %add3A_1508 = arith.addf %mul3A_1506, %mul3A_1507 : vector<16xf32>
          %le3A_1509 = arith.cmpf ole, %add3A_1508, %mul3A_106 : vector<16xf32>
          %convert_element_type3A_1510 = arith.extui %le3A_1509 : vector<16xi1> to vector<16xi32>
          %broadcast_in_dim3A_1511 = arith.constant true
          %broadcast_in_dim3A_1512 = vector.broadcast %broadcast_in_dim3A_1511 : i1 to vector<16xi1>
          %masked_cumsum3A_1513 = tpu.scan <sum>, %convert_element_type3A_1510 masked %broadcast_in_dim3A_1512 : vector<16xi32>, vector<16xi1> -> vector<16xi32>
          %min3A_1514 = arith.minsi %add3A_1503, %broadcast_in_dim3A_154 : vector<16xi32>
          %add3A_1515 = arith.addi %min3A_1514, %masked_cumsum3A_1513 : vector<16xi32>
          %add3A_1516 = arith.constant 127 : i32
          %add3A_1517 = vector.broadcast %add3A_1516 : i32 to vector<16xi32>
          %add3A_1518 = arith.addi %add3A_1515, %add3A_1517 : vector<16xi32>
          %add3A_1519 = arith.constant 8.000000e+01 : f32
          %add3A_1520 = vector.broadcast %add3A_1519 : f32 to vector<16xf32>
          %add3A_1521 = arith.addf %convert_element_type3A_1152, %add3A_1520 : vector<16xf32>
          tpu.vector_store_idx %arg7[%add3A_1518], %add3A_1521 masked %le3A_1509 : memref<256xf32, #tpu.memory_space<vmem>>[vector<16xi32>], vector<16xf32>, vector<16xi1>
          %all_reduce_population_count3A_1522 = tpu.all_reduce %le3A_1509 {dim = 0 : i64, kind = #tpu.reduction_kind<sum>} : vector<16xi1> -> vector<16xi32>
          %add3A_1523 = arith.addi %add3A_1503, %all_reduce_population_count3A_1522 : vector<16xi32>
          %sub3A_1524 = arith.subf %gather3A_1303, %gather3A_82 : vector<16xf32>
          %sub3A_1525 = arith.subf %gather3A_1308, %gather3A_86 : vector<16xf32>
          %mul3A_1526 = arith.mulf %sub3A_1524, %sub3A_1524 : vector<16xf32>
          %mul3A_1527 = arith.mulf %sub3A_1525, %sub3A_1525 : vector<16xf32>
          %add3A_1528 = arith.addf %mul3A_1526, %mul3A_1527 : vector<16xf32>
          %le3A_1529 = arith.cmpf ole, %add3A_1528, %mul3A_106 : vector<16xf32>
          %convert_element_type3A_1530 = arith.extui %le3A_1529 : vector<16xi1> to vector<16xi32>
          %broadcast_in_dim3A_1531 = arith.constant true
          %broadcast_in_dim3A_1532 = vector.broadcast %broadcast_in_dim3A_1531 : i1 to vector<16xi1>
          %masked_cumsum3A_1533 = tpu.scan <sum>, %convert_element_type3A_1530 masked %broadcast_in_dim3A_1532 : vector<16xi32>, vector<16xi1> -> vector<16xi32>
          %min3A_1534 = arith.minsi %add3A_1523, %broadcast_in_dim3A_154 : vector<16xi32>
          %add3A_1535 = arith.addi %min3A_1534, %masked_cumsum3A_1533 : vector<16xi32>
          %add3A_1536 = arith.constant 127 : i32
          %add3A_1537 = vector.broadcast %add3A_1536 : i32 to vector<16xi32>
          %add3A_1538 = arith.addi %add3A_1535, %add3A_1537 : vector<16xi32>
          %add3A_1539 = arith.constant 9.600000e+01 : f32
          %add3A_1540 = vector.broadcast %add3A_1539 : f32 to vector<16xf32>
          %add3A_1541 = arith.addf %convert_element_type3A_1152, %add3A_1540 : vector<16xf32>
          tpu.vector_store_idx %arg7[%add3A_1538], %add3A_1541 masked %le3A_1529 : memref<256xf32, #tpu.memory_space<vmem>>[vector<16xi32>], vector<16xf32>, vector<16xi1>
          %all_reduce_population_count3A_1542 = tpu.all_reduce %le3A_1529 {dim = 0 : i64, kind = #tpu.reduction_kind<sum>} : vector<16xi1> -> vector<16xi32>
          %add3A_1543 = arith.addi %add3A_1523, %all_reduce_population_count3A_1542 : vector<16xi32>
          %sub3A_1544 = arith.subf %gather3A_1325, %gather3A_82 : vector<16xf32>
          %sub3A_1545 = arith.subf %gather3A_1330, %gather3A_86 : vector<16xf32>
          %mul3A_1546 = arith.mulf %sub3A_1544, %sub3A_1544 : vector<16xf32>
          %mul3A_1547 = arith.mulf %sub3A_1545, %sub3A_1545 : vector<16xf32>
          %add3A_1548 = arith.addf %mul3A_1546, %mul3A_1547 : vector<16xf32>
          %le3A_1549 = arith.cmpf ole, %add3A_1548, %mul3A_106 : vector<16xf32>
          %convert_element_type3A_1550 = arith.extui %le3A_1549 : vector<16xi1> to vector<16xi32>
          %broadcast_in_dim3A_1551 = arith.constant true
          %broadcast_in_dim3A_1552 = vector.broadcast %broadcast_in_dim3A_1551 : i1 to vector<16xi1>
          %masked_cumsum3A_1553 = tpu.scan <sum>, %convert_element_type3A_1550 masked %broadcast_in_dim3A_1552 : vector<16xi32>, vector<16xi1> -> vector<16xi32>
          %min3A_1554 = arith.minsi %add3A_1543, %broadcast_in_dim3A_154 : vector<16xi32>
          %add3A_1555 = arith.addi %min3A_1554, %masked_cumsum3A_1553 : vector<16xi32>
          %add3A_1556 = arith.constant 127 : i32
          %add3A_1557 = vector.broadcast %add3A_1556 : i32 to vector<16xi32>
          %add3A_1558 = arith.addi %add3A_1555, %add3A_1557 : vector<16xi32>
          %add3A_1559 = arith.constant 1.120000e+02 : f32
          %add3A_1560 = vector.broadcast %add3A_1559 : f32 to vector<16xf32>
          %add3A_1561 = arith.addf %convert_element_type3A_1152, %add3A_1560 : vector<16xf32>
          tpu.vector_store_idx %arg7[%add3A_1558], %add3A_1561 masked %le3A_1549 : memref<256xf32, #tpu.memory_space<vmem>>[vector<16xi32>], vector<16xf32>, vector<16xi1>
          %all_reduce_population_count3A_1562 = tpu.all_reduce %le3A_1549 {dim = 0 : i64, kind = #tpu.reduction_kind<sum>} : vector<16xi1> -> vector<16xi32>
          %add3A_1563 = arith.addi %add3A_1543, %all_reduce_population_count3A_1562 : vector<16xi32>
          %sub3A_1564 = arith.subf %gather3A_1347, %gather3A_82 : vector<16xf32>
          %sub3A_1565 = arith.subf %gather3A_1352, %gather3A_86 : vector<16xf32>
          %mul3A_1566 = arith.mulf %sub3A_1564, %sub3A_1564 : vector<16xf32>
          %mul3A_1567 = arith.mulf %sub3A_1565, %sub3A_1565 : vector<16xf32>
          %add3A_1568 = arith.addf %mul3A_1566, %mul3A_1567 : vector<16xf32>
          %le3A_1569 = arith.cmpf ole, %add3A_1568, %mul3A_106 : vector<16xf32>
          %convert_element_type3A_1570 = arith.extui %le3A_1569 : vector<16xi1> to vector<16xi32>
          %broadcast_in_dim3A_1571 = arith.constant true
          %broadcast_in_dim3A_1572 = vector.broadcast %broadcast_in_dim3A_1571 : i1 to vector<16xi1>
          %masked_cumsum3A_1573 = tpu.scan <sum>, %convert_element_type3A_1570 masked %broadcast_in_dim3A_1572 : vector<16xi32>, vector<16xi1> -> vector<16xi32>
          %min3A_1574 = arith.minsi %add3A_1563, %broadcast_in_dim3A_154 : vector<16xi32>
          %add3A_1575 = arith.addi %min3A_1574, %masked_cumsum3A_1573 : vector<16xi32>
          %add3A_1576 = arith.constant 127 : i32
          %add3A_1577 = vector.broadcast %add3A_1576 : i32 to vector<16xi32>
          %add3A_1578 = arith.addi %add3A_1575, %add3A_1577 : vector<16xi32>
          %add3A_1579 = arith.constant 1.280000e+02 : f32
          %add3A_1580 = vector.broadcast %add3A_1579 : f32 to vector<16xf32>
          %add3A_1581 = arith.addf %convert_element_type3A_1152, %add3A_1580 : vector<16xf32>
          tpu.vector_store_idx %arg7[%add3A_1578], %add3A_1581 masked %le3A_1569 : memref<256xf32, #tpu.memory_space<vmem>>[vector<16xi32>], vector<16xf32>, vector<16xi1>
          %all_reduce_population_count3A_1582 = tpu.all_reduce %le3A_1569 {dim = 0 : i64, kind = #tpu.reduction_kind<sum>} : vector<16xi1> -> vector<16xi32>
          %add3A_1583 = arith.addi %add3A_1563, %all_reduce_population_count3A_1582 : vector<16xi32>
          %sub3A_1584 = arith.subf %gather3A_1369, %gather3A_82 : vector<16xf32>
          %sub3A_1585 = arith.subf %gather3A_1374, %gather3A_86 : vector<16xf32>
          %mul3A_1586 = arith.mulf %sub3A_1584, %sub3A_1584 : vector<16xf32>
          %mul3A_1587 = arith.mulf %sub3A_1585, %sub3A_1585 : vector<16xf32>
          %add3A_1588 = arith.addf %mul3A_1586, %mul3A_1587 : vector<16xf32>
          %le3A_1589 = arith.cmpf ole, %add3A_1588, %mul3A_106 : vector<16xf32>
          %convert_element_type3A_1590 = arith.extui %le3A_1589 : vector<16xi1> to vector<16xi32>
          %broadcast_in_dim3A_1591 = arith.constant true
          %broadcast_in_dim3A_1592 = vector.broadcast %broadcast_in_dim3A_1591 : i1 to vector<16xi1>
          %masked_cumsum3A_1593 = tpu.scan <sum>, %convert_element_type3A_1590 masked %broadcast_in_dim3A_1592 : vector<16xi32>, vector<16xi1> -> vector<16xi32>
          %min3A_1594 = arith.minsi %add3A_1583, %broadcast_in_dim3A_154 : vector<16xi32>
          %add3A_1595 = arith.addi %min3A_1594, %masked_cumsum3A_1593 : vector<16xi32>
          %add3A_1596 = arith.constant 127 : i32
          %add3A_1597 = vector.broadcast %add3A_1596 : i32 to vector<16xi32>
          %add3A_1598 = arith.addi %add3A_1595, %add3A_1597 : vector<16xi32>
          %add3A_1599 = arith.constant 1.440000e+02 : f32
          %add3A_1600 = vector.broadcast %add3A_1599 : f32 to vector<16xf32>
          %add3A_1601 = arith.addf %convert_element_type3A_1152, %add3A_1600 : vector<16xf32>
          tpu.vector_store_idx %arg7[%add3A_1598], %add3A_1601 masked %le3A_1589 : memref<256xf32, #tpu.memory_space<vmem>>[vector<16xi32>], vector<16xf32>, vector<16xi1>
          %all_reduce_population_count3A_1602 = tpu.all_reduce %le3A_1589 {dim = 0 : i64, kind = #tpu.reduction_kind<sum>} : vector<16xi1> -> vector<16xi32>
          %add3A_1603 = arith.addi %add3A_1583, %all_reduce_population_count3A_1602 : vector<16xi32>
          scf.yield %add3A_1603 : vector<16xi32>
        } else {
          scf.yield %while3A_1143 : vector<16xi32>
        }
        %slice3A_1398 = vector.extract_strided_slice %while3A_1144 {offsets = [0], sizes = [1], strides = [1]} : vector<16xi32> to vector<1xi32>
        %squeeze3A_1399 = vector.extract %slice3A_1398[0] : i32 from vector<1xi32>
        %lt3A_1400 = arith.constant 32 : i32
        %lt3A_1401 = arith.cmpi slt, %squeeze3A_1399, %lt3A_1400 : i32
        %convert_element_type3A_1402 = arith.extui %lt3A_1401 : i1 to i32
        %cond3A_1403 = arith.constant 0 : i32
        %cond3A_1404 = arith.cmpi ne, %convert_element_type3A_1402, %cond3A_1403 : i32
        %cond3A_1405 = scf.if %cond3A_1404 -> (vector<16xi32>) {
          %sub3A = arith.subf %gather3A_1171, %gather3A_120 : vector<16xf32>
          %sub3A_1408 = arith.subf %gather3A_1176, %gather3A_124 : vector<16xf32>
          %mul3A_1409 = arith.mulf %sub3A, %sub3A : vector<16xf32>
          %mul3A_1410 = arith.mulf %sub3A_1408, %sub3A_1408 : vector<16xf32>
          %add3A_1411 = arith.addf %mul3A_1409, %mul3A_1410 : vector<16xf32>
          %le3A = arith.cmpf ole, %add3A_1411, %mul3A_144 : vector<16xf32>
          %convert_element_type3A_1412 = arith.extui %le3A : vector<16xi1> to vector<16xi32>
          %broadcast_in_dim3A_1413 = arith.constant true
          %broadcast_in_dim3A_1414 = vector.broadcast %broadcast_in_dim3A_1413 : i1 to vector<16xi1>
          %masked_cumsum3A = tpu.scan <sum>, %convert_element_type3A_1412 masked %broadcast_in_dim3A_1414 : vector<16xi32>, vector<16xi1> -> vector<16xi32>
          %min3A_1415 = arith.minsi %while3A_1144, %broadcast_in_dim3A_154 : vector<16xi32>
          %add3A_1416 = arith.addi %min3A_1415, %masked_cumsum3A : vector<16xi32>
          %add3A_1417 = arith.constant 191 : i32
          %add3A_1418 = vector.broadcast %add3A_1417 : i32 to vector<16xi32>
          %add3A_1419 = arith.addi %add3A_1416, %add3A_1418 : vector<16xi32>
          %add3A_1420 = arith.constant 0.000000e+00 : f32
          %add3A_1421 = vector.broadcast %add3A_1420 : f32 to vector<16xf32>
          %add3A_1422 = arith.addf %convert_element_type3A_1152, %add3A_1421 : vector<16xf32>
          tpu.vector_store_idx %arg7[%add3A_1419], %add3A_1422 masked %le3A : memref<256xf32, #tpu.memory_space<vmem>>[vector<16xi32>], vector<16xf32>, vector<16xi1>
          %all_reduce_population_count3A = tpu.all_reduce %le3A {dim = 0 : i64, kind = #tpu.reduction_kind<sum>} : vector<16xi1> -> vector<16xi32>
          %add3A_1423 = arith.addi %while3A_1144, %all_reduce_population_count3A : vector<16xi32>
          %sub3A_1424 = arith.subf %gather3A_1193, %gather3A_120 : vector<16xf32>
          %sub3A_1425 = arith.subf %gather3A_1198, %gather3A_124 : vector<16xf32>
          %mul3A_1426 = arith.mulf %sub3A_1424, %sub3A_1424 : vector<16xf32>
          %mul3A_1427 = arith.mulf %sub3A_1425, %sub3A_1425 : vector<16xf32>
          %add3A_1428 = arith.addf %mul3A_1426, %mul3A_1427 : vector<16xf32>
          %le3A_1429 = arith.cmpf ole, %add3A_1428, %mul3A_144 : vector<16xf32>
          %convert_element_type3A_1430 = arith.extui %le3A_1429 : vector<16xi1> to vector<16xi32>
          %broadcast_in_dim3A_1431 = arith.constant true
          %broadcast_in_dim3A_1432 = vector.broadcast %broadcast_in_dim3A_1431 : i1 to vector<16xi1>
          %masked_cumsum3A_1433 = tpu.scan <sum>, %convert_element_type3A_1430 masked %broadcast_in_dim3A_1432 : vector<16xi32>, vector<16xi1> -> vector<16xi32>
          %min3A_1434 = arith.minsi %add3A_1423, %broadcast_in_dim3A_154 : vector<16xi32>
          %add3A_1435 = arith.addi %min3A_1434, %masked_cumsum3A_1433 : vector<16xi32>
          %add3A_1436 = arith.constant 191 : i32
          %add3A_1437 = vector.broadcast %add3A_1436 : i32 to vector<16xi32>
          %add3A_1438 = arith.addi %add3A_1435, %add3A_1437 : vector<16xi32>
          %add3A_1439 = arith.constant 1.600000e+01 : f32
          %add3A_1440 = vector.broadcast %add3A_1439 : f32 to vector<16xf32>
          %add3A_1441 = arith.addf %convert_element_type3A_1152, %add3A_1440 : vector<16xf32>
          tpu.vector_store_idx %arg7[%add3A_1438], %add3A_1441 masked %le3A_1429 : memref<256xf32, #tpu.memory_space<vmem>>[vector<16xi32>], vector<16xf32>, vector<16xi1>
          %all_reduce_population_count3A_1442 = tpu.all_reduce %le3A_1429 {dim = 0 : i64, kind = #tpu.reduction_kind<sum>} : vector<16xi1> -> vector<16xi32>
          %add3A_1443 = arith.addi %add3A_1423, %all_reduce_population_count3A_1442 : vector<16xi32>
          %sub3A_1444 = arith.subf %gather3A_1215, %gather3A_120 : vector<16xf32>
          %sub3A_1445 = arith.subf %gather3A_1220, %gather3A_124 : vector<16xf32>
          %mul3A_1446 = arith.mulf %sub3A_1444, %sub3A_1444 : vector<16xf32>
          %mul3A_1447 = arith.mulf %sub3A_1445, %sub3A_1445 : vector<16xf32>
          %add3A_1448 = arith.addf %mul3A_1446, %mul3A_1447 : vector<16xf32>
          %le3A_1449 = arith.cmpf ole, %add3A_1448, %mul3A_144 : vector<16xf32>
          %convert_element_type3A_1450 = arith.extui %le3A_1449 : vector<16xi1> to vector<16xi32>
          %broadcast_in_dim3A_1451 = arith.constant true
          %broadcast_in_dim3A_1452 = vector.broadcast %broadcast_in_dim3A_1451 : i1 to vector<16xi1>
          %masked_cumsum3A_1453 = tpu.scan <sum>, %convert_element_type3A_1450 masked %broadcast_in_dim3A_1452 : vector<16xi32>, vector<16xi1> -> vector<16xi32>
          %min3A_1454 = arith.minsi %add3A_1443, %broadcast_in_dim3A_154 : vector<16xi32>
          %add3A_1455 = arith.addi %min3A_1454, %masked_cumsum3A_1453 : vector<16xi32>
          %add3A_1456 = arith.constant 191 : i32
          %add3A_1457 = vector.broadcast %add3A_1456 : i32 to vector<16xi32>
          %add3A_1458 = arith.addi %add3A_1455, %add3A_1457 : vector<16xi32>
          %add3A_1459 = arith.constant 3.200000e+01 : f32
          %add3A_1460 = vector.broadcast %add3A_1459 : f32 to vector<16xf32>
          %add3A_1461 = arith.addf %convert_element_type3A_1152, %add3A_1460 : vector<16xf32>
          tpu.vector_store_idx %arg7[%add3A_1458], %add3A_1461 masked %le3A_1449 : memref<256xf32, #tpu.memory_space<vmem>>[vector<16xi32>], vector<16xf32>, vector<16xi1>
          %all_reduce_population_count3A_1462 = tpu.all_reduce %le3A_1449 {dim = 0 : i64, kind = #tpu.reduction_kind<sum>} : vector<16xi1> -> vector<16xi32>
          %add3A_1463 = arith.addi %add3A_1443, %all_reduce_population_count3A_1462 : vector<16xi32>
          %sub3A_1464 = arith.subf %gather3A_1237, %gather3A_120 : vector<16xf32>
          %sub3A_1465 = arith.subf %gather3A_1242, %gather3A_124 : vector<16xf32>
          %mul3A_1466 = arith.mulf %sub3A_1464, %sub3A_1464 : vector<16xf32>
          %mul3A_1467 = arith.mulf %sub3A_1465, %sub3A_1465 : vector<16xf32>
          %add3A_1468 = arith.addf %mul3A_1466, %mul3A_1467 : vector<16xf32>
          %le3A_1469 = arith.cmpf ole, %add3A_1468, %mul3A_144 : vector<16xf32>
          %convert_element_type3A_1470 = arith.extui %le3A_1469 : vector<16xi1> to vector<16xi32>
          %broadcast_in_dim3A_1471 = arith.constant true
          %broadcast_in_dim3A_1472 = vector.broadcast %broadcast_in_dim3A_1471 : i1 to vector<16xi1>
          %masked_cumsum3A_1473 = tpu.scan <sum>, %convert_element_type3A_1470 masked %broadcast_in_dim3A_1472 : vector<16xi32>, vector<16xi1> -> vector<16xi32>
          %min3A_1474 = arith.minsi %add3A_1463, %broadcast_in_dim3A_154 : vector<16xi32>
          %add3A_1475 = arith.addi %min3A_1474, %masked_cumsum3A_1473 : vector<16xi32>
          %add3A_1476 = arith.constant 191 : i32
          %add3A_1477 = vector.broadcast %add3A_1476 : i32 to vector<16xi32>
          %add3A_1478 = arith.addi %add3A_1475, %add3A_1477 : vector<16xi32>
          %add3A_1479 = arith.constant 4.800000e+01 : f32
          %add3A_1480 = vector.broadcast %add3A_1479 : f32 to vector<16xf32>
          %add3A_1481 = arith.addf %convert_element_type3A_1152, %add3A_1480 : vector<16xf32>
          tpu.vector_store_idx %arg7[%add3A_1478], %add3A_1481 masked %le3A_1469 : memref<256xf32, #tpu.memory_space<vmem>>[vector<16xi32>], vector<16xf32>, vector<16xi1>
          %all_reduce_population_count3A_1482 = tpu.all_reduce %le3A_1469 {dim = 0 : i64, kind = #tpu.reduction_kind<sum>} : vector<16xi1> -> vector<16xi32>
          %add3A_1483 = arith.addi %add3A_1463, %all_reduce_population_count3A_1482 : vector<16xi32>
          %sub3A_1484 = arith.subf %gather3A_1259, %gather3A_120 : vector<16xf32>
          %sub3A_1485 = arith.subf %gather3A_1264, %gather3A_124 : vector<16xf32>
          %mul3A_1486 = arith.mulf %sub3A_1484, %sub3A_1484 : vector<16xf32>
          %mul3A_1487 = arith.mulf %sub3A_1485, %sub3A_1485 : vector<16xf32>
          %add3A_1488 = arith.addf %mul3A_1486, %mul3A_1487 : vector<16xf32>
          %le3A_1489 = arith.cmpf ole, %add3A_1488, %mul3A_144 : vector<16xf32>
          %convert_element_type3A_1490 = arith.extui %le3A_1489 : vector<16xi1> to vector<16xi32>
          %broadcast_in_dim3A_1491 = arith.constant true
          %broadcast_in_dim3A_1492 = vector.broadcast %broadcast_in_dim3A_1491 : i1 to vector<16xi1>
          %masked_cumsum3A_1493 = tpu.scan <sum>, %convert_element_type3A_1490 masked %broadcast_in_dim3A_1492 : vector<16xi32>, vector<16xi1> -> vector<16xi32>
          %min3A_1494 = arith.minsi %add3A_1483, %broadcast_in_dim3A_154 : vector<16xi32>
          %add3A_1495 = arith.addi %min3A_1494, %masked_cumsum3A_1493 : vector<16xi32>
          %add3A_1496 = arith.constant 191 : i32
          %add3A_1497 = vector.broadcast %add3A_1496 : i32 to vector<16xi32>
          %add3A_1498 = arith.addi %add3A_1495, %add3A_1497 : vector<16xi32>
          %add3A_1499 = arith.constant 6.400000e+01 : f32
          %add3A_1500 = vector.broadcast %add3A_1499 : f32 to vector<16xf32>
          %add3A_1501 = arith.addf %convert_element_type3A_1152, %add3A_1500 : vector<16xf32>
          tpu.vector_store_idx %arg7[%add3A_1498], %add3A_1501 masked %le3A_1489 : memref<256xf32, #tpu.memory_space<vmem>>[vector<16xi32>], vector<16xf32>, vector<16xi1>
          %all_reduce_population_count3A_1502 = tpu.all_reduce %le3A_1489 {dim = 0 : i64, kind = #tpu.reduction_kind<sum>} : vector<16xi1> -> vector<16xi32>
          %add3A_1503 = arith.addi %add3A_1483, %all_reduce_population_count3A_1502 : vector<16xi32>
          %sub3A_1504 = arith.subf %gather3A_1281, %gather3A_120 : vector<16xf32>
          %sub3A_1505 = arith.subf %gather3A_1286, %gather3A_124 : vector<16xf32>
          %mul3A_1506 = arith.mulf %sub3A_1504, %sub3A_1504 : vector<16xf32>
          %mul3A_1507 = arith.mulf %sub3A_1505, %sub3A_1505 : vector<16xf32>
          %add3A_1508 = arith.addf %mul3A_1506, %mul3A_1507 : vector<16xf32>
          %le3A_1509 = arith.cmpf ole, %add3A_1508, %mul3A_144 : vector<16xf32>
          %convert_element_type3A_1510 = arith.extui %le3A_1509 : vector<16xi1> to vector<16xi32>
          %broadcast_in_dim3A_1511 = arith.constant true
          %broadcast_in_dim3A_1512 = vector.broadcast %broadcast_in_dim3A_1511 : i1 to vector<16xi1>
          %masked_cumsum3A_1513 = tpu.scan <sum>, %convert_element_type3A_1510 masked %broadcast_in_dim3A_1512 : vector<16xi32>, vector<16xi1> -> vector<16xi32>
          %min3A_1514 = arith.minsi %add3A_1503, %broadcast_in_dim3A_154 : vector<16xi32>
          %add3A_1515 = arith.addi %min3A_1514, %masked_cumsum3A_1513 : vector<16xi32>
          %add3A_1516 = arith.constant 191 : i32
          %add3A_1517 = vector.broadcast %add3A_1516 : i32 to vector<16xi32>
          %add3A_1518 = arith.addi %add3A_1515, %add3A_1517 : vector<16xi32>
          %add3A_1519 = arith.constant 8.000000e+01 : f32
          %add3A_1520 = vector.broadcast %add3A_1519 : f32 to vector<16xf32>
          %add3A_1521 = arith.addf %convert_element_type3A_1152, %add3A_1520 : vector<16xf32>
          tpu.vector_store_idx %arg7[%add3A_1518], %add3A_1521 masked %le3A_1509 : memref<256xf32, #tpu.memory_space<vmem>>[vector<16xi32>], vector<16xf32>, vector<16xi1>
          %all_reduce_population_count3A_1522 = tpu.all_reduce %le3A_1509 {dim = 0 : i64, kind = #tpu.reduction_kind<sum>} : vector<16xi1> -> vector<16xi32>
          %add3A_1523 = arith.addi %add3A_1503, %all_reduce_population_count3A_1522 : vector<16xi32>
          %sub3A_1524 = arith.subf %gather3A_1303, %gather3A_120 : vector<16xf32>
          %sub3A_1525 = arith.subf %gather3A_1308, %gather3A_124 : vector<16xf32>
          %mul3A_1526 = arith.mulf %sub3A_1524, %sub3A_1524 : vector<16xf32>
          %mul3A_1527 = arith.mulf %sub3A_1525, %sub3A_1525 : vector<16xf32>
          %add3A_1528 = arith.addf %mul3A_1526, %mul3A_1527 : vector<16xf32>
          %le3A_1529 = arith.cmpf ole, %add3A_1528, %mul3A_144 : vector<16xf32>
          %convert_element_type3A_1530 = arith.extui %le3A_1529 : vector<16xi1> to vector<16xi32>
          %broadcast_in_dim3A_1531 = arith.constant true
          %broadcast_in_dim3A_1532 = vector.broadcast %broadcast_in_dim3A_1531 : i1 to vector<16xi1>
          %masked_cumsum3A_1533 = tpu.scan <sum>, %convert_element_type3A_1530 masked %broadcast_in_dim3A_1532 : vector<16xi32>, vector<16xi1> -> vector<16xi32>
          %min3A_1534 = arith.minsi %add3A_1523, %broadcast_in_dim3A_154 : vector<16xi32>
          %add3A_1535 = arith.addi %min3A_1534, %masked_cumsum3A_1533 : vector<16xi32>
          %add3A_1536 = arith.constant 191 : i32
          %add3A_1537 = vector.broadcast %add3A_1536 : i32 to vector<16xi32>
          %add3A_1538 = arith.addi %add3A_1535, %add3A_1537 : vector<16xi32>
          %add3A_1539 = arith.constant 9.600000e+01 : f32
          %add3A_1540 = vector.broadcast %add3A_1539 : f32 to vector<16xf32>
          %add3A_1541 = arith.addf %convert_element_type3A_1152, %add3A_1540 : vector<16xf32>
          tpu.vector_store_idx %arg7[%add3A_1538], %add3A_1541 masked %le3A_1529 : memref<256xf32, #tpu.memory_space<vmem>>[vector<16xi32>], vector<16xf32>, vector<16xi1>
          %all_reduce_population_count3A_1542 = tpu.all_reduce %le3A_1529 {dim = 0 : i64, kind = #tpu.reduction_kind<sum>} : vector<16xi1> -> vector<16xi32>
          %add3A_1543 = arith.addi %add3A_1523, %all_reduce_population_count3A_1542 : vector<16xi32>
          %sub3A_1544 = arith.subf %gather3A_1325, %gather3A_120 : vector<16xf32>
          %sub3A_1545 = arith.subf %gather3A_1330, %gather3A_124 : vector<16xf32>
          %mul3A_1546 = arith.mulf %sub3A_1544, %sub3A_1544 : vector<16xf32>
          %mul3A_1547 = arith.mulf %sub3A_1545, %sub3A_1545 : vector<16xf32>
          %add3A_1548 = arith.addf %mul3A_1546, %mul3A_1547 : vector<16xf32>
          %le3A_1549 = arith.cmpf ole, %add3A_1548, %mul3A_144 : vector<16xf32>
          %convert_element_type3A_1550 = arith.extui %le3A_1549 : vector<16xi1> to vector<16xi32>
          %broadcast_in_dim3A_1551 = arith.constant true
          %broadcast_in_dim3A_1552 = vector.broadcast %broadcast_in_dim3A_1551 : i1 to vector<16xi1>
          %masked_cumsum3A_1553 = tpu.scan <sum>, %convert_element_type3A_1550 masked %broadcast_in_dim3A_1552 : vector<16xi32>, vector<16xi1> -> vector<16xi32>
          %min3A_1554 = arith.minsi %add3A_1543, %broadcast_in_dim3A_154 : vector<16xi32>
          %add3A_1555 = arith.addi %min3A_1554, %masked_cumsum3A_1553 : vector<16xi32>
          %add3A_1556 = arith.constant 191 : i32
          %add3A_1557 = vector.broadcast %add3A_1556 : i32 to vector<16xi32>
          %add3A_1558 = arith.addi %add3A_1555, %add3A_1557 : vector<16xi32>
          %add3A_1559 = arith.constant 1.120000e+02 : f32
          %add3A_1560 = vector.broadcast %add3A_1559 : f32 to vector<16xf32>
          %add3A_1561 = arith.addf %convert_element_type3A_1152, %add3A_1560 : vector<16xf32>
          tpu.vector_store_idx %arg7[%add3A_1558], %add3A_1561 masked %le3A_1549 : memref<256xf32, #tpu.memory_space<vmem>>[vector<16xi32>], vector<16xf32>, vector<16xi1>
          %all_reduce_population_count3A_1562 = tpu.all_reduce %le3A_1549 {dim = 0 : i64, kind = #tpu.reduction_kind<sum>} : vector<16xi1> -> vector<16xi32>
          %add3A_1563 = arith.addi %add3A_1543, %all_reduce_population_count3A_1562 : vector<16xi32>
          %sub3A_1564 = arith.subf %gather3A_1347, %gather3A_120 : vector<16xf32>
          %sub3A_1565 = arith.subf %gather3A_1352, %gather3A_124 : vector<16xf32>
          %mul3A_1566 = arith.mulf %sub3A_1564, %sub3A_1564 : vector<16xf32>
          %mul3A_1567 = arith.mulf %sub3A_1565, %sub3A_1565 : vector<16xf32>
          %add3A_1568 = arith.addf %mul3A_1566, %mul3A_1567 : vector<16xf32>
          %le3A_1569 = arith.cmpf ole, %add3A_1568, %mul3A_144 : vector<16xf32>
          %convert_element_type3A_1570 = arith.extui %le3A_1569 : vector<16xi1> to vector<16xi32>
          %broadcast_in_dim3A_1571 = arith.constant true
          %broadcast_in_dim3A_1572 = vector.broadcast %broadcast_in_dim3A_1571 : i1 to vector<16xi1>
          %masked_cumsum3A_1573 = tpu.scan <sum>, %convert_element_type3A_1570 masked %broadcast_in_dim3A_1572 : vector<16xi32>, vector<16xi1> -> vector<16xi32>
          %min3A_1574 = arith.minsi %add3A_1563, %broadcast_in_dim3A_154 : vector<16xi32>
          %add3A_1575 = arith.addi %min3A_1574, %masked_cumsum3A_1573 : vector<16xi32>
          %add3A_1576 = arith.constant 191 : i32
          %add3A_1577 = vector.broadcast %add3A_1576 : i32 to vector<16xi32>
          %add3A_1578 = arith.addi %add3A_1575, %add3A_1577 : vector<16xi32>
          %add3A_1579 = arith.constant 1.280000e+02 : f32
          %add3A_1580 = vector.broadcast %add3A_1579 : f32 to vector<16xf32>
          %add3A_1581 = arith.addf %convert_element_type3A_1152, %add3A_1580 : vector<16xf32>
          tpu.vector_store_idx %arg7[%add3A_1578], %add3A_1581 masked %le3A_1569 : memref<256xf32, #tpu.memory_space<vmem>>[vector<16xi32>], vector<16xf32>, vector<16xi1>
          %all_reduce_population_count3A_1582 = tpu.all_reduce %le3A_1569 {dim = 0 : i64, kind = #tpu.reduction_kind<sum>} : vector<16xi1> -> vector<16xi32>
          %add3A_1583 = arith.addi %add3A_1563, %all_reduce_population_count3A_1582 : vector<16xi32>
          %sub3A_1584 = arith.subf %gather3A_1369, %gather3A_120 : vector<16xf32>
          %sub3A_1585 = arith.subf %gather3A_1374, %gather3A_124 : vector<16xf32>
          %mul3A_1586 = arith.mulf %sub3A_1584, %sub3A_1584 : vector<16xf32>
          %mul3A_1587 = arith.mulf %sub3A_1585, %sub3A_1585 : vector<16xf32>
          %add3A_1588 = arith.addf %mul3A_1586, %mul3A_1587 : vector<16xf32>
          %le3A_1589 = arith.cmpf ole, %add3A_1588, %mul3A_144 : vector<16xf32>
          %convert_element_type3A_1590 = arith.extui %le3A_1589 : vector<16xi1> to vector<16xi32>
          %broadcast_in_dim3A_1591 = arith.constant true
          %broadcast_in_dim3A_1592 = vector.broadcast %broadcast_in_dim3A_1591 : i1 to vector<16xi1>
          %masked_cumsum3A_1593 = tpu.scan <sum>, %convert_element_type3A_1590 masked %broadcast_in_dim3A_1592 : vector<16xi32>, vector<16xi1> -> vector<16xi32>
          %min3A_1594 = arith.minsi %add3A_1583, %broadcast_in_dim3A_154 : vector<16xi32>
          %add3A_1595 = arith.addi %min3A_1594, %masked_cumsum3A_1593 : vector<16xi32>
          %add3A_1596 = arith.constant 191 : i32
          %add3A_1597 = vector.broadcast %add3A_1596 : i32 to vector<16xi32>
          %add3A_1598 = arith.addi %add3A_1595, %add3A_1597 : vector<16xi32>
          %add3A_1599 = arith.constant 1.440000e+02 : f32
          %add3A_1600 = vector.broadcast %add3A_1599 : f32 to vector<16xf32>
          %add3A_1601 = arith.addf %convert_element_type3A_1152, %add3A_1600 : vector<16xf32>
          tpu.vector_store_idx %arg7[%add3A_1598], %add3A_1601 masked %le3A_1589 : memref<256xf32, #tpu.memory_space<vmem>>[vector<16xi32>], vector<16xf32>, vector<16xi1>
          %all_reduce_population_count3A_1602 = tpu.all_reduce %le3A_1589 {dim = 0 : i64, kind = #tpu.reduction_kind<sum>} : vector<16xi1> -> vector<16xi32>
          %add3A_1603 = arith.addi %add3A_1583, %all_reduce_population_count3A_1602 : vector<16xi32>
          scf.yield %add3A_1603 : vector<16xi32>
        } else {
          scf.yield %while3A_1144 : vector<16xi32>
        }
        %add3A_1406 = arith.constant 1 : i32
        %add3A_1407 = arith.addi %while3A_1140, %add3A_1406 : i32
        scf.yield %while3A_1127, %add3A_1407, %cond3A_1381, %cond3A_1389, %cond3A_1397, %cond3A_1405 : i32, i32, vector<16xi32>, vector<16xi32>, vector<16xi32>, vector<16xi32>
      }
      %add3A_1137 = arith.constant 1 : i32
      %add3A_1138 = arith.addi %while3A_1127, %add3A_1137 : i32
      scf.yield %add3A_1138, %while3A_1136#1, %while3A_1136#2, %while3A_1136#3, %while3A_1136#4, %while3A_1136#5 : i32, i32, vector<16xi32>, vector<16xi32>, vector<16xi32>, vector<16xi32>
    }
    %slice3A = vector.extract_strided_slice %while3A_158#2 {offsets = [0], sizes = [1], strides = [1]} : vector<16xi32> to vector<1xi32>
    %squeeze3A = vector.extract %slice3A[0] : i32 from vector<1xi32>
    %slice3A_159 = vector.extract_strided_slice %while3A_158#3 {offsets = [0], sizes = [1], strides = [1]} : vector<16xi32> to vector<1xi32>
    %squeeze3A_160 = vector.extract %slice3A_159[0] : i32 from vector<1xi32>
    %slice3A_161 = vector.extract_strided_slice %while3A_158#4 {offsets = [0], sizes = [1], strides = [1]} : vector<16xi32> to vector<1xi32>
    %squeeze3A_162 = vector.extract %slice3A_161[0] : i32 from vector<1xi32>
    %slice3A_163 = vector.extract_strided_slice %while3A_158#5 {offsets = [0], sizes = [1], strides = [1]} : vector<16xi32> to vector<1xi32>
    %squeeze3A_164 = vector.extract %slice3A_163[0] : i32 from vector<1xi32>
    %broadcast_in_dim3A_165 = arith.constant 62499 : i32
    %broadcast_in_dim3A_166 = vector.broadcast %broadcast_in_dim3A_165 : i32 to vector<16xi32>
    %min3A = arith.constant 32 : i32
    %min3A_167 = arith.minsi %squeeze3A, %min3A : i32
    %get3A = arith.constant 0 : index
    %get3A_168 = tpu.vector_load %arg7[%get3A] {strides = array<i32>} : memref<256xf32, #tpu.memory_space<vmem>>, vector<16xf32>,
    %convert_element_type3A = arith.fptosi %get3A_168 : vector<16xf32> to vector<16xi32>
    %add3A_169 = arith.constant 0 : i32
    %add3A_170 = vector.broadcast %add3A_169 : i32 to vector<16xi32>
    %add3A_171 = arith.addi %add3A_170, %iota3A : vector<16xi32>
    %lt3A = vector.broadcast %min3A_167 : i32 to vector<16xi32>
    %lt3A_172 = arith.cmpi slt, %add3A_171, %lt3A : vector<16xi32>
    %jit3A = arith.constant 0 : i32
    %broadcast_in_dim3A_173 = vector.broadcast %jit3A : i32 to vector<16xi32>
    %select_n3A = arith.select %lt3A_172, %convert_element_type3A, %broadcast_in_dim3A_173 : vector<16xi1>, vector<16xi32>
    %mul3A_174 = arith.constant 5 : i32
    %mul3A_175 = vector.broadcast %mul3A_174 : i32 to vector<16xi32>
    %mul3A_176 = arith.muli %select_n3A, %mul3A_175 : vector<16xi32>
    %shift_right_arithmetic3A = arith.constant 3 : i32
    %shift_right_arithmetic3A_177 = vector.broadcast %shift_right_arithmetic3A : i32 to vector<16xi32>
    %shift_right_arithmetic3A_178 = arith.shrsi %mul3A_176, %shift_right_arithmetic3A_177 : vector<16xi32>
    %add3A_179 = arith.constant 0 : i32
    %add3A_180 = vector.broadcast %add3A_179 : i32 to vector<16xi32>
    %add3A_181 = arith.addi %add3A_180, %iota3A : vector<16xi32>
    %mul3A_182 = arith.constant 2 : i32
    %mul3A_183 = vector.broadcast %mul3A_182 : i32 to vector<16xi32>
    %mul3A_184 = arith.muli %add3A_181, %mul3A_183 : vector<16xi32>
    tpu.vector_store_idx %arg8[%mul3A_184], %shift_right_arithmetic3A_178 : memref<256xi32, #tpu.memory_space<vmem>>[vector<16xi32>], vector<16xi32>,
    %add3A_185 = arith.constant 1 : i32
    %add3A_186 = vector.broadcast %add3A_185 : i32 to vector<16xi32>
    %add3A_187 = arith.addi %mul3A_184, %add3A_186 : vector<16xi32>
    %add3A_188 = arith.constant 1 : i32
    %add3A_189 = vector.broadcast %add3A_188 : i32 to vector<16xi32>
    %add3A_190 = arith.addi %shift_right_arithmetic3A_178, %add3A_189 : vector<16xi32>
    %min3A_191 = arith.minsi %add3A_190, %broadcast_in_dim3A_166 : vector<16xi32>
    tpu.vector_store_idx %arg8[%add3A_187], %min3A_191 : memref<256xi32, #tpu.memory_space<vmem>>[vector<16xi32>], vector<16xi32>,
    %get3A_192 = arith.constant 16 : index
    %get3A_193 = tpu.vector_load %arg7[%get3A_192] {strides = array<i32>} : memref<256xf32, #tpu.memory_space<vmem>>, vector<16xf32>,
    %convert_element_type3A_194 = arith.fptosi %get3A_193 : vector<16xf32> to vector<16xi32>
    %add3A_195 = arith.constant 16 : i32
    %add3A_196 = vector.broadcast %add3A_195 : i32 to vector<16xi32>
    %add3A_197 = arith.addi %add3A_196, %iota3A : vector<16xi32>
    %lt3A_198 = vector.broadcast %min3A_167 : i32 to vector<16xi32>
    %lt3A_199 = arith.cmpi slt, %add3A_197, %lt3A_198 : vector<16xi32>
    %jit3A_200 = arith.constant 0 : i32
    %broadcast_in_dim3A_201 = vector.broadcast %jit3A_200 : i32 to vector<16xi32>
    %select_n3A_202 = arith.select %lt3A_199, %convert_element_type3A_194, %broadcast_in_dim3A_201 : vector<16xi1>, vector<16xi32>
    %mul3A_203 = arith.constant 5 : i32
    %mul3A_204 = vector.broadcast %mul3A_203 : i32 to vector<16xi32>
    %mul3A_205 = arith.muli %select_n3A_202, %mul3A_204 : vector<16xi32>
    %shift_right_arithmetic3A_206 = arith.constant 3 : i32
    %shift_right_arithmetic3A_207 = vector.broadcast %shift_right_arithmetic3A_206 : i32 to vector<16xi32>
    %shift_right_arithmetic3A_208 = arith.shrsi %mul3A_205, %shift_right_arithmetic3A_207 : vector<16xi32>
    %add3A_209 = arith.constant 16 : i32
    %add3A_210 = vector.broadcast %add3A_209 : i32 to vector<16xi32>
    %add3A_211 = arith.addi %add3A_210, %iota3A : vector<16xi32>
    %mul3A_212 = arith.constant 2 : i32
    %mul3A_213 = vector.broadcast %mul3A_212 : i32 to vector<16xi32>
    %mul3A_214 = arith.muli %add3A_211, %mul3A_213 : vector<16xi32>
    tpu.vector_store_idx %arg8[%mul3A_214], %shift_right_arithmetic3A_208 : memref<256xi32, #tpu.memory_space<vmem>>[vector<16xi32>], vector<16xi32>,
    %add3A_215 = arith.constant 1 : i32
    %add3A_216 = vector.broadcast %add3A_215 : i32 to vector<16xi32>
    %add3A_217 = arith.addi %mul3A_214, %add3A_216 : vector<16xi32>
    %add3A_218 = arith.constant 1 : i32
    %add3A_219 = vector.broadcast %add3A_218 : i32 to vector<16xi32>
    %add3A_220 = arith.addi %shift_right_arithmetic3A_208, %add3A_219 : vector<16xi32>
    %min3A_221 = arith.minsi %add3A_220, %broadcast_in_dim3A_166 : vector<16xi32>
    tpu.vector_store_idx %arg8[%add3A_217], %min3A_221 : memref<256xi32, #tpu.memory_space<vmem>>[vector<16xi32>], vector<16xi32>,
    %min3A_222 = arith.constant 32 : i32
    %min3A_223 = arith.minsi %squeeze3A_160, %min3A_222 : i32
    %get3A_224 = arith.constant 64 : index
    %get3A_225 = tpu.vector_load %arg7[%get3A_224] {strides = array<i32>} : memref<256xf32, #tpu.memory_space<vmem>>, vector<16xf32>,
    %convert_element_type3A_226 = arith.fptosi %get3A_225 : vector<16xf32> to vector<16xi32>
    %add3A_227 = arith.constant 0 : i32
    %add3A_228 = vector.broadcast %add3A_227 : i32 to vector<16xi32>
    %add3A_229 = arith.addi %add3A_228, %iota3A : vector<16xi32>
    %lt3A_230 = vector.broadcast %min3A_223 : i32 to vector<16xi32>
    %lt3A_231 = arith.cmpi slt, %add3A_229, %lt3A_230 : vector<16xi32>
    %jit3A_232 = arith.constant 0 : i32
    %broadcast_in_dim3A_233 = vector.broadcast %jit3A_232 : i32 to vector<16xi32>
    %select_n3A_234 = arith.select %lt3A_231, %convert_element_type3A_226, %broadcast_in_dim3A_233 : vector<16xi1>, vector<16xi32>
    %mul3A_235 = arith.constant 5 : i32
    %mul3A_236 = vector.broadcast %mul3A_235 : i32 to vector<16xi32>
    %mul3A_237 = arith.muli %select_n3A_234, %mul3A_236 : vector<16xi32>
    %shift_right_arithmetic3A_238 = arith.constant 3 : i32
    %shift_right_arithmetic3A_239 = vector.broadcast %shift_right_arithmetic3A_238 : i32 to vector<16xi32>
    %shift_right_arithmetic3A_240 = arith.shrsi %mul3A_237, %shift_right_arithmetic3A_239 : vector<16xi32>
    %add3A_241 = arith.constant 32 : i32
    %add3A_242 = vector.broadcast %add3A_241 : i32 to vector<16xi32>
    %add3A_243 = arith.addi %add3A_242, %iota3A : vector<16xi32>
    %mul3A_244 = arith.constant 2 : i32
    %mul3A_245 = vector.broadcast %mul3A_244 : i32 to vector<16xi32>
    %mul3A_246 = arith.muli %add3A_243, %mul3A_245 : vector<16xi32>
    tpu.vector_store_idx %arg8[%mul3A_246], %shift_right_arithmetic3A_240 : memref<256xi32, #tpu.memory_space<vmem>>[vector<16xi32>], vector<16xi32>,
    %add3A_247 = arith.constant 1 : i32
    %add3A_248 = vector.broadcast %add3A_247 : i32 to vector<16xi32>
    %add3A_249 = arith.addi %mul3A_246, %add3A_248 : vector<16xi32>
    %add3A_250 = arith.constant 1 : i32
    %add3A_251 = vector.broadcast %add3A_250 : i32 to vector<16xi32>
    %add3A_252 = arith.addi %shift_right_arithmetic3A_240, %add3A_251 : vector<16xi32>
    %min3A_253 = arith.minsi %add3A_252, %broadcast_in_dim3A_166 : vector<16xi32>
    tpu.vector_store_idx %arg8[%add3A_249], %min3A_253 : memref<256xi32, #tpu.memory_space<vmem>>[vector<16xi32>], vector<16xi32>,
    %get3A_254 = arith.constant 80 : index
    %get3A_255 = tpu.vector_load %arg7[%get3A_254] {strides = array<i32>} : memref<256xf32, #tpu.memory_space<vmem>>, vector<16xf32>,
    %convert_element_type3A_256 = arith.fptosi %get3A_255 : vector<16xf32> to vector<16xi32>
    %add3A_257 = arith.constant 16 : i32
    %add3A_258 = vector.broadcast %add3A_257 : i32 to vector<16xi32>
    %add3A_259 = arith.addi %add3A_258, %iota3A : vector<16xi32>
    %lt3A_260 = vector.broadcast %min3A_223 : i32 to vector<16xi32>
    %lt3A_261 = arith.cmpi slt, %add3A_259, %lt3A_260 : vector<16xi32>
    %jit3A_262 = arith.constant 0 : i32
    %broadcast_in_dim3A_263 = vector.broadcast %jit3A_262 : i32 to vector<16xi32>
    %select_n3A_264 = arith.select %lt3A_261, %convert_element_type3A_256, %broadcast_in_dim3A_263 : vector<16xi1>, vector<16xi32>
    %mul3A_265 = arith.constant 5 : i32
    %mul3A_266 = vector.broadcast %mul3A_265 : i32 to vector<16xi32>
    %mul3A_267 = arith.muli %select_n3A_264, %mul3A_266 : vector<16xi32>
    %shift_right_arithmetic3A_268 = arith.constant 3 : i32
    %shift_right_arithmetic3A_269 = vector.broadcast %shift_right_arithmetic3A_268 : i32 to vector<16xi32>
    %shift_right_arithmetic3A_270 = arith.shrsi %mul3A_267, %shift_right_arithmetic3A_269 : vector<16xi32>
    %add3A_271 = arith.constant 48 : i32
    %add3A_272 = vector.broadcast %add3A_271 : i32 to vector<16xi32>
    %add3A_273 = arith.addi %add3A_272, %iota3A : vector<16xi32>
    %mul3A_274 = arith.constant 2 : i32
    %mul3A_275 = vector.broadcast %mul3A_274 : i32 to vector<16xi32>
    %mul3A_276 = arith.muli %add3A_273, %mul3A_275 : vector<16xi32>
    tpu.vector_store_idx %arg8[%mul3A_276], %shift_right_arithmetic3A_270 : memref<256xi32, #tpu.memory_space<vmem>>[vector<16xi32>], vector<16xi32>,
    %add3A_277 = arith.constant 1 : i32
    %add3A_278 = vector.broadcast %add3A_277 : i32 to vector<16xi32>
    %add3A_279 = arith.addi %mul3A_276, %add3A_278 : vector<16xi32>
    %add3A_280 = arith.constant 1 : i32
    %add3A_281 = vector.broadcast %add3A_280 : i32 to vector<16xi32>
    %add3A_282 = arith.addi %shift_right_arithmetic3A_270, %add3A_281 : vector<16xi32>
    %min3A_283 = arith.minsi %add3A_282, %broadcast_in_dim3A_166 : vector<16xi32>
    tpu.vector_store_idx %arg8[%add3A_279], %min3A_283 : memref<256xi32, #tpu.memory_space<vmem>>[vector<16xi32>], vector<16xi32>,
    %min3A_284 = arith.constant 32 : i32
    %min3A_285 = arith.minsi %squeeze3A_162, %min3A_284 : i32
    %get3A_286 = arith.constant 128 : index
    %get3A_287 = tpu.vector_load %arg7[%get3A_286] {strides = array<i32>} : memref<256xf32, #tpu.memory_space<vmem>>, vector<16xf32>,
    %convert_element_type3A_288 = arith.fptosi %get3A_287 : vector<16xf32> to vector<16xi32>
    %add3A_289 = arith.constant 0 : i32
    %add3A_290 = vector.broadcast %add3A_289 : i32 to vector<16xi32>
    %add3A_291 = arith.addi %add3A_290, %iota3A : vector<16xi32>
    %lt3A_292 = vector.broadcast %min3A_285 : i32 to vector<16xi32>
    %lt3A_293 = arith.cmpi slt, %add3A_291, %lt3A_292 : vector<16xi32>
    %jit3A_294 = arith.constant 0 : i32
    %broadcast_in_dim3A_295 = vector.broadcast %jit3A_294 : i32 to vector<16xi32>
    %select_n3A_296 = arith.select %lt3A_293, %convert_element_type3A_288, %broadcast_in_dim3A_295 : vector<16xi1>, vector<16xi32>
    %mul3A_297 = arith.constant 5 : i32
    %mul3A_298 = vector.broadcast %mul3A_297 : i32 to vector<16xi32>
    %mul3A_299 = arith.muli %select_n3A_296, %mul3A_298 : vector<16xi32>
    %shift_right_arithmetic3A_300 = arith.constant 3 : i32
    %shift_right_arithmetic3A_301 = vector.broadcast %shift_right_arithmetic3A_300 : i32 to vector<16xi32>
    %shift_right_arithmetic3A_302 = arith.shrsi %mul3A_299, %shift_right_arithmetic3A_301 : vector<16xi32>
    %add3A_303 = arith.constant 64 : i32
    %add3A_304 = vector.broadcast %add3A_303 : i32 to vector<16xi32>
    %add3A_305 = arith.addi %add3A_304, %iota3A : vector<16xi32>
    %mul3A_306 = arith.constant 2 : i32
    %mul3A_307 = vector.broadcast %mul3A_306 : i32 to vector<16xi32>
    %mul3A_308 = arith.muli %add3A_305, %mul3A_307 : vector<16xi32>
    tpu.vector_store_idx %arg8[%mul3A_308], %shift_right_arithmetic3A_302 : memref<256xi32, #tpu.memory_space<vmem>>[vector<16xi32>], vector<16xi32>,
    %add3A_309 = arith.constant 1 : i32
    %add3A_310 = vector.broadcast %add3A_309 : i32 to vector<16xi32>
    %add3A_311 = arith.addi %mul3A_308, %add3A_310 : vector<16xi32>
    %add3A_312 = arith.constant 1 : i32
    %add3A_313 = vector.broadcast %add3A_312 : i32 to vector<16xi32>
    %add3A_314 = arith.addi %shift_right_arithmetic3A_302, %add3A_313 : vector<16xi32>
    %min3A_315 = arith.minsi %add3A_314, %broadcast_in_dim3A_166 : vector<16xi32>
    tpu.vector_store_idx %arg8[%add3A_311], %min3A_315 : memref<256xi32, #tpu.memory_space<vmem>>[vector<16xi32>], vector<16xi32>,
    %get3A_316 = arith.constant 144 : index
    %get3A_317 = tpu.vector_load %arg7[%get3A_316] {strides = array<i32>} : memref<256xf32, #tpu.memory_space<vmem>>, vector<16xf32>,
    %convert_element_type3A_318 = arith.fptosi %get3A_317 : vector<16xf32> to vector<16xi32>
    %add3A_319 = arith.constant 16 : i32
    %add3A_320 = vector.broadcast %add3A_319 : i32 to vector<16xi32>
    %add3A_321 = arith.addi %add3A_320, %iota3A : vector<16xi32>
    %lt3A_322 = vector.broadcast %min3A_285 : i32 to vector<16xi32>
    %lt3A_323 = arith.cmpi slt, %add3A_321, %lt3A_322 : vector<16xi32>
    %jit3A_324 = arith.constant 0 : i32
    %broadcast_in_dim3A_325 = vector.broadcast %jit3A_324 : i32 to vector<16xi32>
    %select_n3A_326 = arith.select %lt3A_323, %convert_element_type3A_318, %broadcast_in_dim3A_325 : vector<16xi1>, vector<16xi32>
    %mul3A_327 = arith.constant 5 : i32
    %mul3A_328 = vector.broadcast %mul3A_327 : i32 to vector<16xi32>
    %mul3A_329 = arith.muli %select_n3A_326, %mul3A_328 : vector<16xi32>
    %shift_right_arithmetic3A_330 = arith.constant 3 : i32
    %shift_right_arithmetic3A_331 = vector.broadcast %shift_right_arithmetic3A_330 : i32 to vector<16xi32>
    %shift_right_arithmetic3A_332 = arith.shrsi %mul3A_329, %shift_right_arithmetic3A_331 : vector<16xi32>
    %add3A_333 = arith.constant 80 : i32
    %add3A_334 = vector.broadcast %add3A_333 : i32 to vector<16xi32>
    %add3A_335 = arith.addi %add3A_334, %iota3A : vector<16xi32>
    %mul3A_336 = arith.constant 2 : i32
    %mul3A_337 = vector.broadcast %mul3A_336 : i32 to vector<16xi32>
    %mul3A_338 = arith.muli %add3A_335, %mul3A_337 : vector<16xi32>
    tpu.vector_store_idx %arg8[%mul3A_338], %shift_right_arithmetic3A_332 : memref<256xi32, #tpu.memory_space<vmem>>[vector<16xi32>], vector<16xi32>,
    %add3A_339 = arith.constant 1 : i32
    %add3A_340 = vector.broadcast %add3A_339 : i32 to vector<16xi32>
    %add3A_341 = arith.addi %mul3A_338, %add3A_340 : vector<16xi32>
    %add3A_342 = arith.constant 1 : i32
    %add3A_343 = vector.broadcast %add3A_342 : i32 to vector<16xi32>
    %add3A_344 = arith.addi %shift_right_arithmetic3A_332, %add3A_343 : vector<16xi32>
    %min3A_345 = arith.minsi %add3A_344, %broadcast_in_dim3A_166 : vector<16xi32>
    tpu.vector_store_idx %arg8[%add3A_341], %min3A_345 : memref<256xi32, #tpu.memory_space<vmem>>[vector<16xi32>], vector<16xi32>,
    %min3A_346 = arith.constant 32 : i32
    %min3A_347 = arith.minsi %squeeze3A_164, %min3A_346 : i32
    %get3A_348 = arith.constant 192 : index
    %get3A_349 = tpu.vector_load %arg7[%get3A_348] {strides = array<i32>} : memref<256xf32, #tpu.memory_space<vmem>>, vector<16xf32>,
    %convert_element_type3A_350 = arith.fptosi %get3A_349 : vector<16xf32> to vector<16xi32>
    %add3A_351 = arith.constant 0 : i32
    %add3A_352 = vector.broadcast %add3A_351 : i32 to vector<16xi32>
    %add3A_353 = arith.addi %add3A_352, %iota3A : vector<16xi32>
    %lt3A_354 = vector.broadcast %min3A_347 : i32 to vector<16xi32>
    %lt3A_355 = arith.cmpi slt, %add3A_353, %lt3A_354 : vector<16xi32>
    %jit3A_356 = arith.constant 0 : i32
    %broadcast_in_dim3A_357 = vector.broadcast %jit3A_356 : i32 to vector<16xi32>
    %select_n3A_358 = arith.select %lt3A_355, %convert_element_type3A_350, %broadcast_in_dim3A_357 : vector<16xi1>, vector<16xi32>
    %mul3A_359 = arith.constant 5 : i32
    %mul3A_360 = vector.broadcast %mul3A_359 : i32 to vector<16xi32>
    %mul3A_361 = arith.muli %select_n3A_358, %mul3A_360 : vector<16xi32>
    %shift_right_arithmetic3A_362 = arith.constant 3 : i32
    %shift_right_arithmetic3A_363 = vector.broadcast %shift_right_arithmetic3A_362 : i32 to vector<16xi32>
    %shift_right_arithmetic3A_364 = arith.shrsi %mul3A_361, %shift_right_arithmetic3A_363 : vector<16xi32>
    %add3A_365 = arith.constant 96 : i32
    %add3A_366 = vector.broadcast %add3A_365 : i32 to vector<16xi32>
    %add3A_367 = arith.addi %add3A_366, %iota3A : vector<16xi32>
    %mul3A_368 = arith.constant 2 : i32
    %mul3A_369 = vector.broadcast %mul3A_368 : i32 to vector<16xi32>
    %mul3A_370 = arith.muli %add3A_367, %mul3A_369 : vector<16xi32>
    tpu.vector_store_idx %arg8[%mul3A_370], %shift_right_arithmetic3A_364 : memref<256xi32, #tpu.memory_space<vmem>>[vector<16xi32>], vector<16xi32>,
    %add3A_371 = arith.constant 1 : i32
    %add3A_372 = vector.broadcast %add3A_371 : i32 to vector<16xi32>
    %add3A_373 = arith.addi %mul3A_370, %add3A_372 : vector<16xi32>
    %add3A_374 = arith.constant 1 : i32
    %add3A_375 = vector.broadcast %add3A_374 : i32 to vector<16xi32>
    %add3A_376 = arith.addi %shift_right_arithmetic3A_364, %add3A_375 : vector<16xi32>
    %min3A_377 = arith.minsi %add3A_376, %broadcast_in_dim3A_166 : vector<16xi32>
    tpu.vector_store_idx %arg8[%add3A_373], %min3A_377 : memref<256xi32, #tpu.memory_space<vmem>>[vector<16xi32>], vector<16xi32>,
    %get3A_378 = arith.constant 208 : index
    %get3A_379 = tpu.vector_load %arg7[%get3A_378] {strides = array<i32>} : memref<256xf32, #tpu.memory_space<vmem>>, vector<16xf32>,
    %convert_element_type3A_380 = arith.fptosi %get3A_379 : vector<16xf32> to vector<16xi32>
    %add3A_381 = arith.constant 16 : i32
    %add3A_382 = vector.broadcast %add3A_381 : i32 to vector<16xi32>
    %add3A_383 = arith.addi %add3A_382, %iota3A : vector<16xi32>
    %lt3A_384 = vector.broadcast %min3A_347 : i32 to vector<16xi32>
    %lt3A_385 = arith.cmpi slt, %add3A_383, %lt3A_384 : vector<16xi32>
    %jit3A_386 = arith.constant 0 : i32
    %broadcast_in_dim3A_387 = vector.broadcast %jit3A_386 : i32 to vector<16xi32>
    %select_n3A_388 = arith.select %lt3A_385, %convert_element_type3A_380, %broadcast_in_dim3A_387 : vector<16xi1>, vector<16xi32>
    %mul3A_389 = arith.constant 5 : i32
    %mul3A_390 = vector.broadcast %mul3A_389 : i32 to vector<16xi32>
    %mul3A_391 = arith.muli %select_n3A_388, %mul3A_390 : vector<16xi32>
    %shift_right_arithmetic3A_392 = arith.constant 3 : i32
    %shift_right_arithmetic3A_393 = vector.broadcast %shift_right_arithmetic3A_392 : i32 to vector<16xi32>
    %shift_right_arithmetic3A_394 = arith.shrsi %mul3A_391, %shift_right_arithmetic3A_393 : vector<16xi32>
    %add3A_395 = arith.constant 112 : i32
    %add3A_396 = vector.broadcast %add3A_395 : i32 to vector<16xi32>
    %add3A_397 = arith.addi %add3A_396, %iota3A : vector<16xi32>
    %mul3A_398 = arith.constant 2 : i32
    %mul3A_399 = vector.broadcast %mul3A_398 : i32 to vector<16xi32>
    %mul3A_400 = arith.muli %add3A_397, %mul3A_399 : vector<16xi32>
    tpu.vector_store_idx %arg8[%mul3A_400], %shift_right_arithmetic3A_394 : memref<256xi32, #tpu.memory_space<vmem>>[vector<16xi32>], vector<16xi32>,
    %add3A_401 = arith.constant 1 : i32
    %add3A_402 = vector.broadcast %add3A_401 : i32 to vector<16xi32>
    %add3A_403 = arith.addi %mul3A_400, %add3A_402 : vector<16xi32>
    %add3A_404 = arith.constant 1 : i32
    %add3A_405 = vector.broadcast %add3A_404 : i32 to vector<16xi32>
    %add3A_406 = arith.addi %shift_right_arithmetic3A_394, %add3A_405 : vector<16xi32>
    %min3A_407 = arith.minsi %add3A_406, %broadcast_in_dim3A_166 : vector<16xi32>
    tpu.vector_store_idx %arg8[%add3A_403], %min3A_407 : memref<256xi32, #tpu.memory_space<vmem>>[vector<16xi32>], vector<16xi32>,
    %dma_start3A = arith.constant 0 : i32
    %dma_start3A_408 = arith.constant 0 : i32
    %dma_start3A_409 = tpu.memref_slice %arg2[%dma_start3A, %dma_start3A_408] : memref<62500x8xf32, #tpu.memory_space<hbm>> -> memref<62500x8xf32, #tpu.memory_space<hbm>>
    tpu.enqueue_indirect_dma source(%dma_start3A_409 : memref<62500x8xf32, #tpu.memory_space<hbm>>) target(%arg9 : memref<256x8xf32, #tpu.memory_space<vmem>>) offsets(%arg8 : memref<256xi32, #tpu.memory_space<vmem>>) semaphore(%arg11 : memref<!tpu.dma_semaphore, #tpu.memory_space<semaphore_mem>>)
    %dma_wait3A = arith.constant 0 : i32
    %dma_wait3A_410 = arith.constant 0 : i32
    %dma_wait3A_411 = tpu.memref_slice %arg2[%dma_wait3A, %dma_wait3A_410] : memref<62500x8xf32, #tpu.memory_space<hbm>> -> memref<62500x8xf32, #tpu.memory_space<hbm>>
    tpu.wait_indirect_dma semaphore(%arg11 : memref<!tpu.dma_semaphore, #tpu.memory_space<semaphore_mem>>) src(%dma_wait3A_411 : memref<62500x8xf32, #tpu.memory_space<hbm>>) dst(%arg9 : memref<256x8xf32, #tpu.memory_space<vmem>>)
    %broadcast_in_dim3A_412 = arith.constant 0.000000e+00 : f32
    %broadcast_in_dim3A_413 = vector.broadcast %broadcast_in_dim3A_412 : f32 to vector<16xf32>
    %broadcast_in_dim3A_414 = arith.constant 7 : i32
    %broadcast_in_dim3A_415 = vector.broadcast %broadcast_in_dim3A_414 : i32 to vector<16xi32>
    %min3A_416 = arith.constant 32 : i32
    %min3A_417 = arith.minsi %squeeze3A, %min3A_416 : i32
    %broadcast_in_dim3A_418 = arith.constant 0 : i32
    %broadcast_in_dim3A_419 = vector.broadcast %broadcast_in_dim3A_418 : i32 to vector<16xi32>
    %get3A_420 = arith.constant 0 : index
    %get3A_421 = tpu.vector_load %arg7[%get3A_420] {strides = array<i32>} : memref<256xf32, #tpu.memory_space<vmem>>, vector<16xf32>,
    %convert_element_type3A_422 = arith.fptosi %get3A_421 : vector<16xf32> to vector<16xi32>
    %add3A_423 = arith.constant 0 : i32
    %add3A_424 = vector.broadcast %add3A_423 : i32 to vector<16xi32>
    %add3A_425 = arith.addi %add3A_424, %iota3A : vector<16xi32>
    %lt3A_426 = vector.broadcast %min3A_417 : i32 to vector<16xi32>
    %lt3A_427 = arith.cmpi slt, %add3A_425, %lt3A_426 : vector<16xi32>
    %jit3A_428 = arith.constant 0 : i32
    %broadcast_in_dim3A_429 = vector.broadcast %jit3A_428 : i32 to vector<16xi32>
    %select_n3A_430 = arith.select %lt3A_427, %convert_element_type3A_422, %broadcast_in_dim3A_429 : vector<16xi1>, vector<16xi32>
    %mul3A_431 = arith.constant 5 : i32
    %mul3A_432 = vector.broadcast %mul3A_431 : i32 to vector<16xi32>
    %mul3A_433 = arith.muli %select_n3A_430, %mul3A_432 : vector<16xi32>
    %and3A = arith.andi %mul3A_433, %broadcast_in_dim3A_415 : vector<16xi32>
    %add3A_434 = arith.constant 0 : i32
    %add3A_435 = vector.broadcast %add3A_434 : i32 to vector<16xi32>
    %add3A_436 = arith.addi %add3A_435, %iota3A : vector<16xi32>
    %mul3A_437 = arith.constant 2 : i32
    %mul3A_438 = vector.broadcast %mul3A_437 : i32 to vector<16xi32>
    %mul3A_439 = arith.muli %add3A_436, %mul3A_438 : vector<16xi32>
    %add3A_440 = arith.constant 0 : i32
    %add3A_441 = vector.broadcast %add3A_440 : i32 to vector<16xi32>
    %add3A_442 = arith.addi %and3A, %add3A_441 : vector<16xi32>
    %shift_right_arithmetic3A_443 = arith.constant 3 : i32
    %shift_right_arithmetic3A_444 = vector.broadcast %shift_right_arithmetic3A_443 : i32 to vector<16xi32>
    %shift_right_arithmetic3A_445 = arith.shrsi %add3A_442, %shift_right_arithmetic3A_444 : vector<16xi32>
    %add3A_446 = arith.addi %mul3A_439, %shift_right_arithmetic3A_445 : vector<16xi32>
    %and3A_447 = arith.andi %add3A_442, %broadcast_in_dim3A_415 : vector<16xi32>
    %gather3A_448 = tpu.vector_load_idx %arg9[%add3A_446, %and3A_447] : memref<256x8xf32, #tpu.memory_space<vmem>>[vector<16xi32>, vector<16xi32>], vector<16xf32>,
    %broadcast_in_dim3A_449 = arith.constant 0 : i32
    %broadcast_in_dim3A_450 = vector.broadcast %broadcast_in_dim3A_449 : i32 to vector<16xi32>
    %select_n3A_451 = arith.select %lt3A_427, %gather3A_448, %broadcast_in_dim3A_413 : vector<16xi1>, vector<16xf32>
    tpu.vector_store_idx %arg10[%broadcast_in_dim3A_419, %add3A_425, %broadcast_in_dim3A_450], %select_n3A_451 : memref<4x32x7xf32, #tpu.memory_space<vmem>>[vector<16xi32>, vector<16xi32>, vector<16xi32>], vector<16xf32>,
    %add3A_452 = arith.constant 1 : i32
    %add3A_453 = vector.broadcast %add3A_452 : i32 to vector<16xi32>
    %add3A_454 = arith.addi %and3A, %add3A_453 : vector<16xi32>
    %shift_right_arithmetic3A_455 = arith.constant 3 : i32
    %shift_right_arithmetic3A_456 = vector.broadcast %shift_right_arithmetic3A_455 : i32 to vector<16xi32>
    %shift_right_arithmetic3A_457 = arith.shrsi %add3A_454, %shift_right_arithmetic3A_456 : vector<16xi32>
    %add3A_458 = arith.addi %mul3A_439, %shift_right_arithmetic3A_457 : vector<16xi32>
    %and3A_459 = arith.andi %add3A_454, %broadcast_in_dim3A_415 : vector<16xi32>
    %gather3A_460 = tpu.vector_load_idx %arg9[%add3A_458, %and3A_459] : memref<256x8xf32, #tpu.memory_space<vmem>>[vector<16xi32>, vector<16xi32>], vector<16xf32>,
    %broadcast_in_dim3A_461 = arith.constant 1 : i32
    %broadcast_in_dim3A_462 = vector.broadcast %broadcast_in_dim3A_461 : i32 to vector<16xi32>
    %select_n3A_463 = arith.select %lt3A_427, %gather3A_460, %broadcast_in_dim3A_413 : vector<16xi1>, vector<16xf32>
    tpu.vector_store_idx %arg10[%broadcast_in_dim3A_419, %add3A_425, %broadcast_in_dim3A_462], %select_n3A_463 : memref<4x32x7xf32, #tpu.memory_space<vmem>>[vector<16xi32>, vector<16xi32>, vector<16xi32>], vector<16xf32>,
    %add3A_464 = arith.constant 2 : i32
    %add3A_465 = vector.broadcast %add3A_464 : i32 to vector<16xi32>
    %add3A_466 = arith.addi %and3A, %add3A_465 : vector<16xi32>
    %shift_right_arithmetic3A_467 = arith.constant 3 : i32
    %shift_right_arithmetic3A_468 = vector.broadcast %shift_right_arithmetic3A_467 : i32 to vector<16xi32>
    %shift_right_arithmetic3A_469 = arith.shrsi %add3A_466, %shift_right_arithmetic3A_468 : vector<16xi32>
    %add3A_470 = arith.addi %mul3A_439, %shift_right_arithmetic3A_469 : vector<16xi32>
    %and3A_471 = arith.andi %add3A_466, %broadcast_in_dim3A_415 : vector<16xi32>
    %gather3A_472 = tpu.vector_load_idx %arg9[%add3A_470, %and3A_471] : memref<256x8xf32, #tpu.memory_space<vmem>>[vector<16xi32>, vector<16xi32>], vector<16xf32>,
    %broadcast_in_dim3A_473 = arith.constant 2 : i32
    %broadcast_in_dim3A_474 = vector.broadcast %broadcast_in_dim3A_473 : i32 to vector<16xi32>
    %select_n3A_475 = arith.select %lt3A_427, %gather3A_472, %broadcast_in_dim3A_413 : vector<16xi1>, vector<16xf32>
    tpu.vector_store_idx %arg10[%broadcast_in_dim3A_419, %add3A_425, %broadcast_in_dim3A_474], %select_n3A_475 : memref<4x32x7xf32, #tpu.memory_space<vmem>>[vector<16xi32>, vector<16xi32>, vector<16xi32>], vector<16xf32>,
    %add3A_476 = arith.constant 3 : i32
    %add3A_477 = vector.broadcast %add3A_476 : i32 to vector<16xi32>
    %add3A_478 = arith.addi %and3A, %add3A_477 : vector<16xi32>
    %shift_right_arithmetic3A_479 = arith.constant 3 : i32
    %shift_right_arithmetic3A_480 = vector.broadcast %shift_right_arithmetic3A_479 : i32 to vector<16xi32>
    %shift_right_arithmetic3A_481 = arith.shrsi %add3A_478, %shift_right_arithmetic3A_480 : vector<16xi32>
    %add3A_482 = arith.addi %mul3A_439, %shift_right_arithmetic3A_481 : vector<16xi32>
    %and3A_483 = arith.andi %add3A_478, %broadcast_in_dim3A_415 : vector<16xi32>
    %gather3A_484 = tpu.vector_load_idx %arg9[%add3A_482, %and3A_483] : memref<256x8xf32, #tpu.memory_space<vmem>>[vector<16xi32>, vector<16xi32>], vector<16xf32>,
    %broadcast_in_dim3A_485 = arith.constant 3 : i32
    %broadcast_in_dim3A_486 = vector.broadcast %broadcast_in_dim3A_485 : i32 to vector<16xi32>
    %select_n3A_487 = arith.select %lt3A_427, %gather3A_484, %broadcast_in_dim3A_413 : vector<16xi1>, vector<16xf32>
    tpu.vector_store_idx %arg10[%broadcast_in_dim3A_419, %add3A_425, %broadcast_in_dim3A_486], %select_n3A_487 : memref<4x32x7xf32, #tpu.memory_space<vmem>>[vector<16xi32>, vector<16xi32>, vector<16xi32>], vector<16xf32>,
    %add3A_488 = arith.constant 4 : i32
    %add3A_489 = vector.broadcast %add3A_488 : i32 to vector<16xi32>
    %add3A_490 = arith.addi %and3A, %add3A_489 : vector<16xi32>
    %shift_right_arithmetic3A_491 = arith.constant 3 : i32
    %shift_right_arithmetic3A_492 = vector.broadcast %shift_right_arithmetic3A_491 : i32 to vector<16xi32>
    %shift_right_arithmetic3A_493 = arith.shrsi %add3A_490, %shift_right_arithmetic3A_492 : vector<16xi32>
    %add3A_494 = arith.addi %mul3A_439, %shift_right_arithmetic3A_493 : vector<16xi32>
    %and3A_495 = arith.andi %add3A_490, %broadcast_in_dim3A_415 : vector<16xi32>
    %gather3A_496 = tpu.vector_load_idx %arg9[%add3A_494, %and3A_495] : memref<256x8xf32, #tpu.memory_space<vmem>>[vector<16xi32>, vector<16xi32>], vector<16xf32>,
    %broadcast_in_dim3A_497 = arith.constant 4 : i32
    %broadcast_in_dim3A_498 = vector.broadcast %broadcast_in_dim3A_497 : i32 to vector<16xi32>
    %select_n3A_499 = arith.select %lt3A_427, %gather3A_496, %broadcast_in_dim3A_413 : vector<16xi1>, vector<16xf32>
    tpu.vector_store_idx %arg10[%broadcast_in_dim3A_419, %add3A_425, %broadcast_in_dim3A_498], %select_n3A_499 : memref<4x32x7xf32, #tpu.memory_space<vmem>>[vector<16xi32>, vector<16xi32>, vector<16xi32>], vector<16xf32>,
    %broadcast_in_dim3A_500 = arith.constant 5 : i32
    %broadcast_in_dim3A_501 = vector.broadcast %broadcast_in_dim3A_500 : i32 to vector<16xi32>
    %broadcast_in_dim3A_502 = arith.constant 6 : i32
    %broadcast_in_dim3A_503 = vector.broadcast %broadcast_in_dim3A_502 : i32 to vector<16xi32>
    %select_n3A_504 = arith.select %lt3A_427, %gather3A_34, %broadcast_in_dim3A_413 : vector<16xi1>, vector<16xf32>
    tpu.vector_store_idx %arg10[%broadcast_in_dim3A_419, %add3A_425, %broadcast_in_dim3A_501], %select_n3A_504 : memref<4x32x7xf32, #tpu.memory_space<vmem>>[vector<16xi32>, vector<16xi32>, vector<16xi32>], vector<16xf32>,
    %select_n3A_505 = arith.select %lt3A_427, %gather3A_38, %broadcast_in_dim3A_413 : vector<16xi1>, vector<16xf32>
    tpu.vector_store_idx %arg10[%broadcast_in_dim3A_419, %add3A_425, %broadcast_in_dim3A_503], %select_n3A_505 : memref<4x32x7xf32, #tpu.memory_space<vmem>>[vector<16xi32>, vector<16xi32>, vector<16xi32>], vector<16xf32>,
    %get3A_506 = arith.constant 16 : index
    %get3A_507 = tpu.vector_load %arg7[%get3A_506] {strides = array<i32>} : memref<256xf32, #tpu.memory_space<vmem>>, vector<16xf32>,
    %convert_element_type3A_508 = arith.fptosi %get3A_507 : vector<16xf32> to vector<16xi32>
    %add3A_509 = arith.constant 16 : i32
    %add3A_510 = vector.broadcast %add3A_509 : i32 to vector<16xi32>
    %add3A_511 = arith.addi %add3A_510, %iota3A : vector<16xi32>
    %lt3A_512 = vector.broadcast %min3A_417 : i32 to vector<16xi32>
    %lt3A_513 = arith.cmpi slt, %add3A_511, %lt3A_512 : vector<16xi32>
    %jit3A_514 = arith.constant 0 : i32
    %broadcast_in_dim3A_515 = vector.broadcast %jit3A_514 : i32 to vector<16xi32>
    %select_n3A_516 = arith.select %lt3A_513, %convert_element_type3A_508, %broadcast_in_dim3A_515 : vector<16xi1>, vector<16xi32>
    %mul3A_517 = arith.constant 5 : i32
    %mul3A_518 = vector.broadcast %mul3A_517 : i32 to vector<16xi32>
    %mul3A_519 = arith.muli %select_n3A_516, %mul3A_518 : vector<16xi32>
    %and3A_520 = arith.andi %mul3A_519, %broadcast_in_dim3A_415 : vector<16xi32>
    %add3A_521 = arith.constant 16 : i32
    %add3A_522 = vector.broadcast %add3A_521 : i32 to vector<16xi32>
    %add3A_523 = arith.addi %add3A_522, %iota3A : vector<16xi32>
    %mul3A_524 = arith.constant 2 : i32
    %mul3A_525 = vector.broadcast %mul3A_524 : i32 to vector<16xi32>
    %mul3A_526 = arith.muli %add3A_523, %mul3A_525 : vector<16xi32>
    %add3A_527 = arith.constant 0 : i32
    %add3A_528 = vector.broadcast %add3A_527 : i32 to vector<16xi32>
    %add3A_529 = arith.addi %and3A_520, %add3A_528 : vector<16xi32>
    %shift_right_arithmetic3A_530 = arith.constant 3 : i32
    %shift_right_arithmetic3A_531 = vector.broadcast %shift_right_arithmetic3A_530 : i32 to vector<16xi32>
    %shift_right_arithmetic3A_532 = arith.shrsi %add3A_529, %shift_right_arithmetic3A_531 : vector<16xi32>
    %add3A_533 = arith.addi %mul3A_526, %shift_right_arithmetic3A_532 : vector<16xi32>
    %and3A_534 = arith.andi %add3A_529, %broadcast_in_dim3A_415 : vector<16xi32>
    %gather3A_535 = tpu.vector_load_idx %arg9[%add3A_533, %and3A_534] : memref<256x8xf32, #tpu.memory_space<vmem>>[vector<16xi32>, vector<16xi32>], vector<16xf32>,
    %broadcast_in_dim3A_536 = arith.constant 0 : i32
    %broadcast_in_dim3A_537 = vector.broadcast %broadcast_in_dim3A_536 : i32 to vector<16xi32>
    %select_n3A_538 = arith.select %lt3A_513, %gather3A_535, %broadcast_in_dim3A_413 : vector<16xi1>, vector<16xf32>
    tpu.vector_store_idx %arg10[%broadcast_in_dim3A_419, %add3A_511, %broadcast_in_dim3A_537], %select_n3A_538 : memref<4x32x7xf32, #tpu.memory_space<vmem>>[vector<16xi32>, vector<16xi32>, vector<16xi32>], vector<16xf32>,
    %add3A_539 = arith.constant 1 : i32
    %add3A_540 = vector.broadcast %add3A_539 : i32 to vector<16xi32>
    %add3A_541 = arith.addi %and3A_520, %add3A_540 : vector<16xi32>
    %shift_right_arithmetic3A_542 = arith.constant 3 : i32
    %shift_right_arithmetic3A_543 = vector.broadcast %shift_right_arithmetic3A_542 : i32 to vector<16xi32>
    %shift_right_arithmetic3A_544 = arith.shrsi %add3A_541, %shift_right_arithmetic3A_543 : vector<16xi32>
    %add3A_545 = arith.addi %mul3A_526, %shift_right_arithmetic3A_544 : vector<16xi32>
    %and3A_546 = arith.andi %add3A_541, %broadcast_in_dim3A_415 : vector<16xi32>
    %gather3A_547 = tpu.vector_load_idx %arg9[%add3A_545, %and3A_546] : memref<256x8xf32, #tpu.memory_space<vmem>>[vector<16xi32>, vector<16xi32>], vector<16xf32>,
    %broadcast_in_dim3A_548 = arith.constant 1 : i32
    %broadcast_in_dim3A_549 = vector.broadcast %broadcast_in_dim3A_548 : i32 to vector<16xi32>
    %select_n3A_550 = arith.select %lt3A_513, %gather3A_547, %broadcast_in_dim3A_413 : vector<16xi1>, vector<16xf32>
    tpu.vector_store_idx %arg10[%broadcast_in_dim3A_419, %add3A_511, %broadcast_in_dim3A_549], %select_n3A_550 : memref<4x32x7xf32, #tpu.memory_space<vmem>>[vector<16xi32>, vector<16xi32>, vector<16xi32>], vector<16xf32>,
    %add3A_551 = arith.constant 2 : i32
    %add3A_552 = vector.broadcast %add3A_551 : i32 to vector<16xi32>
    %add3A_553 = arith.addi %and3A_520, %add3A_552 : vector<16xi32>
    %shift_right_arithmetic3A_554 = arith.constant 3 : i32
    %shift_right_arithmetic3A_555 = vector.broadcast %shift_right_arithmetic3A_554 : i32 to vector<16xi32>
    %shift_right_arithmetic3A_556 = arith.shrsi %add3A_553, %shift_right_arithmetic3A_555 : vector<16xi32>
    %add3A_557 = arith.addi %mul3A_526, %shift_right_arithmetic3A_556 : vector<16xi32>
    %and3A_558 = arith.andi %add3A_553, %broadcast_in_dim3A_415 : vector<16xi32>
    %gather3A_559 = tpu.vector_load_idx %arg9[%add3A_557, %and3A_558] : memref<256x8xf32, #tpu.memory_space<vmem>>[vector<16xi32>, vector<16xi32>], vector<16xf32>,
    %broadcast_in_dim3A_560 = arith.constant 2 : i32
    %broadcast_in_dim3A_561 = vector.broadcast %broadcast_in_dim3A_560 : i32 to vector<16xi32>
    %select_n3A_562 = arith.select %lt3A_513, %gather3A_559, %broadcast_in_dim3A_413 : vector<16xi1>, vector<16xf32>
    tpu.vector_store_idx %arg10[%broadcast_in_dim3A_419, %add3A_511, %broadcast_in_dim3A_561], %select_n3A_562 : memref<4x32x7xf32, #tpu.memory_space<vmem>>[vector<16xi32>, vector<16xi32>, vector<16xi32>], vector<16xf32>,
    %add3A_563 = arith.constant 3 : i32
    %add3A_564 = vector.broadcast %add3A_563 : i32 to vector<16xi32>
    %add3A_565 = arith.addi %and3A_520, %add3A_564 : vector<16xi32>
    %shift_right_arithmetic3A_566 = arith.constant 3 : i32
    %shift_right_arithmetic3A_567 = vector.broadcast %shift_right_arithmetic3A_566 : i32 to vector<16xi32>
    %shift_right_arithmetic3A_568 = arith.shrsi %add3A_565, %shift_right_arithmetic3A_567 : vector<16xi32>
    %add3A_569 = arith.addi %mul3A_526, %shift_right_arithmetic3A_568 : vector<16xi32>
    %and3A_570 = arith.andi %add3A_565, %broadcast_in_dim3A_415 : vector<16xi32>
    %gather3A_571 = tpu.vector_load_idx %arg9[%add3A_569, %and3A_570] : memref<256x8xf32, #tpu.memory_space<vmem>>[vector<16xi32>, vector<16xi32>], vector<16xf32>,
    %broadcast_in_dim3A_572 = arith.constant 3 : i32
    %broadcast_in_dim3A_573 = vector.broadcast %broadcast_in_dim3A_572 : i32 to vector<16xi32>
    %select_n3A_574 = arith.select %lt3A_513, %gather3A_571, %broadcast_in_dim3A_413 : vector<16xi1>, vector<16xf32>
    tpu.vector_store_idx %arg10[%broadcast_in_dim3A_419, %add3A_511, %broadcast_in_dim3A_573], %select_n3A_574 : memref<4x32x7xf32, #tpu.memory_space<vmem>>[vector<16xi32>, vector<16xi32>, vector<16xi32>], vector<16xf32>,
    %add3A_575 = arith.constant 4 : i32
    %add3A_576 = vector.broadcast %add3A_575 : i32 to vector<16xi32>
    %add3A_577 = arith.addi %and3A_520, %add3A_576 : vector<16xi32>
    %shift_right_arithmetic3A_578 = arith.constant 3 : i32
    %shift_right_arithmetic3A_579 = vector.broadcast %shift_right_arithmetic3A_578 : i32 to vector<16xi32>
    %shift_right_arithmetic3A_580 = arith.shrsi %add3A_577, %shift_right_arithmetic3A_579 : vector<16xi32>
    %add3A_581 = arith.addi %mul3A_526, %shift_right_arithmetic3A_580 : vector<16xi32>
    %and3A_582 = arith.andi %add3A_577, %broadcast_in_dim3A_415 : vector<16xi32>
    %gather3A_583 = tpu.vector_load_idx %arg9[%add3A_581, %and3A_582] : memref<256x8xf32, #tpu.memory_space<vmem>>[vector<16xi32>, vector<16xi32>], vector<16xf32>,
    %broadcast_in_dim3A_584 = arith.constant 4 : i32
    %broadcast_in_dim3A_585 = vector.broadcast %broadcast_in_dim3A_584 : i32 to vector<16xi32>
    %select_n3A_586 = arith.select %lt3A_513, %gather3A_583, %broadcast_in_dim3A_413 : vector<16xi1>, vector<16xf32>
    tpu.vector_store_idx %arg10[%broadcast_in_dim3A_419, %add3A_511, %broadcast_in_dim3A_585], %select_n3A_586 : memref<4x32x7xf32, #tpu.memory_space<vmem>>[vector<16xi32>, vector<16xi32>, vector<16xi32>], vector<16xf32>,
    %broadcast_in_dim3A_587 = arith.constant 5 : i32
    %broadcast_in_dim3A_588 = vector.broadcast %broadcast_in_dim3A_587 : i32 to vector<16xi32>
    %broadcast_in_dim3A_589 = arith.constant 6 : i32
    %broadcast_in_dim3A_590 = vector.broadcast %broadcast_in_dim3A_589 : i32 to vector<16xi32>
    %select_n3A_591 = arith.select %lt3A_513, %gather3A_34, %broadcast_in_dim3A_413 : vector<16xi1>, vector<16xf32>
    tpu.vector_store_idx %arg10[%broadcast_in_dim3A_419, %add3A_511, %broadcast_in_dim3A_588], %select_n3A_591 : memref<4x32x7xf32, #tpu.memory_space<vmem>>[vector<16xi32>, vector<16xi32>, vector<16xi32>], vector<16xf32>,
    %select_n3A_592 = arith.select %lt3A_513, %gather3A_38, %broadcast_in_dim3A_413 : vector<16xi1>, vector<16xf32>
    tpu.vector_store_idx %arg10[%broadcast_in_dim3A_419, %add3A_511, %broadcast_in_dim3A_590], %select_n3A_592 : memref<4x32x7xf32, #tpu.memory_space<vmem>>[vector<16xi32>, vector<16xi32>, vector<16xi32>], vector<16xf32>,
    %min3A_593 = arith.constant 32 : i32
    %min3A_594 = arith.minsi %squeeze3A_160, %min3A_593 : i32
    %broadcast_in_dim3A_595 = arith.constant 1 : i32
    %broadcast_in_dim3A_596 = vector.broadcast %broadcast_in_dim3A_595 : i32 to vector<16xi32>
    %get3A_597 = arith.constant 64 : index
    %get3A_598 = tpu.vector_load %arg7[%get3A_597] {strides = array<i32>} : memref<256xf32, #tpu.memory_space<vmem>>, vector<16xf32>,
    %convert_element_type3A_599 = arith.fptosi %get3A_598 : vector<16xf32> to vector<16xi32>
    %add3A_600 = arith.constant 0 : i32
    %add3A_601 = vector.broadcast %add3A_600 : i32 to vector<16xi32>
    %add3A_602 = arith.addi %add3A_601, %iota3A : vector<16xi32>
    %lt3A_603 = vector.broadcast %min3A_594 : i32 to vector<16xi32>
    %lt3A_604 = arith.cmpi slt, %add3A_602, %lt3A_603 : vector<16xi32>
    %jit3A_605 = arith.constant 0 : i32
    %broadcast_in_dim3A_606 = vector.broadcast %jit3A_605 : i32 to vector<16xi32>
    %select_n3A_607 = arith.select %lt3A_604, %convert_element_type3A_599, %broadcast_in_dim3A_606 : vector<16xi1>, vector<16xi32>
    %mul3A_608 = arith.constant 5 : i32
    %mul3A_609 = vector.broadcast %mul3A_608 : i32 to vector<16xi32>
    %mul3A_610 = arith.muli %select_n3A_607, %mul3A_609 : vector<16xi32>
    %and3A_611 = arith.andi %mul3A_610, %broadcast_in_dim3A_415 : vector<16xi32>
    %add3A_612 = arith.constant 32 : i32
    %add3A_613 = vector.broadcast %add3A_612 : i32 to vector<16xi32>
    %add3A_614 = arith.addi %add3A_613, %iota3A : vector<16xi32>
    %mul3A_615 = arith.constant 2 : i32
    %mul3A_616 = vector.broadcast %mul3A_615 : i32 to vector<16xi32>
    %mul3A_617 = arith.muli %add3A_614, %mul3A_616 : vector<16xi32>
    %add3A_618 = arith.constant 0 : i32
    %add3A_619 = vector.broadcast %add3A_618 : i32 to vector<16xi32>
    %add3A_620 = arith.addi %and3A_611, %add3A_619 : vector<16xi32>
    %shift_right_arithmetic3A_621 = arith.constant 3 : i32
    %shift_right_arithmetic3A_622 = vector.broadcast %shift_right_arithmetic3A_621 : i32 to vector<16xi32>
    %shift_right_arithmetic3A_623 = arith.shrsi %add3A_620, %shift_right_arithmetic3A_622 : vector<16xi32>
    %add3A_624 = arith.addi %mul3A_617, %shift_right_arithmetic3A_623 : vector<16xi32>
    %and3A_625 = arith.andi %add3A_620, %broadcast_in_dim3A_415 : vector<16xi32>
    %gather3A_626 = tpu.vector_load_idx %arg9[%add3A_624, %and3A_625] : memref<256x8xf32, #tpu.memory_space<vmem>>[vector<16xi32>, vector<16xi32>], vector<16xf32>,
    %broadcast_in_dim3A_627 = arith.constant 0 : i32
    %broadcast_in_dim3A_628 = vector.broadcast %broadcast_in_dim3A_627 : i32 to vector<16xi32>
    %select_n3A_629 = arith.select %lt3A_604, %gather3A_626, %broadcast_in_dim3A_413 : vector<16xi1>, vector<16xf32>
    tpu.vector_store_idx %arg10[%broadcast_in_dim3A_596, %add3A_602, %broadcast_in_dim3A_628], %select_n3A_629 : memref<4x32x7xf32, #tpu.memory_space<vmem>>[vector<16xi32>, vector<16xi32>, vector<16xi32>], vector<16xf32>,
    %add3A_630 = arith.constant 1 : i32
    %add3A_631 = vector.broadcast %add3A_630 : i32 to vector<16xi32>
    %add3A_632 = arith.addi %and3A_611, %add3A_631 : vector<16xi32>
    %shift_right_arithmetic3A_633 = arith.constant 3 : i32
    %shift_right_arithmetic3A_634 = vector.broadcast %shift_right_arithmetic3A_633 : i32 to vector<16xi32>
    %shift_right_arithmetic3A_635 = arith.shrsi %add3A_632, %shift_right_arithmetic3A_634 : vector<16xi32>
    %add3A_636 = arith.addi %mul3A_617, %shift_right_arithmetic3A_635 : vector<16xi32>
    %and3A_637 = arith.andi %add3A_632, %broadcast_in_dim3A_415 : vector<16xi32>
    %gather3A_638 = tpu.vector_load_idx %arg9[%add3A_636, %and3A_637] : memref<256x8xf32, #tpu.memory_space<vmem>>[vector<16xi32>, vector<16xi32>], vector<16xf32>,
    %broadcast_in_dim3A_639 = arith.constant 1 : i32
    %broadcast_in_dim3A_640 = vector.broadcast %broadcast_in_dim3A_639 : i32 to vector<16xi32>
    %select_n3A_641 = arith.select %lt3A_604, %gather3A_638, %broadcast_in_dim3A_413 : vector<16xi1>, vector<16xf32>
    tpu.vector_store_idx %arg10[%broadcast_in_dim3A_596, %add3A_602, %broadcast_in_dim3A_640], %select_n3A_641 : memref<4x32x7xf32, #tpu.memory_space<vmem>>[vector<16xi32>, vector<16xi32>, vector<16xi32>], vector<16xf32>,
    %add3A_642 = arith.constant 2 : i32
    %add3A_643 = vector.broadcast %add3A_642 : i32 to vector<16xi32>
    %add3A_644 = arith.addi %and3A_611, %add3A_643 : vector<16xi32>
    %shift_right_arithmetic3A_645 = arith.constant 3 : i32
    %shift_right_arithmetic3A_646 = vector.broadcast %shift_right_arithmetic3A_645 : i32 to vector<16xi32>
    %shift_right_arithmetic3A_647 = arith.shrsi %add3A_644, %shift_right_arithmetic3A_646 : vector<16xi32>
    %add3A_648 = arith.addi %mul3A_617, %shift_right_arithmetic3A_647 : vector<16xi32>
    %and3A_649 = arith.andi %add3A_644, %broadcast_in_dim3A_415 : vector<16xi32>
    %gather3A_650 = tpu.vector_load_idx %arg9[%add3A_648, %and3A_649] : memref<256x8xf32, #tpu.memory_space<vmem>>[vector<16xi32>, vector<16xi32>], vector<16xf32>,
    %broadcast_in_dim3A_651 = arith.constant 2 : i32
    %broadcast_in_dim3A_652 = vector.broadcast %broadcast_in_dim3A_651 : i32 to vector<16xi32>
    %select_n3A_653 = arith.select %lt3A_604, %gather3A_650, %broadcast_in_dim3A_413 : vector<16xi1>, vector<16xf32>
    tpu.vector_store_idx %arg10[%broadcast_in_dim3A_596, %add3A_602, %broadcast_in_dim3A_652], %select_n3A_653 : memref<4x32x7xf32, #tpu.memory_space<vmem>>[vector<16xi32>, vector<16xi32>, vector<16xi32>], vector<16xf32>,
    %add3A_654 = arith.constant 3 : i32
    %add3A_655 = vector.broadcast %add3A_654 : i32 to vector<16xi32>
    %add3A_656 = arith.addi %and3A_611, %add3A_655 : vector<16xi32>
    %shift_right_arithmetic3A_657 = arith.constant 3 : i32
    %shift_right_arithmetic3A_658 = vector.broadcast %shift_right_arithmetic3A_657 : i32 to vector<16xi32>
    %shift_right_arithmetic3A_659 = arith.shrsi %add3A_656, %shift_right_arithmetic3A_658 : vector<16xi32>
    %add3A_660 = arith.addi %mul3A_617, %shift_right_arithmetic3A_659 : vector<16xi32>
    %and3A_661 = arith.andi %add3A_656, %broadcast_in_dim3A_415 : vector<16xi32>
    %gather3A_662 = tpu.vector_load_idx %arg9[%add3A_660, %and3A_661] : memref<256x8xf32, #tpu.memory_space<vmem>>[vector<16xi32>, vector<16xi32>], vector<16xf32>,
    %broadcast_in_dim3A_663 = arith.constant 3 : i32
    %broadcast_in_dim3A_664 = vector.broadcast %broadcast_in_dim3A_663 : i32 to vector<16xi32>
    %select_n3A_665 = arith.select %lt3A_604, %gather3A_662, %broadcast_in_dim3A_413 : vector<16xi1>, vector<16xf32>
    tpu.vector_store_idx %arg10[%broadcast_in_dim3A_596, %add3A_602, %broadcast_in_dim3A_664], %select_n3A_665 : memref<4x32x7xf32, #tpu.memory_space<vmem>>[vector<16xi32>, vector<16xi32>, vector<16xi32>], vector<16xf32>,
    %add3A_666 = arith.constant 4 : i32
    %add3A_667 = vector.broadcast %add3A_666 : i32 to vector<16xi32>
    %add3A_668 = arith.addi %and3A_611, %add3A_667 : vector<16xi32>
    %shift_right_arithmetic3A_669 = arith.constant 3 : i32
    %shift_right_arithmetic3A_670 = vector.broadcast %shift_right_arithmetic3A_669 : i32 to vector<16xi32>
    %shift_right_arithmetic3A_671 = arith.shrsi %add3A_668, %shift_right_arithmetic3A_670 : vector<16xi32>
    %add3A_672 = arith.addi %mul3A_617, %shift_right_arithmetic3A_671 : vector<16xi32>
    %and3A_673 = arith.andi %add3A_668, %broadcast_in_dim3A_415 : vector<16xi32>
    %gather3A_674 = tpu.vector_load_idx %arg9[%add3A_672, %and3A_673] : memref<256x8xf32, #tpu.memory_space<vmem>>[vector<16xi32>, vector<16xi32>], vector<16xf32>,
    %broadcast_in_dim3A_675 = arith.constant 4 : i32
    %broadcast_in_dim3A_676 = vector.broadcast %broadcast_in_dim3A_675 : i32 to vector<16xi32>
    %select_n3A_677 = arith.select %lt3A_604, %gather3A_674, %broadcast_in_dim3A_413 : vector<16xi1>, vector<16xf32>
    tpu.vector_store_idx %arg10[%broadcast_in_dim3A_596, %add3A_602, %broadcast_in_dim3A_676], %select_n3A_677 : memref<4x32x7xf32, #tpu.memory_space<vmem>>[vector<16xi32>, vector<16xi32>, vector<16xi32>], vector<16xf32>,
    %broadcast_in_dim3A_678 = arith.constant 5 : i32
    %broadcast_in_dim3A_679 = vector.broadcast %broadcast_in_dim3A_678 : i32 to vector<16xi32>
    %broadcast_in_dim3A_680 = arith.constant 6 : i32
    %broadcast_in_dim3A_681 = vector.broadcast %broadcast_in_dim3A_680 : i32 to vector<16xi32>
    %select_n3A_682 = arith.select %lt3A_604, %gather3A_72, %broadcast_in_dim3A_413 : vector<16xi1>, vector<16xf32>
    tpu.vector_store_idx %arg10[%broadcast_in_dim3A_596, %add3A_602, %broadcast_in_dim3A_679], %select_n3A_682 : memref<4x32x7xf32, #tpu.memory_space<vmem>>[vector<16xi32>, vector<16xi32>, vector<16xi32>], vector<16xf32>,
    %select_n3A_683 = arith.select %lt3A_604, %gather3A_76, %broadcast_in_dim3A_413 : vector<16xi1>, vector<16xf32>
    tpu.vector_store_idx %arg10[%broadcast_in_dim3A_596, %add3A_602, %broadcast_in_dim3A_681], %select_n3A_683 : memref<4x32x7xf32, #tpu.memory_space<vmem>>[vector<16xi32>, vector<16xi32>, vector<16xi32>], vector<16xf32>,
    %get3A_684 = arith.constant 80 : index
    %get3A_685 = tpu.vector_load %arg7[%get3A_684] {strides = array<i32>} : memref<256xf32, #tpu.memory_space<vmem>>, vector<16xf32>,
    %convert_element_type3A_686 = arith.fptosi %get3A_685 : vector<16xf32> to vector<16xi32>
    %add3A_687 = arith.constant 16 : i32
    %add3A_688 = vector.broadcast %add3A_687 : i32 to vector<16xi32>
    %add3A_689 = arith.addi %add3A_688, %iota3A : vector<16xi32>
    %lt3A_690 = vector.broadcast %min3A_594 : i32 to vector<16xi32>
    %lt3A_691 = arith.cmpi slt, %add3A_689, %lt3A_690 : vector<16xi32>
    %jit3A_692 = arith.constant 0 : i32
    %broadcast_in_dim3A_693 = vector.broadcast %jit3A_692 : i32 to vector<16xi32>
    %select_n3A_694 = arith.select %lt3A_691, %convert_element_type3A_686, %broadcast_in_dim3A_693 : vector<16xi1>, vector<16xi32>
    %mul3A_695 = arith.constant 5 : i32
    %mul3A_696 = vector.broadcast %mul3A_695 : i32 to vector<16xi32>
    %mul3A_697 = arith.muli %select_n3A_694, %mul3A_696 : vector<16xi32>
    %and3A_698 = arith.andi %mul3A_697, %broadcast_in_dim3A_415 : vector<16xi32>
    %add3A_699 = arith.constant 48 : i32
    %add3A_700 = vector.broadcast %add3A_699 : i32 to vector<16xi32>
    %add3A_701 = arith.addi %add3A_700, %iota3A : vector<16xi32>
    %mul3A_702 = arith.constant 2 : i32
    %mul3A_703 = vector.broadcast %mul3A_702 : i32 to vector<16xi32>
    %mul3A_704 = arith.muli %add3A_701, %mul3A_703 : vector<16xi32>
    %add3A_705 = arith.constant 0 : i32
    %add3A_706 = vector.broadcast %add3A_705 : i32 to vector<16xi32>
    %add3A_707 = arith.addi %and3A_698, %add3A_706 : vector<16xi32>
    %shift_right_arithmetic3A_708 = arith.constant 3 : i32
    %shift_right_arithmetic3A_709 = vector.broadcast %shift_right_arithmetic3A_708 : i32 to vector<16xi32>
    %shift_right_arithmetic3A_710 = arith.shrsi %add3A_707, %shift_right_arithmetic3A_709 : vector<16xi32>
    %add3A_711 = arith.addi %mul3A_704, %shift_right_arithmetic3A_710 : vector<16xi32>
    %and3A_712 = arith.andi %add3A_707, %broadcast_in_dim3A_415 : vector<16xi32>
    %gather3A_713 = tpu.vector_load_idx %arg9[%add3A_711, %and3A_712] : memref<256x8xf32, #tpu.memory_space<vmem>>[vector<16xi32>, vector<16xi32>], vector<16xf32>,
    %broadcast_in_dim3A_714 = arith.constant 0 : i32
    %broadcast_in_dim3A_715 = vector.broadcast %broadcast_in_dim3A_714 : i32 to vector<16xi32>
    %select_n3A_716 = arith.select %lt3A_691, %gather3A_713, %broadcast_in_dim3A_413 : vector<16xi1>, vector<16xf32>
    tpu.vector_store_idx %arg10[%broadcast_in_dim3A_596, %add3A_689, %broadcast_in_dim3A_715], %select_n3A_716 : memref<4x32x7xf32, #tpu.memory_space<vmem>>[vector<16xi32>, vector<16xi32>, vector<16xi32>], vector<16xf32>,
    %add3A_717 = arith.constant 1 : i32
    %add3A_718 = vector.broadcast %add3A_717 : i32 to vector<16xi32>
    %add3A_719 = arith.addi %and3A_698, %add3A_718 : vector<16xi32>
    %shift_right_arithmetic3A_720 = arith.constant 3 : i32
    %shift_right_arithmetic3A_721 = vector.broadcast %shift_right_arithmetic3A_720 : i32 to vector<16xi32>
    %shift_right_arithmetic3A_722 = arith.shrsi %add3A_719, %shift_right_arithmetic3A_721 : vector<16xi32>
    %add3A_723 = arith.addi %mul3A_704, %shift_right_arithmetic3A_722 : vector<16xi32>
    %and3A_724 = arith.andi %add3A_719, %broadcast_in_dim3A_415 : vector<16xi32>
    %gather3A_725 = tpu.vector_load_idx %arg9[%add3A_723, %and3A_724] : memref<256x8xf32, #tpu.memory_space<vmem>>[vector<16xi32>, vector<16xi32>], vector<16xf32>,
    %broadcast_in_dim3A_726 = arith.constant 1 : i32
    %broadcast_in_dim3A_727 = vector.broadcast %broadcast_in_dim3A_726 : i32 to vector<16xi32>
    %select_n3A_728 = arith.select %lt3A_691, %gather3A_725, %broadcast_in_dim3A_413 : vector<16xi1>, vector<16xf32>
    tpu.vector_store_idx %arg10[%broadcast_in_dim3A_596, %add3A_689, %broadcast_in_dim3A_727], %select_n3A_728 : memref<4x32x7xf32, #tpu.memory_space<vmem>>[vector<16xi32>, vector<16xi32>, vector<16xi32>], vector<16xf32>,
    %add3A_729 = arith.constant 2 : i32
    %add3A_730 = vector.broadcast %add3A_729 : i32 to vector<16xi32>
    %add3A_731 = arith.addi %and3A_698, %add3A_730 : vector<16xi32>
    %shift_right_arithmetic3A_732 = arith.constant 3 : i32
    %shift_right_arithmetic3A_733 = vector.broadcast %shift_right_arithmetic3A_732 : i32 to vector<16xi32>
    %shift_right_arithmetic3A_734 = arith.shrsi %add3A_731, %shift_right_arithmetic3A_733 : vector<16xi32>
    %add3A_735 = arith.addi %mul3A_704, %shift_right_arithmetic3A_734 : vector<16xi32>
    %and3A_736 = arith.andi %add3A_731, %broadcast_in_dim3A_415 : vector<16xi32>
    %gather3A_737 = tpu.vector_load_idx %arg9[%add3A_735, %and3A_736] : memref<256x8xf32, #tpu.memory_space<vmem>>[vector<16xi32>, vector<16xi32>], vector<16xf32>,
    %broadcast_in_dim3A_738 = arith.constant 2 : i32
    %broadcast_in_dim3A_739 = vector.broadcast %broadcast_in_dim3A_738 : i32 to vector<16xi32>
    %select_n3A_740 = arith.select %lt3A_691, %gather3A_737, %broadcast_in_dim3A_413 : vector<16xi1>, vector<16xf32>
    tpu.vector_store_idx %arg10[%broadcast_in_dim3A_596, %add3A_689, %broadcast_in_dim3A_739], %select_n3A_740 : memref<4x32x7xf32, #tpu.memory_space<vmem>>[vector<16xi32>, vector<16xi32>, vector<16xi32>], vector<16xf32>,
    %add3A_741 = arith.constant 3 : i32
    %add3A_742 = vector.broadcast %add3A_741 : i32 to vector<16xi32>
    %add3A_743 = arith.addi %and3A_698, %add3A_742 : vector<16xi32>
    %shift_right_arithmetic3A_744 = arith.constant 3 : i32
    %shift_right_arithmetic3A_745 = vector.broadcast %shift_right_arithmetic3A_744 : i32 to vector<16xi32>
    %shift_right_arithmetic3A_746 = arith.shrsi %add3A_743, %shift_right_arithmetic3A_745 : vector<16xi32>
    %add3A_747 = arith.addi %mul3A_704, %shift_right_arithmetic3A_746 : vector<16xi32>
    %and3A_748 = arith.andi %add3A_743, %broadcast_in_dim3A_415 : vector<16xi32>
    %gather3A_749 = tpu.vector_load_idx %arg9[%add3A_747, %and3A_748] : memref<256x8xf32, #tpu.memory_space<vmem>>[vector<16xi32>, vector<16xi32>], vector<16xf32>,
    %broadcast_in_dim3A_750 = arith.constant 3 : i32
    %broadcast_in_dim3A_751 = vector.broadcast %broadcast_in_dim3A_750 : i32 to vector<16xi32>
    %select_n3A_752 = arith.select %lt3A_691, %gather3A_749, %broadcast_in_dim3A_413 : vector<16xi1>, vector<16xf32>
    tpu.vector_store_idx %arg10[%broadcast_in_dim3A_596, %add3A_689, %broadcast_in_dim3A_751], %select_n3A_752 : memref<4x32x7xf32, #tpu.memory_space<vmem>>[vector<16xi32>, vector<16xi32>, vector<16xi32>], vector<16xf32>,
    %add3A_753 = arith.constant 4 : i32
    %add3A_754 = vector.broadcast %add3A_753 : i32 to vector<16xi32>
    %add3A_755 = arith.addi %and3A_698, %add3A_754 : vector<16xi32>
    %shift_right_arithmetic3A_756 = arith.constant 3 : i32
    %shift_right_arithmetic3A_757 = vector.broadcast %shift_right_arithmetic3A_756 : i32 to vector<16xi32>
    %shift_right_arithmetic3A_758 = arith.shrsi %add3A_755, %shift_right_arithmetic3A_757 : vector<16xi32>
    %add3A_759 = arith.addi %mul3A_704, %shift_right_arithmetic3A_758 : vector<16xi32>
    %and3A_760 = arith.andi %add3A_755, %broadcast_in_dim3A_415 : vector<16xi32>
    %gather3A_761 = tpu.vector_load_idx %arg9[%add3A_759, %and3A_760] : memref<256x8xf32, #tpu.memory_space<vmem>>[vector<16xi32>, vector<16xi32>], vector<16xf32>,
    %broadcast_in_dim3A_762 = arith.constant 4 : i32
    %broadcast_in_dim3A_763 = vector.broadcast %broadcast_in_dim3A_762 : i32 to vector<16xi32>
    %select_n3A_764 = arith.select %lt3A_691, %gather3A_761, %broadcast_in_dim3A_413 : vector<16xi1>, vector<16xf32>
    tpu.vector_store_idx %arg10[%broadcast_in_dim3A_596, %add3A_689, %broadcast_in_dim3A_763], %select_n3A_764 : memref<4x32x7xf32, #tpu.memory_space<vmem>>[vector<16xi32>, vector<16xi32>, vector<16xi32>], vector<16xf32>,
    %broadcast_in_dim3A_765 = arith.constant 5 : i32
    %broadcast_in_dim3A_766 = vector.broadcast %broadcast_in_dim3A_765 : i32 to vector<16xi32>
    %broadcast_in_dim3A_767 = arith.constant 6 : i32
    %broadcast_in_dim3A_768 = vector.broadcast %broadcast_in_dim3A_767 : i32 to vector<16xi32>
    %select_n3A_769 = arith.select %lt3A_691, %gather3A_72, %broadcast_in_dim3A_413 : vector<16xi1>, vector<16xf32>
    tpu.vector_store_idx %arg10[%broadcast_in_dim3A_596, %add3A_689, %broadcast_in_dim3A_766], %select_n3A_769 : memref<4x32x7xf32, #tpu.memory_space<vmem>>[vector<16xi32>, vector<16xi32>, vector<16xi32>], vector<16xf32>,
    %select_n3A_770 = arith.select %lt3A_691, %gather3A_76, %broadcast_in_dim3A_413 : vector<16xi1>, vector<16xf32>
    tpu.vector_store_idx %arg10[%broadcast_in_dim3A_596, %add3A_689, %broadcast_in_dim3A_768], %select_n3A_770 : memref<4x32x7xf32, #tpu.memory_space<vmem>>[vector<16xi32>, vector<16xi32>, vector<16xi32>], vector<16xf32>,
    %min3A_771 = arith.constant 32 : i32
    %min3A_772 = arith.minsi %squeeze3A_162, %min3A_771 : i32
    %broadcast_in_dim3A_773 = arith.constant 2 : i32
    %broadcast_in_dim3A_774 = vector.broadcast %broadcast_in_dim3A_773 : i32 to vector<16xi32>
    %get3A_775 = arith.constant 128 : index
    %get3A_776 = tpu.vector_load %arg7[%get3A_775] {strides = array<i32>} : memref<256xf32, #tpu.memory_space<vmem>>, vector<16xf32>,
    %convert_element_type3A_777 = arith.fptosi %get3A_776 : vector<16xf32> to vector<16xi32>
    %add3A_778 = arith.constant 0 : i32
    %add3A_779 = vector.broadcast %add3A_778 : i32 to vector<16xi32>
    %add3A_780 = arith.addi %add3A_779, %iota3A : vector<16xi32>
    %lt3A_781 = vector.broadcast %min3A_772 : i32 to vector<16xi32>
    %lt3A_782 = arith.cmpi slt, %add3A_780, %lt3A_781 : vector<16xi32>
    %jit3A_783 = arith.constant 0 : i32
    %broadcast_in_dim3A_784 = vector.broadcast %jit3A_783 : i32 to vector<16xi32>
    %select_n3A_785 = arith.select %lt3A_782, %convert_element_type3A_777, %broadcast_in_dim3A_784 : vector<16xi1>, vector<16xi32>
    %mul3A_786 = arith.constant 5 : i32
    %mul3A_787 = vector.broadcast %mul3A_786 : i32 to vector<16xi32>
    %mul3A_788 = arith.muli %select_n3A_785, %mul3A_787 : vector<16xi32>
    %and3A_789 = arith.andi %mul3A_788, %broadcast_in_dim3A_415 : vector<16xi32>
    %add3A_790 = arith.constant 64 : i32
    %add3A_791 = vector.broadcast %add3A_790 : i32 to vector<16xi32>
    %add3A_792 = arith.addi %add3A_791, %iota3A : vector<16xi32>
    %mul3A_793 = arith.constant 2 : i32
    %mul3A_794 = vector.broadcast %mul3A_793 : i32 to vector<16xi32>
    %mul3A_795 = arith.muli %add3A_792, %mul3A_794 : vector<16xi32>
    %add3A_796 = arith.constant 0 : i32
    %add3A_797 = vector.broadcast %add3A_796 : i32 to vector<16xi32>
    %add3A_798 = arith.addi %and3A_789, %add3A_797 : vector<16xi32>
    %shift_right_arithmetic3A_799 = arith.constant 3 : i32
    %shift_right_arithmetic3A_800 = vector.broadcast %shift_right_arithmetic3A_799 : i32 to vector<16xi32>
    %shift_right_arithmetic3A_801 = arith.shrsi %add3A_798, %shift_right_arithmetic3A_800 : vector<16xi32>
    %add3A_802 = arith.addi %mul3A_795, %shift_right_arithmetic3A_801 : vector<16xi32>
    %and3A_803 = arith.andi %add3A_798, %broadcast_in_dim3A_415 : vector<16xi32>
    %gather3A_804 = tpu.vector_load_idx %arg9[%add3A_802, %and3A_803] : memref<256x8xf32, #tpu.memory_space<vmem>>[vector<16xi32>, vector<16xi32>], vector<16xf32>,
    %broadcast_in_dim3A_805 = arith.constant 0 : i32
    %broadcast_in_dim3A_806 = vector.broadcast %broadcast_in_dim3A_805 : i32 to vector<16xi32>
    %select_n3A_807 = arith.select %lt3A_782, %gather3A_804, %broadcast_in_dim3A_413 : vector<16xi1>, vector<16xf32>
    tpu.vector_store_idx %arg10[%broadcast_in_dim3A_774, %add3A_780, %broadcast_in_dim3A_806], %select_n3A_807 : memref<4x32x7xf32, #tpu.memory_space<vmem>>[vector<16xi32>, vector<16xi32>, vector<16xi32>], vector<16xf32>,
    %add3A_808 = arith.constant 1 : i32
    %add3A_809 = vector.broadcast %add3A_808 : i32 to vector<16xi32>
    %add3A_810 = arith.addi %and3A_789, %add3A_809 : vector<16xi32>
    %shift_right_arithmetic3A_811 = arith.constant 3 : i32
    %shift_right_arithmetic3A_812 = vector.broadcast %shift_right_arithmetic3A_811 : i32 to vector<16xi32>
    %shift_right_arithmetic3A_813 = arith.shrsi %add3A_810, %shift_right_arithmetic3A_812 : vector<16xi32>
    %add3A_814 = arith.addi %mul3A_795, %shift_right_arithmetic3A_813 : vector<16xi32>
    %and3A_815 = arith.andi %add3A_810, %broadcast_in_dim3A_415 : vector<16xi32>
    %gather3A_816 = tpu.vector_load_idx %arg9[%add3A_814, %and3A_815] : memref<256x8xf32, #tpu.memory_space<vmem>>[vector<16xi32>, vector<16xi32>], vector<16xf32>,
    %broadcast_in_dim3A_817 = arith.constant 1 : i32
    %broadcast_in_dim3A_818 = vector.broadcast %broadcast_in_dim3A_817 : i32 to vector<16xi32>
    %select_n3A_819 = arith.select %lt3A_782, %gather3A_816, %broadcast_in_dim3A_413 : vector<16xi1>, vector<16xf32>
    tpu.vector_store_idx %arg10[%broadcast_in_dim3A_774, %add3A_780, %broadcast_in_dim3A_818], %select_n3A_819 : memref<4x32x7xf32, #tpu.memory_space<vmem>>[vector<16xi32>, vector<16xi32>, vector<16xi32>], vector<16xf32>,
    %add3A_820 = arith.constant 2 : i32
    %add3A_821 = vector.broadcast %add3A_820 : i32 to vector<16xi32>
    %add3A_822 = arith.addi %and3A_789, %add3A_821 : vector<16xi32>
    %shift_right_arithmetic3A_823 = arith.constant 3 : i32
    %shift_right_arithmetic3A_824 = vector.broadcast %shift_right_arithmetic3A_823 : i32 to vector<16xi32>
    %shift_right_arithmetic3A_825 = arith.shrsi %add3A_822, %shift_right_arithmetic3A_824 : vector<16xi32>
    %add3A_826 = arith.addi %mul3A_795, %shift_right_arithmetic3A_825 : vector<16xi32>
    %and3A_827 = arith.andi %add3A_822, %broadcast_in_dim3A_415 : vector<16xi32>
    %gather3A_828 = tpu.vector_load_idx %arg9[%add3A_826, %and3A_827] : memref<256x8xf32, #tpu.memory_space<vmem>>[vector<16xi32>, vector<16xi32>], vector<16xf32>,
    %broadcast_in_dim3A_829 = arith.constant 2 : i32
    %broadcast_in_dim3A_830 = vector.broadcast %broadcast_in_dim3A_829 : i32 to vector<16xi32>
    %select_n3A_831 = arith.select %lt3A_782, %gather3A_828, %broadcast_in_dim3A_413 : vector<16xi1>, vector<16xf32>
    tpu.vector_store_idx %arg10[%broadcast_in_dim3A_774, %add3A_780, %broadcast_in_dim3A_830], %select_n3A_831 : memref<4x32x7xf32, #tpu.memory_space<vmem>>[vector<16xi32>, vector<16xi32>, vector<16xi32>], vector<16xf32>,
    %add3A_832 = arith.constant 3 : i32
    %add3A_833 = vector.broadcast %add3A_832 : i32 to vector<16xi32>
    %add3A_834 = arith.addi %and3A_789, %add3A_833 : vector<16xi32>
    %shift_right_arithmetic3A_835 = arith.constant 3 : i32
    %shift_right_arithmetic3A_836 = vector.broadcast %shift_right_arithmetic3A_835 : i32 to vector<16xi32>
    %shift_right_arithmetic3A_837 = arith.shrsi %add3A_834, %shift_right_arithmetic3A_836 : vector<16xi32>
    %add3A_838 = arith.addi %mul3A_795, %shift_right_arithmetic3A_837 : vector<16xi32>
    %and3A_839 = arith.andi %add3A_834, %broadcast_in_dim3A_415 : vector<16xi32>
    %gather3A_840 = tpu.vector_load_idx %arg9[%add3A_838, %and3A_839] : memref<256x8xf32, #tpu.memory_space<vmem>>[vector<16xi32>, vector<16xi32>], vector<16xf32>,
    %broadcast_in_dim3A_841 = arith.constant 3 : i32
    %broadcast_in_dim3A_842 = vector.broadcast %broadcast_in_dim3A_841 : i32 to vector<16xi32>
    %select_n3A_843 = arith.select %lt3A_782, %gather3A_840, %broadcast_in_dim3A_413 : vector<16xi1>, vector<16xf32>
    tpu.vector_store_idx %arg10[%broadcast_in_dim3A_774, %add3A_780, %broadcast_in_dim3A_842], %select_n3A_843 : memref<4x32x7xf32, #tpu.memory_space<vmem>>[vector<16xi32>, vector<16xi32>, vector<16xi32>], vector<16xf32>,
    %add3A_844 = arith.constant 4 : i32
    %add3A_845 = vector.broadcast %add3A_844 : i32 to vector<16xi32>
    %add3A_846 = arith.addi %and3A_789, %add3A_845 : vector<16xi32>
    %shift_right_arithmetic3A_847 = arith.constant 3 : i32
    %shift_right_arithmetic3A_848 = vector.broadcast %shift_right_arithmetic3A_847 : i32 to vector<16xi32>
    %shift_right_arithmetic3A_849 = arith.shrsi %add3A_846, %shift_right_arithmetic3A_848 : vector<16xi32>
    %add3A_850 = arith.addi %mul3A_795, %shift_right_arithmetic3A_849 : vector<16xi32>
    %and3A_851 = arith.andi %add3A_846, %broadcast_in_dim3A_415 : vector<16xi32>
    %gather3A_852 = tpu.vector_load_idx %arg9[%add3A_850, %and3A_851] : memref<256x8xf32, #tpu.memory_space<vmem>>[vector<16xi32>, vector<16xi32>], vector<16xf32>,
    %broadcast_in_dim3A_853 = arith.constant 4 : i32
    %broadcast_in_dim3A_854 = vector.broadcast %broadcast_in_dim3A_853 : i32 to vector<16xi32>
    %select_n3A_855 = arith.select %lt3A_782, %gather3A_852, %broadcast_in_dim3A_413 : vector<16xi1>, vector<16xf32>
    tpu.vector_store_idx %arg10[%broadcast_in_dim3A_774, %add3A_780, %broadcast_in_dim3A_854], %select_n3A_855 : memref<4x32x7xf32, #tpu.memory_space<vmem>>[vector<16xi32>, vector<16xi32>, vector<16xi32>], vector<16xf32>,
    %broadcast_in_dim3A_856 = arith.constant 5 : i32
    %broadcast_in_dim3A_857 = vector.broadcast %broadcast_in_dim3A_856 : i32 to vector<16xi32>
    %broadcast_in_dim3A_858 = arith.constant 6 : i32
    %broadcast_in_dim3A_859 = vector.broadcast %broadcast_in_dim3A_858 : i32 to vector<16xi32>
    %select_n3A_860 = arith.select %lt3A_782, %gather3A_110, %broadcast_in_dim3A_413 : vector<16xi1>, vector<16xf32>
    tpu.vector_store_idx %arg10[%broadcast_in_dim3A_774, %add3A_780, %broadcast_in_dim3A_857], %select_n3A_860 : memref<4x32x7xf32, #tpu.memory_space<vmem>>[vector<16xi32>, vector<16xi32>, vector<16xi32>], vector<16xf32>,
    %select_n3A_861 = arith.select %lt3A_782, %gather3A_114, %broadcast_in_dim3A_413 : vector<16xi1>, vector<16xf32>
    tpu.vector_store_idx %arg10[%broadcast_in_dim3A_774, %add3A_780, %broadcast_in_dim3A_859], %select_n3A_861 : memref<4x32x7xf32, #tpu.memory_space<vmem>>[vector<16xi32>, vector<16xi32>, vector<16xi32>], vector<16xf32>,
    %get3A_862 = arith.constant 144 : index
    %get3A_863 = tpu.vector_load %arg7[%get3A_862] {strides = array<i32>} : memref<256xf32, #tpu.memory_space<vmem>>, vector<16xf32>,
    %convert_element_type3A_864 = arith.fptosi %get3A_863 : vector<16xf32> to vector<16xi32>
    %add3A_865 = arith.constant 16 : i32
    %add3A_866 = vector.broadcast %add3A_865 : i32 to vector<16xi32>
    %add3A_867 = arith.addi %add3A_866, %iota3A : vector<16xi32>
    %lt3A_868 = vector.broadcast %min3A_772 : i32 to vector<16xi32>
    %lt3A_869 = arith.cmpi slt, %add3A_867, %lt3A_868 : vector<16xi32>
    %jit3A_870 = arith.constant 0 : i32
    %broadcast_in_dim3A_871 = vector.broadcast %jit3A_870 : i32 to vector<16xi32>
    %select_n3A_872 = arith.select %lt3A_869, %convert_element_type3A_864, %broadcast_in_dim3A_871 : vector<16xi1>, vector<16xi32>
    %mul3A_873 = arith.constant 5 : i32
    %mul3A_874 = vector.broadcast %mul3A_873 : i32 to vector<16xi32>
    %mul3A_875 = arith.muli %select_n3A_872, %mul3A_874 : vector<16xi32>
    %and3A_876 = arith.andi %mul3A_875, %broadcast_in_dim3A_415 : vector<16xi32>
    %add3A_877 = arith.constant 80 : i32
    %add3A_878 = vector.broadcast %add3A_877 : i32 to vector<16xi32>
    %add3A_879 = arith.addi %add3A_878, %iota3A : vector<16xi32>
    %mul3A_880 = arith.constant 2 : i32
    %mul3A_881 = vector.broadcast %mul3A_880 : i32 to vector<16xi32>
    %mul3A_882 = arith.muli %add3A_879, %mul3A_881 : vector<16xi32>
    %add3A_883 = arith.constant 0 : i32
    %add3A_884 = vector.broadcast %add3A_883 : i32 to vector<16xi32>
    %add3A_885 = arith.addi %and3A_876, %add3A_884 : vector<16xi32>
    %shift_right_arithmetic3A_886 = arith.constant 3 : i32
    %shift_right_arithmetic3A_887 = vector.broadcast %shift_right_arithmetic3A_886 : i32 to vector<16xi32>
    %shift_right_arithmetic3A_888 = arith.shrsi %add3A_885, %shift_right_arithmetic3A_887 : vector<16xi32>
    %add3A_889 = arith.addi %mul3A_882, %shift_right_arithmetic3A_888 : vector<16xi32>
    %and3A_890 = arith.andi %add3A_885, %broadcast_in_dim3A_415 : vector<16xi32>
    %gather3A_891 = tpu.vector_load_idx %arg9[%add3A_889, %and3A_890] : memref<256x8xf32, #tpu.memory_space<vmem>>[vector<16xi32>, vector<16xi32>], vector<16xf32>,
    %broadcast_in_dim3A_892 = arith.constant 0 : i32
    %broadcast_in_dim3A_893 = vector.broadcast %broadcast_in_dim3A_892 : i32 to vector<16xi32>
    %select_n3A_894 = arith.select %lt3A_869, %gather3A_891, %broadcast_in_dim3A_413 : vector<16xi1>, vector<16xf32>
    tpu.vector_store_idx %arg10[%broadcast_in_dim3A_774, %add3A_867, %broadcast_in_dim3A_893], %select_n3A_894 : memref<4x32x7xf32, #tpu.memory_space<vmem>>[vector<16xi32>, vector<16xi32>, vector<16xi32>], vector<16xf32>,
    %add3A_895 = arith.constant 1 : i32
    %add3A_896 = vector.broadcast %add3A_895 : i32 to vector<16xi32>
    %add3A_897 = arith.addi %and3A_876, %add3A_896 : vector<16xi32>
    %shift_right_arithmetic3A_898 = arith.constant 3 : i32
    %shift_right_arithmetic3A_899 = vector.broadcast %shift_right_arithmetic3A_898 : i32 to vector<16xi32>
    %shift_right_arithmetic3A_900 = arith.shrsi %add3A_897, %shift_right_arithmetic3A_899 : vector<16xi32>
    %add3A_901 = arith.addi %mul3A_882, %shift_right_arithmetic3A_900 : vector<16xi32>
    %and3A_902 = arith.andi %add3A_897, %broadcast_in_dim3A_415 : vector<16xi32>
    %gather3A_903 = tpu.vector_load_idx %arg9[%add3A_901, %and3A_902] : memref<256x8xf32, #tpu.memory_space<vmem>>[vector<16xi32>, vector<16xi32>], vector<16xf32>,
    %broadcast_in_dim3A_904 = arith.constant 1 : i32
    %broadcast_in_dim3A_905 = vector.broadcast %broadcast_in_dim3A_904 : i32 to vector<16xi32>
    %select_n3A_906 = arith.select %lt3A_869, %gather3A_903, %broadcast_in_dim3A_413 : vector<16xi1>, vector<16xf32>
    tpu.vector_store_idx %arg10[%broadcast_in_dim3A_774, %add3A_867, %broadcast_in_dim3A_905], %select_n3A_906 : memref<4x32x7xf32, #tpu.memory_space<vmem>>[vector<16xi32>, vector<16xi32>, vector<16xi32>], vector<16xf32>,
    %add3A_907 = arith.constant 2 : i32
    %add3A_908 = vector.broadcast %add3A_907 : i32 to vector<16xi32>
    %add3A_909 = arith.addi %and3A_876, %add3A_908 : vector<16xi32>
    %shift_right_arithmetic3A_910 = arith.constant 3 : i32
    %shift_right_arithmetic3A_911 = vector.broadcast %shift_right_arithmetic3A_910 : i32 to vector<16xi32>
    %shift_right_arithmetic3A_912 = arith.shrsi %add3A_909, %shift_right_arithmetic3A_911 : vector<16xi32>
    %add3A_913 = arith.addi %mul3A_882, %shift_right_arithmetic3A_912 : vector<16xi32>
    %and3A_914 = arith.andi %add3A_909, %broadcast_in_dim3A_415 : vector<16xi32>
    %gather3A_915 = tpu.vector_load_idx %arg9[%add3A_913, %and3A_914] : memref<256x8xf32, #tpu.memory_space<vmem>>[vector<16xi32>, vector<16xi32>], vector<16xf32>,
    %broadcast_in_dim3A_916 = arith.constant 2 : i32
    %broadcast_in_dim3A_917 = vector.broadcast %broadcast_in_dim3A_916 : i32 to vector<16xi32>
    %select_n3A_918 = arith.select %lt3A_869, %gather3A_915, %broadcast_in_dim3A_413 : vector<16xi1>, vector<16xf32>
    tpu.vector_store_idx %arg10[%broadcast_in_dim3A_774, %add3A_867, %broadcast_in_dim3A_917], %select_n3A_918 : memref<4x32x7xf32, #tpu.memory_space<vmem>>[vector<16xi32>, vector<16xi32>, vector<16xi32>], vector<16xf32>,
    %add3A_919 = arith.constant 3 : i32
    %add3A_920 = vector.broadcast %add3A_919 : i32 to vector<16xi32>
    %add3A_921 = arith.addi %and3A_876, %add3A_920 : vector<16xi32>
    %shift_right_arithmetic3A_922 = arith.constant 3 : i32
    %shift_right_arithmetic3A_923 = vector.broadcast %shift_right_arithmetic3A_922 : i32 to vector<16xi32>
    %shift_right_arithmetic3A_924 = arith.shrsi %add3A_921, %shift_right_arithmetic3A_923 : vector<16xi32>
    %add3A_925 = arith.addi %mul3A_882, %shift_right_arithmetic3A_924 : vector<16xi32>
    %and3A_926 = arith.andi %add3A_921, %broadcast_in_dim3A_415 : vector<16xi32>
    %gather3A_927 = tpu.vector_load_idx %arg9[%add3A_925, %and3A_926] : memref<256x8xf32, #tpu.memory_space<vmem>>[vector<16xi32>, vector<16xi32>], vector<16xf32>,
    %broadcast_in_dim3A_928 = arith.constant 3 : i32
    %broadcast_in_dim3A_929 = vector.broadcast %broadcast_in_dim3A_928 : i32 to vector<16xi32>
    %select_n3A_930 = arith.select %lt3A_869, %gather3A_927, %broadcast_in_dim3A_413 : vector<16xi1>, vector<16xf32>
    tpu.vector_store_idx %arg10[%broadcast_in_dim3A_774, %add3A_867, %broadcast_in_dim3A_929], %select_n3A_930 : memref<4x32x7xf32, #tpu.memory_space<vmem>>[vector<16xi32>, vector<16xi32>, vector<16xi32>], vector<16xf32>,
    %add3A_931 = arith.constant 4 : i32
    %add3A_932 = vector.broadcast %add3A_931 : i32 to vector<16xi32>
    %add3A_933 = arith.addi %and3A_876, %add3A_932 : vector<16xi32>
    %shift_right_arithmetic3A_934 = arith.constant 3 : i32
    %shift_right_arithmetic3A_935 = vector.broadcast %shift_right_arithmetic3A_934 : i32 to vector<16xi32>
    %shift_right_arithmetic3A_936 = arith.shrsi %add3A_933, %shift_right_arithmetic3A_935 : vector<16xi32>
    %add3A_937 = arith.addi %mul3A_882, %shift_right_arithmetic3A_936 : vector<16xi32>
    %and3A_938 = arith.andi %add3A_933, %broadcast_in_dim3A_415 : vector<16xi32>
    %gather3A_939 = tpu.vector_load_idx %arg9[%add3A_937, %and3A_938] : memref<256x8xf32, #tpu.memory_space<vmem>>[vector<16xi32>, vector<16xi32>], vector<16xf32>,
    %broadcast_in_dim3A_940 = arith.constant 4 : i32
    %broadcast_in_dim3A_941 = vector.broadcast %broadcast_in_dim3A_940 : i32 to vector<16xi32>
    %select_n3A_942 = arith.select %lt3A_869, %gather3A_939, %broadcast_in_dim3A_413 : vector<16xi1>, vector<16xf32>
    tpu.vector_store_idx %arg10[%broadcast_in_dim3A_774, %add3A_867, %broadcast_in_dim3A_941], %select_n3A_942 : memref<4x32x7xf32, #tpu.memory_space<vmem>>[vector<16xi32>, vector<16xi32>, vector<16xi32>], vector<16xf32>,
    %broadcast_in_dim3A_943 = arith.constant 5 : i32
    %broadcast_in_dim3A_944 = vector.broadcast %broadcast_in_dim3A_943 : i32 to vector<16xi32>
    %broadcast_in_dim3A_945 = arith.constant 6 : i32
    %broadcast_in_dim3A_946 = vector.broadcast %broadcast_in_dim3A_945 : i32 to vector<16xi32>
    %select_n3A_947 = arith.select %lt3A_869, %gather3A_110, %broadcast_in_dim3A_413 : vector<16xi1>, vector<16xf32>
    tpu.vector_store_idx %arg10[%broadcast_in_dim3A_774, %add3A_867, %broadcast_in_dim3A_944], %select_n3A_947 : memref<4x32x7xf32, #tpu.memory_space<vmem>>[vector<16xi32>, vector<16xi32>, vector<16xi32>], vector<16xf32>,
    %select_n3A_948 = arith.select %lt3A_869, %gather3A_114, %broadcast_in_dim3A_413 : vector<16xi1>, vector<16xf32>
    tpu.vector_store_idx %arg10[%broadcast_in_dim3A_774, %add3A_867, %broadcast_in_dim3A_946], %select_n3A_948 : memref<4x32x7xf32, #tpu.memory_space<vmem>>[vector<16xi32>, vector<16xi32>, vector<16xi32>], vector<16xf32>,
    %min3A_949 = arith.constant 32 : i32
    %min3A_950 = arith.minsi %squeeze3A_164, %min3A_949 : i32
    %broadcast_in_dim3A_951 = arith.constant 3 : i32
    %broadcast_in_dim3A_952 = vector.broadcast %broadcast_in_dim3A_951 : i32 to vector<16xi32>
    %get3A_953 = arith.constant 192 : index
    %get3A_954 = tpu.vector_load %arg7[%get3A_953] {strides = array<i32>} : memref<256xf32, #tpu.memory_space<vmem>>, vector<16xf32>,
    %convert_element_type3A_955 = arith.fptosi %get3A_954 : vector<16xf32> to vector<16xi32>
    %add3A_956 = arith.constant 0 : i32
    %add3A_957 = vector.broadcast %add3A_956 : i32 to vector<16xi32>
    %add3A_958 = arith.addi %add3A_957, %iota3A : vector<16xi32>
    %lt3A_959 = vector.broadcast %min3A_950 : i32 to vector<16xi32>
    %lt3A_960 = arith.cmpi slt, %add3A_958, %lt3A_959 : vector<16xi32>
    %jit3A_961 = arith.constant 0 : i32
    %broadcast_in_dim3A_962 = vector.broadcast %jit3A_961 : i32 to vector<16xi32>
    %select_n3A_963 = arith.select %lt3A_960, %convert_element_type3A_955, %broadcast_in_dim3A_962 : vector<16xi1>, vector<16xi32>
    %mul3A_964 = arith.constant 5 : i32
    %mul3A_965 = vector.broadcast %mul3A_964 : i32 to vector<16xi32>
    %mul3A_966 = arith.muli %select_n3A_963, %mul3A_965 : vector<16xi32>
    %and3A_967 = arith.andi %mul3A_966, %broadcast_in_dim3A_415 : vector<16xi32>
    %add3A_968 = arith.constant 96 : i32
    %add3A_969 = vector.broadcast %add3A_968 : i32 to vector<16xi32>
    %add3A_970 = arith.addi %add3A_969, %iota3A : vector<16xi32>
    %mul3A_971 = arith.constant 2 : i32
    %mul3A_972 = vector.broadcast %mul3A_971 : i32 to vector<16xi32>
    %mul3A_973 = arith.muli %add3A_970, %mul3A_972 : vector<16xi32>
    %add3A_974 = arith.constant 0 : i32
    %add3A_975 = vector.broadcast %add3A_974 : i32 to vector<16xi32>
    %add3A_976 = arith.addi %and3A_967, %add3A_975 : vector<16xi32>
    %shift_right_arithmetic3A_977 = arith.constant 3 : i32
    %shift_right_arithmetic3A_978 = vector.broadcast %shift_right_arithmetic3A_977 : i32 to vector<16xi32>
    %shift_right_arithmetic3A_979 = arith.shrsi %add3A_976, %shift_right_arithmetic3A_978 : vector<16xi32>
    %add3A_980 = arith.addi %mul3A_973, %shift_right_arithmetic3A_979 : vector<16xi32>
    %and3A_981 = arith.andi %add3A_976, %broadcast_in_dim3A_415 : vector<16xi32>
    %gather3A_982 = tpu.vector_load_idx %arg9[%add3A_980, %and3A_981] : memref<256x8xf32, #tpu.memory_space<vmem>>[vector<16xi32>, vector<16xi32>], vector<16xf32>,
    %broadcast_in_dim3A_983 = arith.constant 0 : i32
    %broadcast_in_dim3A_984 = vector.broadcast %broadcast_in_dim3A_983 : i32 to vector<16xi32>
    %select_n3A_985 = arith.select %lt3A_960, %gather3A_982, %broadcast_in_dim3A_413 : vector<16xi1>, vector<16xf32>
    tpu.vector_store_idx %arg10[%broadcast_in_dim3A_952, %add3A_958, %broadcast_in_dim3A_984], %select_n3A_985 : memref<4x32x7xf32, #tpu.memory_space<vmem>>[vector<16xi32>, vector<16xi32>, vector<16xi32>], vector<16xf32>,
    %add3A_986 = arith.constant 1 : i32
    %add3A_987 = vector.broadcast %add3A_986 : i32 to vector<16xi32>
    %add3A_988 = arith.addi %and3A_967, %add3A_987 : vector<16xi32>
    %shift_right_arithmetic3A_989 = arith.constant 3 : i32
    %shift_right_arithmetic3A_990 = vector.broadcast %shift_right_arithmetic3A_989 : i32 to vector<16xi32>
    %shift_right_arithmetic3A_991 = arith.shrsi %add3A_988, %shift_right_arithmetic3A_990 : vector<16xi32>
    %add3A_992 = arith.addi %mul3A_973, %shift_right_arithmetic3A_991 : vector<16xi32>
    %and3A_993 = arith.andi %add3A_988, %broadcast_in_dim3A_415 : vector<16xi32>
    %gather3A_994 = tpu.vector_load_idx %arg9[%add3A_992, %and3A_993] : memref<256x8xf32, #tpu.memory_space<vmem>>[vector<16xi32>, vector<16xi32>], vector<16xf32>,
    %broadcast_in_dim3A_995 = arith.constant 1 : i32
    %broadcast_in_dim3A_996 = vector.broadcast %broadcast_in_dim3A_995 : i32 to vector<16xi32>
    %select_n3A_997 = arith.select %lt3A_960, %gather3A_994, %broadcast_in_dim3A_413 : vector<16xi1>, vector<16xf32>
    tpu.vector_store_idx %arg10[%broadcast_in_dim3A_952, %add3A_958, %broadcast_in_dim3A_996], %select_n3A_997 : memref<4x32x7xf32, #tpu.memory_space<vmem>>[vector<16xi32>, vector<16xi32>, vector<16xi32>], vector<16xf32>,
    %add3A_998 = arith.constant 2 : i32
    %add3A_999 = vector.broadcast %add3A_998 : i32 to vector<16xi32>
    %add3A_1000 = arith.addi %and3A_967, %add3A_999 : vector<16xi32>
    %shift_right_arithmetic3A_1001 = arith.constant 3 : i32
    %shift_right_arithmetic3A_1002 = vector.broadcast %shift_right_arithmetic3A_1001 : i32 to vector<16xi32>
    %shift_right_arithmetic3A_1003 = arith.shrsi %add3A_1000, %shift_right_arithmetic3A_1002 : vector<16xi32>
    %add3A_1004 = arith.addi %mul3A_973, %shift_right_arithmetic3A_1003 : vector<16xi32>
    %and3A_1005 = arith.andi %add3A_1000, %broadcast_in_dim3A_415 : vector<16xi32>
    %gather3A_1006 = tpu.vector_load_idx %arg9[%add3A_1004, %and3A_1005] : memref<256x8xf32, #tpu.memory_space<vmem>>[vector<16xi32>, vector<16xi32>], vector<16xf32>,
    %broadcast_in_dim3A_1007 = arith.constant 2 : i32
    %broadcast_in_dim3A_1008 = vector.broadcast %broadcast_in_dim3A_1007 : i32 to vector<16xi32>
    %select_n3A_1009 = arith.select %lt3A_960, %gather3A_1006, %broadcast_in_dim3A_413 : vector<16xi1>, vector<16xf32>
    tpu.vector_store_idx %arg10[%broadcast_in_dim3A_952, %add3A_958, %broadcast_in_dim3A_1008], %select_n3A_1009 : memref<4x32x7xf32, #tpu.memory_space<vmem>>[vector<16xi32>, vector<16xi32>, vector<16xi32>], vector<16xf32>,
    %add3A_1010 = arith.constant 3 : i32
    %add3A_1011 = vector.broadcast %add3A_1010 : i32 to vector<16xi32>
    %add3A_1012 = arith.addi %and3A_967, %add3A_1011 : vector<16xi32>
    %shift_right_arithmetic3A_1013 = arith.constant 3 : i32
    %shift_right_arithmetic3A_1014 = vector.broadcast %shift_right_arithmetic3A_1013 : i32 to vector<16xi32>
    %shift_right_arithmetic3A_1015 = arith.shrsi %add3A_1012, %shift_right_arithmetic3A_1014 : vector<16xi32>
    %add3A_1016 = arith.addi %mul3A_973, %shift_right_arithmetic3A_1015 : vector<16xi32>
    %and3A_1017 = arith.andi %add3A_1012, %broadcast_in_dim3A_415 : vector<16xi32>
    %gather3A_1018 = tpu.vector_load_idx %arg9[%add3A_1016, %and3A_1017] : memref<256x8xf32, #tpu.memory_space<vmem>>[vector<16xi32>, vector<16xi32>], vector<16xf32>,
    %broadcast_in_dim3A_1019 = arith.constant 3 : i32
    %broadcast_in_dim3A_1020 = vector.broadcast %broadcast_in_dim3A_1019 : i32 to vector<16xi32>
    %select_n3A_1021 = arith.select %lt3A_960, %gather3A_1018, %broadcast_in_dim3A_413 : vector<16xi1>, vector<16xf32>
    tpu.vector_store_idx %arg10[%broadcast_in_dim3A_952, %add3A_958, %broadcast_in_dim3A_1020], %select_n3A_1021 : memref<4x32x7xf32, #tpu.memory_space<vmem>>[vector<16xi32>, vector<16xi32>, vector<16xi32>], vector<16xf32>,
    %add3A_1022 = arith.constant 4 : i32
    %add3A_1023 = vector.broadcast %add3A_1022 : i32 to vector<16xi32>
    %add3A_1024 = arith.addi %and3A_967, %add3A_1023 : vector<16xi32>
    %shift_right_arithmetic3A_1025 = arith.constant 3 : i32
    %shift_right_arithmetic3A_1026 = vector.broadcast %shift_right_arithmetic3A_1025 : i32 to vector<16xi32>
    %shift_right_arithmetic3A_1027 = arith.shrsi %add3A_1024, %shift_right_arithmetic3A_1026 : vector<16xi32>
    %add3A_1028 = arith.addi %mul3A_973, %shift_right_arithmetic3A_1027 : vector<16xi32>
    %and3A_1029 = arith.andi %add3A_1024, %broadcast_in_dim3A_415 : vector<16xi32>
    %gather3A_1030 = tpu.vector_load_idx %arg9[%add3A_1028, %and3A_1029] : memref<256x8xf32, #tpu.memory_space<vmem>>[vector<16xi32>, vector<16xi32>], vector<16xf32>,
    %broadcast_in_dim3A_1031 = arith.constant 4 : i32
    %broadcast_in_dim3A_1032 = vector.broadcast %broadcast_in_dim3A_1031 : i32 to vector<16xi32>
    %select_n3A_1033 = arith.select %lt3A_960, %gather3A_1030, %broadcast_in_dim3A_413 : vector<16xi1>, vector<16xf32>
    tpu.vector_store_idx %arg10[%broadcast_in_dim3A_952, %add3A_958, %broadcast_in_dim3A_1032], %select_n3A_1033 : memref<4x32x7xf32, #tpu.memory_space<vmem>>[vector<16xi32>, vector<16xi32>, vector<16xi32>], vector<16xf32>,
    %broadcast_in_dim3A_1034 = arith.constant 5 : i32
    %broadcast_in_dim3A_1035 = vector.broadcast %broadcast_in_dim3A_1034 : i32 to vector<16xi32>
    %broadcast_in_dim3A_1036 = arith.constant 6 : i32
    %broadcast_in_dim3A_1037 = vector.broadcast %broadcast_in_dim3A_1036 : i32 to vector<16xi32>
    %select_n3A_1038 = arith.select %lt3A_960, %gather3A_148, %broadcast_in_dim3A_413 : vector<16xi1>, vector<16xf32>
    tpu.vector_store_idx %arg10[%broadcast_in_dim3A_952, %add3A_958, %broadcast_in_dim3A_1035], %select_n3A_1038 : memref<4x32x7xf32, #tpu.memory_space<vmem>>[vector<16xi32>, vector<16xi32>, vector<16xi32>], vector<16xf32>,
    %select_n3A_1039 = arith.select %lt3A_960, %gather3A_152, %broadcast_in_dim3A_413 : vector<16xi1>, vector<16xf32>
    tpu.vector_store_idx %arg10[%broadcast_in_dim3A_952, %add3A_958, %broadcast_in_dim3A_1037], %select_n3A_1039 : memref<4x32x7xf32, #tpu.memory_space<vmem>>[vector<16xi32>, vector<16xi32>, vector<16xi32>], vector<16xf32>,
    %get3A_1040 = arith.constant 208 : index
    %get3A_1041 = tpu.vector_load %arg7[%get3A_1040] {strides = array<i32>} : memref<256xf32, #tpu.memory_space<vmem>>, vector<16xf32>,
    %convert_element_type3A_1042 = arith.fptosi %get3A_1041 : vector<16xf32> to vector<16xi32>
    %add3A_1043 = arith.constant 16 : i32
    %add3A_1044 = vector.broadcast %add3A_1043 : i32 to vector<16xi32>
    %add3A_1045 = arith.addi %add3A_1044, %iota3A : vector<16xi32>
    %lt3A_1046 = vector.broadcast %min3A_950 : i32 to vector<16xi32>
    %lt3A_1047 = arith.cmpi slt, %add3A_1045, %lt3A_1046 : vector<16xi32>
    %jit3A_1048 = arith.constant 0 : i32
    %broadcast_in_dim3A_1049 = vector.broadcast %jit3A_1048 : i32 to vector<16xi32>
    %select_n3A_1050 = arith.select %lt3A_1047, %convert_element_type3A_1042, %broadcast_in_dim3A_1049 : vector<16xi1>, vector<16xi32>
    %mul3A_1051 = arith.constant 5 : i32
    %mul3A_1052 = vector.broadcast %mul3A_1051 : i32 to vector<16xi32>
    %mul3A_1053 = arith.muli %select_n3A_1050, %mul3A_1052 : vector<16xi32>
    %and3A_1054 = arith.andi %mul3A_1053, %broadcast_in_dim3A_415 : vector<16xi32>
    %add3A_1055 = arith.constant 112 : i32
    %add3A_1056 = vector.broadcast %add3A_1055 : i32 to vector<16xi32>
    %add3A_1057 = arith.addi %add3A_1056, %iota3A : vector<16xi32>
    %mul3A_1058 = arith.constant 2 : i32
    %mul3A_1059 = vector.broadcast %mul3A_1058 : i32 to vector<16xi32>
    %mul3A_1060 = arith.muli %add3A_1057, %mul3A_1059 : vector<16xi32>
    %add3A_1061 = arith.constant 0 : i32
    %add3A_1062 = vector.broadcast %add3A_1061 : i32 to vector<16xi32>
    %add3A_1063 = arith.addi %and3A_1054, %add3A_1062 : vector<16xi32>
    %shift_right_arithmetic3A_1064 = arith.constant 3 : i32
    %shift_right_arithmetic3A_1065 = vector.broadcast %shift_right_arithmetic3A_1064 : i32 to vector<16xi32>
    %shift_right_arithmetic3A_1066 = arith.shrsi %add3A_1063, %shift_right_arithmetic3A_1065 : vector<16xi32>
    %add3A_1067 = arith.addi %mul3A_1060, %shift_right_arithmetic3A_1066 : vector<16xi32>
    %and3A_1068 = arith.andi %add3A_1063, %broadcast_in_dim3A_415 : vector<16xi32>
    %gather3A_1069 = tpu.vector_load_idx %arg9[%add3A_1067, %and3A_1068] : memref<256x8xf32, #tpu.memory_space<vmem>>[vector<16xi32>, vector<16xi32>], vector<16xf32>,
    %broadcast_in_dim3A_1070 = arith.constant 0 : i32
    %broadcast_in_dim3A_1071 = vector.broadcast %broadcast_in_dim3A_1070 : i32 to vector<16xi32>
    %select_n3A_1072 = arith.select %lt3A_1047, %gather3A_1069, %broadcast_in_dim3A_413 : vector<16xi1>, vector<16xf32>
    tpu.vector_store_idx %arg10[%broadcast_in_dim3A_952, %add3A_1045, %broadcast_in_dim3A_1071], %select_n3A_1072 : memref<4x32x7xf32, #tpu.memory_space<vmem>>[vector<16xi32>, vector<16xi32>, vector<16xi32>], vector<16xf32>,
    %add3A_1073 = arith.constant 1 : i32
    %add3A_1074 = vector.broadcast %add3A_1073 : i32 to vector<16xi32>
    %add3A_1075 = arith.addi %and3A_1054, %add3A_1074 : vector<16xi32>
    %shift_right_arithmetic3A_1076 = arith.constant 3 : i32
    %shift_right_arithmetic3A_1077 = vector.broadcast %shift_right_arithmetic3A_1076 : i32 to vector<16xi32>
    %shift_right_arithmetic3A_1078 = arith.shrsi %add3A_1075, %shift_right_arithmetic3A_1077 : vector<16xi32>
    %add3A_1079 = arith.addi %mul3A_1060, %shift_right_arithmetic3A_1078 : vector<16xi32>
    %and3A_1080 = arith.andi %add3A_1075, %broadcast_in_dim3A_415 : vector<16xi32>
    %gather3A_1081 = tpu.vector_load_idx %arg9[%add3A_1079, %and3A_1080] : memref<256x8xf32, #tpu.memory_space<vmem>>[vector<16xi32>, vector<16xi32>], vector<16xf32>,
    %broadcast_in_dim3A_1082 = arith.constant 1 : i32
    %broadcast_in_dim3A_1083 = vector.broadcast %broadcast_in_dim3A_1082 : i32 to vector<16xi32>
    %select_n3A_1084 = arith.select %lt3A_1047, %gather3A_1081, %broadcast_in_dim3A_413 : vector<16xi1>, vector<16xf32>
    tpu.vector_store_idx %arg10[%broadcast_in_dim3A_952, %add3A_1045, %broadcast_in_dim3A_1083], %select_n3A_1084 : memref<4x32x7xf32, #tpu.memory_space<vmem>>[vector<16xi32>, vector<16xi32>, vector<16xi32>], vector<16xf32>,
    %add3A_1085 = arith.constant 2 : i32
    %add3A_1086 = vector.broadcast %add3A_1085 : i32 to vector<16xi32>
    %add3A_1087 = arith.addi %and3A_1054, %add3A_1086 : vector<16xi32>
    %shift_right_arithmetic3A_1088 = arith.constant 3 : i32
    %shift_right_arithmetic3A_1089 = vector.broadcast %shift_right_arithmetic3A_1088 : i32 to vector<16xi32>
    %shift_right_arithmetic3A_1090 = arith.shrsi %add3A_1087, %shift_right_arithmetic3A_1089 : vector<16xi32>
    %add3A_1091 = arith.addi %mul3A_1060, %shift_right_arithmetic3A_1090 : vector<16xi32>
    %and3A_1092 = arith.andi %add3A_1087, %broadcast_in_dim3A_415 : vector<16xi32>
    %gather3A_1093 = tpu.vector_load_idx %arg9[%add3A_1091, %and3A_1092] : memref<256x8xf32, #tpu.memory_space<vmem>>[vector<16xi32>, vector<16xi32>], vector<16xf32>,
    %broadcast_in_dim3A_1094 = arith.constant 2 : i32
    %broadcast_in_dim3A_1095 = vector.broadcast %broadcast_in_dim3A_1094 : i32 to vector<16xi32>
    %select_n3A_1096 = arith.select %lt3A_1047, %gather3A_1093, %broadcast_in_dim3A_413 : vector<16xi1>, vector<16xf32>
    tpu.vector_store_idx %arg10[%broadcast_in_dim3A_952, %add3A_1045, %broadcast_in_dim3A_1095], %select_n3A_1096 : memref<4x32x7xf32, #tpu.memory_space<vmem>>[vector<16xi32>, vector<16xi32>, vector<16xi32>], vector<16xf32>,
    %add3A_1097 = arith.constant 3 : i32
    %add3A_1098 = vector.broadcast %add3A_1097 : i32 to vector<16xi32>
    %add3A_1099 = arith.addi %and3A_1054, %add3A_1098 : vector<16xi32>
    %shift_right_arithmetic3A_1100 = arith.constant 3 : i32
    %shift_right_arithmetic3A_1101 = vector.broadcast %shift_right_arithmetic3A_1100 : i32 to vector<16xi32>
    %shift_right_arithmetic3A_1102 = arith.shrsi %add3A_1099, %shift_right_arithmetic3A_1101 : vector<16xi32>
    %add3A_1103 = arith.addi %mul3A_1060, %shift_right_arithmetic3A_1102 : vector<16xi32>
    %and3A_1104 = arith.andi %add3A_1099, %broadcast_in_dim3A_415 : vector<16xi32>
    %gather3A_1105 = tpu.vector_load_idx %arg9[%add3A_1103, %and3A_1104] : memref<256x8xf32, #tpu.memory_space<vmem>>[vector<16xi32>, vector<16xi32>], vector<16xf32>,
    %broadcast_in_dim3A_1106 = arith.constant 3 : i32
    %broadcast_in_dim3A_1107 = vector.broadcast %broadcast_in_dim3A_1106 : i32 to vector<16xi32>
    %select_n3A_1108 = arith.select %lt3A_1047, %gather3A_1105, %broadcast_in_dim3A_413 : vector<16xi1>, vector<16xf32>
    tpu.vector_store_idx %arg10[%broadcast_in_dim3A_952, %add3A_1045, %broadcast_in_dim3A_1107], %select_n3A_1108 : memref<4x32x7xf32, #tpu.memory_space<vmem>>[vector<16xi32>, vector<16xi32>, vector<16xi32>], vector<16xf32>,
    %add3A_1109 = arith.constant 4 : i32
    %add3A_1110 = vector.broadcast %add3A_1109 : i32 to vector<16xi32>
    %add3A_1111 = arith.addi %and3A_1054, %add3A_1110 : vector<16xi32>
    %shift_right_arithmetic3A_1112 = arith.constant 3 : i32
    %shift_right_arithmetic3A_1113 = vector.broadcast %shift_right_arithmetic3A_1112 : i32 to vector<16xi32>
    %shift_right_arithmetic3A_1114 = arith.shrsi %add3A_1111, %shift_right_arithmetic3A_1113 : vector<16xi32>
    %add3A_1115 = arith.addi %mul3A_1060, %shift_right_arithmetic3A_1114 : vector<16xi32>
    %and3A_1116 = arith.andi %add3A_1111, %broadcast_in_dim3A_415 : vector<16xi32>
    %gather3A_1117 = tpu.vector_load_idx %arg9[%add3A_1115, %and3A_1116] : memref<256x8xf32, #tpu.memory_space<vmem>>[vector<16xi32>, vector<16xi32>], vector<16xf32>,
    %broadcast_in_dim3A_1118 = arith.constant 4 : i32
    %broadcast_in_dim3A_1119 = vector.broadcast %broadcast_in_dim3A_1118 : i32 to vector<16xi32>
    %select_n3A_1120 = arith.select %lt3A_1047, %gather3A_1117, %broadcast_in_dim3A_413 : vector<16xi1>, vector<16xf32>
    tpu.vector_store_idx %arg10[%broadcast_in_dim3A_952, %add3A_1045, %broadcast_in_dim3A_1119], %select_n3A_1120 : memref<4x32x7xf32, #tpu.memory_space<vmem>>[vector<16xi32>, vector<16xi32>, vector<16xi32>], vector<16xf32>,
    %broadcast_in_dim3A_1121 = arith.constant 5 : i32
    %broadcast_in_dim3A_1122 = vector.broadcast %broadcast_in_dim3A_1121 : i32 to vector<16xi32>
    %broadcast_in_dim3A_1123 = arith.constant 6 : i32
    %broadcast_in_dim3A_1124 = vector.broadcast %broadcast_in_dim3A_1123 : i32 to vector<16xi32>
    %select_n3A_1125 = arith.select %lt3A_1047, %gather3A_148, %broadcast_in_dim3A_413 : vector<16xi1>, vector<16xf32>
    tpu.vector_store_idx %arg10[%broadcast_in_dim3A_952, %add3A_1045, %broadcast_in_dim3A_1122], %select_n3A_1125 : memref<4x32x7xf32, #tpu.memory_space<vmem>>[vector<16xi32>, vector<16xi32>, vector<16xi32>], vector<16xf32>,
    %select_n3A_1126 = arith.select %lt3A_1047, %gather3A_152, %broadcast_in_dim3A_413 : vector<16xi1>, vector<16xf32>
    tpu.vector_store_idx %arg10[%broadcast_in_dim3A_952, %add3A_1045, %broadcast_in_dim3A_1124], %select_n3A_1126 : memref<4x32x7xf32, #tpu.memory_space<vmem>>[vector<16xi32>, vector<16xi32>, vector<16xi32>], vector<16xf32>,
    "tpu.region"() ({
      %run_scoped3A = tpu.sem_alloc : memref<!tpu.dma_semaphore, #tpu.memory_space<semaphore_mem>>
      %dma_start3A_1127 = arith.constant 0 : i32
      %dma_start3A_1128 = arith.constant 0 : i32
      %dma_start3A_1129 = tpu.memref_slice %arg4[%mul3A_2, %dma_start3A_1127, %dma_start3A_1128] : memref<128x32x7xf32, #tpu.memory_space<hbm>> -> memref<4x32x7xf32, #tpu.memory_space<hbm>>
      %dma_start3A_1130 = arith.constant 0 : i32
      %dma_start3A_1131 = arith.constant 0 : i32
      %dma_start3A_1132 = tpu.memref_slice %arg4[%mul3A_2, %dma_start3A_1130, %dma_start3A_1131] : memref<128x32x7xf32, #tpu.memory_space<hbm>> -> memref<4x32x7xf32, #tpu.memory_space<hbm>>
      tpu.enqueue_dma source(%arg10 : memref<4x32x7xf32, #tpu.memory_space<vmem>>) target(%dma_start3A_1132 : memref<4x32x7xf32, #tpu.memory_space<hbm>>) target_semaphore(%run_scoped3A : memref<!tpu.dma_semaphore, #tpu.memory_space<semaphore_mem>>)
      %dma_wait3A_1133 = arith.constant 0 : i32
      %dma_wait3A_1134 = arith.constant 0 : i32
      %dma_wait3A_1135 = tpu.memref_slice %arg4[%mul3A_2, %dma_wait3A_1133, %dma_wait3A_1134] : memref<128x32x7xf32, #tpu.memory_space<hbm>> -> memref<4x32x7xf32, #tpu.memory_space<hbm>>
      %dma_wait3A_1136 = arith.constant 0 : i32
      %dma_wait3A_1137 = arith.constant 0 : i32
      %dma_wait3A_1138 = tpu.memref_slice %arg4[%mul3A_2, %dma_wait3A_1136, %dma_wait3A_1137] : memref<128x32x7xf32, #tpu.memory_space<hbm>> -> memref<4x32x7xf32, #tpu.memory_space<hbm>>
      tpu.wait_dma2 semaphore(%run_scoped3A : memref<!tpu.dma_semaphore, #tpu.memory_space<semaphore_mem>>) src(%arg10 : memref<4x32x7xf32, #tpu.memory_space<vmem>>) dst(%dma_wait3A_1138 : memref<4x32x7xf32, #tpu.memory_space<hbm>>)
      tpu.yield
    }) : () -> ()
    return
  }
}

</mosaic_0001>

<sc_bundles>
// kernel: _voxel_sample.3.cloned.1.call-start
scs
__scs_entry_jumppad:
0x0: {  	(pc) =	sbr.rel $0x88, $3  }
0x1: {  	(tag) =	ssettag $0x0;
	lr =	simm.s32 $0x1  }
0x2: {  	[smem:$0x3F9F] =	sst lr;
	_ =	strace $0xD0000000  }
0x3: {  	_ = 	snop  }
0x4: {  	_ = 	snop  }
0x5: {  	_ = 	snop  }
0x6: {  	_ = 	snop  }
0x7: {  	_ = 	snop  }
__scs_overlays_trampoline_lowered:
0x8: {  	[smem:$0x3FAE] =	sst s0  }
0x9: {  	[smem:$0x3FAF] =	sst s1  }
0xa: {  	[smem:$0x3FB0] =	sst s2  }
0xb: {  	[smem:$0x3FB1] =	sst s3  }
0xc: {  	[smem:$0x3FB2] =	sst s4  }
0xd: {  	[smem:$0x3FB3] =	sst s5  }
0xe: {  	[smem:$0x3FB4] =	sst s6  }
0xf: {  	[smem:$0x3FB5] =	sst s7  }
0x10: {  	[smem:$0x3FB6] =	sst s8  }
0x11: {  	[smem:$0x3FB7] =	sst s9;
	s0 =	simm.s32 @!p0 $0x0  }
0x12: {  	s1 =	sld [smem:$0x3F9D];
	s0 =	simm.s32 @p0 $0x1  }
0x13: {  	[smem:$0x3FB8] =	sst s0;
	s0 =	simm.s32 @!p1 $0x0  }
0x14: {  	s2 =	sld [smem:$0x3F9C];
	s0 =	simm.s32 @p1 $0x1  }
0x15: {  	[smem:$0x3FB9] =	sst s0;
	s0 =	simm.s32 @!p2 $0x0  }
0x16: {  	s3 =	sld [smem:$0x3FDB];
	s0 =	simm.s32 @p2 $0x1  }
0x17: {  	s4 =	simm.s32 $0x1BF5;
	[smem:$0x3FBB] =	sst s0  }
0x18: {  	s0 =	sld [smem:$0x3F9E];
	_ =	swait.ge [sflag:s4], $0x0  }
0x19: {  	s7 =	sld [smem:$0x3F9F]  }
0x1a: {  	s8 =	sadd.s32 $0xFFFFE003, lr  }
0x1b: {  	s9 =	sadd.s32 $0xFFFFFEF7, lr;
	s5 =	simm.s32 $0xFFFFFFFF;
	p2 =	slt.u32 s8, $0xFFFFF086  }
0x1c: {  	p1 =	slt.u32 s9, $0xF7A;
	s5 =	simm.s32 @!p2 $0x0  }
0x1d: {  	s5 =	simm.s32 @p1 $0x1;
	p0 =	seq.s32 s7, s2  }
0x1e: {  	s7 =	smul.u32 @!p0 $0xF7A, s2;
	p2 =	seq.s32 @!p0 s5, $0x0  }
0x1f: {  	s9 =	smul.u32 $0xF7A, s1;
	s8 =	simm.s32 @!p0 $0x1BF5;
	p2 =	por !p2, p0  }
0x20: {  	[sflag:s8] =	ssyncset.s32 @!p0 $0xFFFFF086;
	s6 =	sadd.s32 @!p0 s3, s7;
	s7 =	simm.s32 @!p0 $0x108  }
0x21: {  	s3 =	sadd.s32 s3, s9;
	s6 =	sadd.s32 @!p0 $0x88, s6;
	s7 =	simm.s32 @p2 $0x1082  }
0x22: {  	[simem:s7], [sflag:s8] =	dma.local @!p0 [hbm:s6], $0xF7A  }
0x23: {  	s9 =	sor.u32 $0xD0000000, s2;
	s6 =	simm.s32 $0x108;
	_ =	swait.ge @!p0 [sflag:s8], $0x0  }
0x24: {  	s3 =	sadd.s32 $0x88, s3;
	s6 =	simm.s32 @!p1 $0x1082;
	[sflag:s4] =	ssyncset.s32 $0xFFFFF086  }
0x25: {  	[simem:s6], [sflag:s4] =	dma.local [hbm:s3], $0xF7A  }
0x26: {  	[smem:$0x3F9F] =	sst s1;
	(tag) =	ssettag s2;
	_ =	strace s9  }
0x27: {  	s1 =	sld [smem:$0x3FAF]  }
0x28: {  	s2 =	sld [smem:$0x3FB0]  }
0x29: {  	s4 =	sld [smem:$0x3FB2]  }
0x2a: {  	p0 =	seq.s32 s5, $0x0;
	s5 =	sld [smem:$0x3FB3]  }
0x2b: {  	s6 =	sld [smem:$0x3FB4]  }
0x2c: {  	s7 =	sld [smem:$0x3FB5]  }
0x2d: {  	s3 =	simm.s32 $0x108;
	s8 =	sld [smem:$0x3FB6]  }
0x2e: {  	s3 =	simm.s32 @!p0 $0x1082;
	s9 =	sld [smem:$0x3FB7]  }
0x2f: {  	lr =	sadd.s32 s0, s3;
	s0 =	sld [smem:$0x3FAE]  }
0x30: {  	s3 =	sld [smem:$0x3FB1]  }
0x31: {  	[smem:$0x3FBA] =	sst s10  }
0x32: {  	s10 =	sld [smem:$0x3FB8];
	_ =	sdelay $0x3  }
0x33: {  	p0 =	seq.s32 s10, $0x1;
	s10 =	sld [smem:$0x3FBA];
	_ =	sdelay $0x3  }
0x34: {  	[smem:$0x3FBA] =	sst s10  }
0x35: {  	s10 =	sld [smem:$0x3FB9];
	_ =	sdelay $0x3  }
0x36: {  	p1 =	seq.s32 s10, $0x1;
	s10 =	sld [smem:$0x3FBA];
	_ =	sdelay $0x3  }
0x37: {  	[smem:$0x3FBA] =	sst s10  }
0x38: {  	s10 =	sld [smem:$0x3FBB]  }
0x39: {  	_ = 	snop;
	(pc) =	sbr.ind lr, $3  }
0x3a: {  	_ = 	snop  }
0x3b: {  	_ = 	snop  }
0x3c: {  	p2 =	seq.s32 s10, $0x1;
	s10 =	sld [smem:$0x3FBA]  }
0x3d: {  	_ =	shalt  }
0x3e: {  	_ =	shalt  }
0x3f: {  	_ =	shalt  }
0x40: {  	_ =	shalt  }
0x41: {  	_ =	shalt  }
0x42: {  	_ =	shalt  }
0x43: {  	_ =	shalt  }
0x44: {  	_ =	shalt  }
0x45: {  	_ =	shalt  }
0x46: {  	_ =	shalt  }
0x47: {  	_ =	shalt  }
0x48: {  	_ =	shalt  }
0x49: {  	_ =	shalt  }
0x4a: {  	_ =	shalt  }
0x4b: {  	_ =	shalt  }
0x4c: {  	_ =	shalt  }
0x4d: {  	_ =	shalt  }
0x4e: {  	_ =	shalt  }
0x4f: {  	_ =	shalt  }
0x50: {  	_ =	shalt  }
0x51: {  	_ =	shalt  }
0x52: {  	_ =	shalt  }
0x53: {  	_ =	shalt  }
0x54: {  	_ =	shalt  }
0x55: {  	_ =	shalt  }
0x56: {  	_ =	shalt  }
0x57: {  	_ =	shalt  }
0x58: {  	_ =	shalt  }
0x59: {  	_ =	shalt  }
0x5a: {  	_ =	shalt  }
0x5b: {  	_ =	shalt  }
0x5c: {  	_ =	shalt  }
0x5d: {  	_ =	shalt  }
0x5e: {  	_ =	shalt  }
0x5f: {  	_ =	shalt  }
0x60: {  	_ =	shalt  }
0x61: {  	_ =	shalt  }
0x62: {  	_ =	shalt  }
0x63: {  	_ =	shalt  }
0x64: {  	_ =	shalt  }
0x65: {  	_ =	shalt  }
0x66: {  	_ =	shalt  }
0x67: {  	_ =	shalt  }
0x68: {  	_ =	shalt  }
0x69: {  	_ =	shalt  }
0x6a: {  	_ =	shalt  }
0x6b: {  	_ =	shalt  }
0x6c: {  	_ =	shalt  }
0x6d: {  	_ =	shalt  }
0x6e: {  	_ =	shalt  }
0x6f: {  	_ =	shalt  }
0x70: {  	_ =	shalt  }
0x71: {  	_ =	shalt  }
0x72: {  	_ =	shalt  }
0x73: {  	_ =	shalt  }
0x74: {  	_ =	shalt  }
0x75: {  	_ =	shalt  }
0x76: {  	_ =	shalt  }
0x77: {  	_ =	shalt  }
0x78: {  	_ =	shalt  }
0x79: {  	_ =	shalt  }
0x7a: {  	_ =	shalt  }
0x7b: {  	_ =	shalt  }
0x7c: {  	_ =	shalt  }
0x7d: {  	_ =	shalt  }
0x7e: {  	_ =	shalt  }
0x7f: {  	_ =	shalt  }
0x80: {  	_ =	shalt  }
0x81: {  	_ =	shalt  }
0x82: {  	_ =	shalt  }
0x83: {  	_ =	shalt  }
0x84: {  	_ =	shalt  }
0x85: {  	_ =	shalt  }
0x86: {  	_ =	shalt  }
0x87: {  	_ =	shalt  }
.Lfunc_end0:
.L_simem_size_0:
called_computation_lowered:
.L_overlay_start_0:
0x88: {  	s2 =	sld [smem:$0x3FD9]  }
0x89: {  	s3 =	sld [smem:$0x3FFE];
	_ =	sdelay $0x1  }
0x8a: {  	s1 =	srdreg.scid  }
0x8b: {  	s0 =	sand.u32 $0x1, s1  }
0x8c: {  	s17 =	sshll.u32 s0, $0xA;
	s2 =	sadd.s32 s3, s2  }
0x8d: {  	s2 =	sadd.s32 s2, s17  }
0x8e: {  	[smem:$0x3FC6] =	sst s2  }
0x8f: {  	_ = 	snop  }
0x90: {  	s2 =	sld [smem:$0x3FD0];
	(tm) =	ssettm $0x1  }
0x91: {  	s18 =	sld [smem:$0x3FFB];
	_ =	sdelay $0x3  }
0x92: {  	_ =	strace s18  }
0x93: {  	s3 =	sld [smem:$0x3FFC];
	_ =	sdelay $0x3  }
0x94: {  	_ =	strace s3  }
0x95: {  	s3 =	sld [smem:$0x3FFD];
	_ =	sdelay $0x3  }
0x96: {  	_ =	strace s3  }
0x97: {  	_ =	strace $0x8FFFFFFF  }
0x98: {  	s19 =	sld [smem:$0x3FDB];
	_ =	sdelay $0x1  }
0x99: {  	s4 =	simm.s32 $_scs_section_size  }
0x9a: {  	s5 =	simm.s32 $_size__tile_overlayer_lowered;
	s6 =	simm.s32 $_tile_overlayer_lowered  }
0x9b: {  	s22 =	simm.s32 $0x1BFF;
	s21 =	sshll.u32 s6, $0x1;
	s3 =	sadd.s32 s4, s19  }
0x9c: {  	s7 =	simm.s32 $0x0;
	s20 =	sshll.u32 s5, $0x1;
	s5 =	sadd.s32 s21, s3  }
0x9d: {  	[timem:s7], [sflag:s22] =	dma.local [hbm:s5], s20  }
0x9e: {  	_ =	swait.ge [sflag:s22], s20  }
0x9f: {  	s4 =	ssub.s32 $0x0, s20;
	[sflag:s22] =	ssyncset.done $0x0  }
0xa0: {  	[sflag:s22] =	ssyncadd.s32 s4;
	_ =	sdelay $0x1  }
0xa1: {  	s23 =	simm.s32 $0x1B8B  }
0xa2: {  	_ =	swait.ge [sflag:s23], $0x1  }
0xa3: {  	[sflag:s23] =	ssyncset.done $0x0  }
0xa4: {  	s25 =	simm.s32 $0x1B8E;
	s24 =	sld [smem:$0x3FFE];
	[sflag:s23] =	ssyncadd.s32 $0xFFFFFFFF  }
0xa5: {  	s26 =	simm.s32 $execute0_lowered;
	[smem:$0x3FD2] =	sst s25  }
0xa6: {  	s5 =	sshll.u32 s26, $0x1;
	_ =	strace $0x80000046;
	[dreg:$0x1] =	wrdreg $0xFFFFFFFF  }
0xa7: {  	s28 =	simm.s32 $_size_execute0_lowered;
	s3 =	sadd.s32 s3, s5;
	[dreg:$0x0] =	wrdreg $0x0  }
0xa8: {  	s5 =	sshll.u32 s28, $0x1;
	[dreg:$0x2] =	wrdreg s3  }
0xa9: {  	[dreg:$0x3] =	wrdreg s5  }
0xaa: {  	[dreg:$0x4] =	wrdreg $0xC0  }
0xab: {  	_ =	task [dreg:s7], $0x5FFFF  }
0xac: {  	[dreg:$0x1] =	wrdreg $0xFFFFFFFF  }
0xad: {  	[dreg:$0x0] =	wrdreg $0x60  }
0xae: {  	[dreg:$0x2] =	wrdreg s24  }
0xaf: {  	[dreg:$0x3] =	wrdreg s2  }
0xb0: {  	[dreg:$0x4] =	wrdreg $0x9  }
0xb1: {  	_ =	task.clear_ibuf [dreg:s7], $0x5FFFF;
	_ =	strace $0x90000046  }
0xb2: {  	s29 =	simm.s32 $0x9;
	_ =	strace $0x80000048  }
0xb3: {  	_ =	swait.ge [sflag:s29], $0x1  }
0xb4: {  	[sflag:s29] =	ssyncadd.s32 $0xFFFFFFFF  }
0xb5: {  	_ =	strace $0x90000048  }
0xb6: {  	_ =	sfence  }
0xb7: {  	s30 =	sld [smem:$0x0];
	_ =	sdelay $0x2  }
0xb8: {  	s31 =	sshll.u32 s1, $0xD;
	s1 =	sshrl.u32 s1, $0x2  }
0xb9: {  	s3 =	sand.u32 $0x4000, s31;
	s1 =	sadd.s32 s1, s30  }
0xba: {  	s0 =	sor.u32 s3, s0;
	s1 =	sshll.u32 s1, $0x11  }
0xbb: {  	s0 =	sor.u32 s1, s0  }
0xbc: {  	s0 =	sadd.s32 $0x8F2B, s0  }
0xbd: {  	[sflag:s0] =	ssyncadd.remote.s32 $0x1  }
0xbe: {  	_ =	sfence.sel $0xFFFF  }
0xbf: {  	[dreg:$0x0] =	wrdreg $0xFFFFFFFF;
	(pc) =	sbr.abs _section_cstart, $3  }
0xc0: {  	[dreg:$0x1] =	wrdreg $0xFFFFFFFF  }
0xc1: {  	_ =	task.clear_ibuf [dreg:s7], $0x2FFFF;
	_ =	strace $0x9FFFFFFF  }
0xc2: {  	(tm) =	ssettm $0x7FFFFFFF  }
0xc3: {  	_ =	shalt  }
tec
execute0_lowered:
.L_overlay_start_1:
0x0: {  	(tag) =	ssettag $0x1  }
0x1: {  	s1 =	srdreg.scid  }
0x2: {  	s0 =	stileid.u32;
	s4 =	sand.u32 $0x1, s1  }
0x3: {  	s2 =	sshll.u32 s0, $0x2;
	s1 =	sshll.u32 s4, $0x6  }
0x4: {  	s5 =	sor.u32 s2, s1  }
0x5: {  	s6 =	sshll.u32 s5, $0x4  }
0x6: {  	v0 =	vmov s6  }
0x7: {  	v1 =	vor.u32 $0x1, v0;
	[tilespmem:$0x1FEC0] =	vst v0  }
0x8: {  	v46 =	vor.u32 $0x3, v0;
	[tilespmem:$0x1FE80] =	vst v1  }
0x9: {  	v47 =	vor.u32 $0x4, v0;
	[tilespmem:$0x1FE90] =	vst v46  }
0xa: {  	v48 =	vor.u32 $0x7, v0;
	[tilespmem:$0x1FEA0] =	vst v47  }
0xb: {  	s30 =	sor.u32 $0x10, s6;
	v0 =	vor.u32 $0x8, v0;
	[tilespmem:$0x1FEB0] =	vst v48  }
0xc: {  	s3 =	sor.u32 $0x20, s6;
	v49 =	vmov s30;
	[tilespmem:$0x1FED0] =	vst v0  }
0xd: {  	v54 =	vmov s3;
	[tilespmem:$0x1FF20] =	vst v49  }
0xe: {  	v50 =	vor.u32 $0x1, v49;
	[tilespmem:$0x1FF80] =	vst v54  }
0xf: {  	v51 =	vor.u32 $0x3, v49;
	[tilespmem:$0x1FEE0] =	vst v50  }
0x10: {  	v52 =	vor.u32 $0x4, v49;
	[tilespmem:$0x1FEF0] =	vst v51  }
0x11: {  	v53 =	vor.u32 $0x7, v49;
	[tilespmem:$0x1FF00] =	vst v52  }
0x12: {  	v0 =	vor.u32 $0x8, v49;
	[tilespmem:$0x1FF10] =	vst v53  }
0x13: {  	v55 =	vor.u32 $0x1, v54;
	[tilespmem:$0x1FF30] =	vst v0  }
0x14: {  	v56 =	vor.u32 $0x3, v54;
	[tilespmem:$0x1FF40] =	vst v55  }
0x15: {  	v57 =	vor.u32 $0x4, v54;
	[tilespmem:$0x1FF50] =	vst v56  }
0x16: {  	s7 =	rddreg [dreg:$0x0];
	s6 =	sor.u32 $0x30, s6;
	v58 =	vor.u32 $0x7, v54;
	[tilespmem:$0x1FF60] =	vst v57  }
0x17: {  	s2 =	rddreg [dreg:$0x1];
	s3 =	simm.s32 $0x0;
	v59 =	vmov s6;
	[tilespmem:$0x1FF70] =	vst v58;
	v0 =	vor.u32 $0x8, v54  }
0x18: {  	s9 =	simm.s32 $0x5620;
	s10 =	simm.s32 $0x5720;
	[smem:$0x7FF] =	sst s3;
	v60 =	vor.u32 $0x1, v59;
	[tilespmem:$0x1FF90] =	vst v0  }
0x19: {  	s11 =	simm.s32 $0x100;
	s1 =	rddreg [dreg:$0x2];
	v61 =	vor.u32 $0x3, v59;
	_ =	strace $0x80000047;
	[tilespmem:$0x1FFA0] =	vst v60  }
.Ltmp0:
0x1a: {  	v62 =	vimm.s32 $0x36147250;
	s12 =	simm.s32 $0x5820;
	s4 =	ssub.s32 $0x2, s4;
	v3 =	vor.u32 $0x4, v59;
	[tilespmem:$0x1FFB0] =	vst v61;
	(pc) =	sbr.rel .LBB2_1-.Ltmp0, $4  }
0x1b: {  	v21 =	vlaneseq.u32;
	v2 =	vimm.s32 $0x47250361;
	s13 =	simm.s32 $0x1;
	s14 =	simm.s32 $0x6020;
	s8 =	sshrl.u32 s4, $0x1;
	v63 =	vor.u32 $0x7, v59;
	[tilespmem:$0x1FFC0] =	vst v3  }
0x1c: {  	s15 =	simm.s32 $0x0;
	v22 =	vmul.u32 $0x5, v21;
	v2 =	vunpack.c.l.s4.s8 v2;
	s5 =	sshll.u32 s5, $0x5;
	s31 =	ssub.s32 s4, s8;
	v1 =	vunpack.c.l.s4.s8 v62;
	[tilespmem:$0x1FFD0] =	vst v63  }
0x1d: {  	v29 =	vimm.s32 $0x0;
	s4 =	sadd.s32 $0x600, s7;
	s8 =	simm.s32 $0x2;
	s5 =	sadd.s32 s5, s7;
	v0 =	vor.u32 $0x8, v59;
	[tilespmem:$0x1FFE0] =	vst v59  }
0x1e: {  	v26 =	vadd.s32 $0x1, v22;
	v28 =	vunpack.c.0.s8.s32 v2;
	s7 =	simm.s32 $0x4E20;
	s5 =	sadd.s32 $0xFC00, s5;
	s6 =	smax.u32 s31, $0x1;
	v27 =	vunpack.c.0.s8.s32 v1;
	[tilespmem:$0x1FFF0] =	vst v0  }
.LBB2_13:
0x1f: {  	v50 =	vpsel p0, v50, v50  }
0x20: {  	v51 =	vpsel p0, v51, v51;
	v52 =	vpsel p0, v52, v52;
	v53 =	vpsel p0, v53, v53  }
.LBB2_14:
0x21: {  	(v2sf) =	vpush v53, $0x0;
	_ =	sdelay $0x8  }
0x22: {  	v0 =	vld [tilespmem:$0x5620];
	_ =	sdelay $0x4  }
0x23: {  	v0 =	vtrunc.f32 v0  }
0x24: {  	v0 =	vcvt.f32.s32 v0;
	s16 =	spop (v2sf)  }
0x25: {  	p0 =	slt.s32 s16, $0x20  }
0x26: {  	v1 =	vmul.u32 $0x2, v21;
	v0 =	vmul.u32 $0x5, v0;
	s16 =	simm.s32 @!p0 $0x20  }
0x27: {  	v2 =	vmov s16  }
0x28: {  	v3 =	vor.u32 $0x1, v1;
	v0 =	vshra.s32 v0, $0x3;
	vm7 =	vgt.s32 v2, v21  }
0x29: {  	v0 =	vnsel vm7, $0x0, v0  }
0x2a: {  	vm0 =	vlt.s32 v0, $0xF422  }
0x2b: {  	v4 =	vnsel vm0, $0xF422, v0  }
0x2c: {  	[tilespmem:v1+s10+$0x0] =	vst.idx.msk $0xffff, v0;
	v43 =	vadd.s32 $0x1, v4  }
0x2d: {  	[tilespmem:v3+s10+$0x0] =	vst.idx.msk $0xffff, v43  }
0x2e: {  	v0 =	vld [tilespmem:$0x5630];
	_ =	sdelay $0x4  }
0x2f: {  	v0 =	vtrunc.f32 v0  }
0x30: {  	v0 =	vcvt.f32.s32 v0  }
0x31: {  	(v2sf) =	vpush v52, $0x0  }
0x32: {  	v0 =	vmul.u32 $0x5, v0  }
0x33: {  	v44 =	vor.u32 $0x10, v21;
	v45 =	vor.u32 $0x20, v1  }
0x34: {  	v46 =	vor.u32 $0x21, v1;
	vm6 =	vgt.s32 v2, v44;
	v0 =	vshra.s32 v0, $0x3  }
0x35: {  	v0 =	vnsel vm6, $0x0, v0  }
0x36: {  	vm9 =	vlt.s32 v0, $0xF422  }
0x37: {  	v5 =	vnsel vm9, $0xF422, v0  }
0x38: {  	[tilespmem:v45+s10+$0x0] =	vst.idx.msk $0xffff, v0;
	v47 =	vadd.s32 $0x1, v5  }
0x39: {  	[tilespmem:v46+s10+$0x0] =	vst.idx.msk $0xffff, v47  }
0x3a: {  	v0 =	vld [tilespmem:$0x5660];
	_ =	sdelay $0x4  }
0x3b: {  	v0 =	vtrunc.f32 v0  }
0x3c: {  	s16 =	spop (v2sf);
	v0 =	vcvt.f32.s32 v0  }
0x3d: {  	p0 =	slt.s32 s16, $0x20  }
0x3e: {  	s16 =	simm.s32 @!p0 $0x20;
	v0 =	vmul.u32 $0x5, v0  }
0x3f: {  	v49 =	vor.u32 $0x40, v1;
	v48 =	vmov s16  }
0x40: {  	v52 =	vor.u32 $0x41, v1;
	vm5 =	vgt.s32 v48, v21;
	v0 =	vshra.s32 v0, $0x3  }
0x41: {  	v0 =	vnsel vm5, $0x0, v0  }
0x42: {  	vm10 =	vlt.s32 v0, $0xF422  }
0x43: {  	v6 =	vnsel vm10, $0xF422, v0  }
0x44: {  	[tilespmem:v49+s10+$0x0] =	vst.idx.msk $0xffff, v0;
	v53 =	vadd.s32 $0x1, v6  }
0x45: {  	[tilespmem:v52+s10+$0x0] =	vst.idx.msk $0xffff, v53  }
0x46: {  	v0 =	vld [tilespmem:$0x5670];
	_ =	sdelay $0x4  }
0x47: {  	v0 =	vtrunc.f32 v0  }
0x48: {  	v0 =	vcvt.f32.s32 v0  }
0x49: {  	(v2sf) =	vpush v51, $0x0  }
0x4a: {  	v0 =	vmul.u32 $0x5, v0  }
0x4b: {  	v54 =	vor.u32 $0x60, v1  }
0x4c: {  	v55 =	vor.u32 $0x61, v1;
	vm4 =	vgt.s32 v48, v44;
	v0 =	vshra.s32 v0, $0x3  }
0x4d: {  	v0 =	vnsel vm4, $0x0, v0  }
0x4e: {  	vm11 =	vlt.s32 v0, $0xF422  }
0x4f: {  	v56 =	vnsel vm11, $0xF422, v0  }
0x50: {  	[tilespmem:v54+s10+$0x0] =	vst.idx.msk $0xffff, v0;
	v57 =	vadd.s32 $0x1, v56  }
0x51: {  	[tilespmem:v55+s10+$0x0] =	vst.idx.msk $0xffff, v57  }
0x52: {  	v0 =	vld [tilespmem:$0x56A0];
	_ =	sdelay $0x4  }
0x53: {  	v0 =	vtrunc.f32 v0  }
0x54: {  	s16 =	spop (v2sf);
	v0 =	vcvt.f32.s32 v0  }
0x55: {  	p0 =	slt.s32 s16, $0x20  }
0x56: {  	s16 =	simm.s32 @!p0 $0x20;
	v0 =	vmul.u32 $0x5, v0  }
0x57: {  	v59 =	vor.u32 $0x80, v1;
	v58 =	vmov s16  }
0x58: {  	v60 =	vor.u32 $0x81, v1;
	vm3 =	vgt.s32 v58, v21;
	v0 =	vshra.s32 v0, $0x3  }
0x59: {  	v0 =	vnsel vm3, $0x0, v0  }
0x5a: {  	vm12 =	vlt.s32 v0, $0xF422  }
0x5b: {  	v61 =	vnsel vm12, $0xF422, v0  }
0x5c: {  	[tilespmem:v59+s10+$0x0] =	vst.idx.msk $0xffff, v0;
	v62 =	vadd.s32 $0x1, v61  }
0x5d: {  	[tilespmem:v60+s10+$0x0] =	vst.idx.msk $0xffff, v62  }
0x5e: {  	v0 =	vld [tilespmem:$0x56B0];
	_ =	sdelay $0x4  }
0x5f: {  	v0 =	vtrunc.f32 v0  }
0x60: {  	v0 =	vcvt.f32.s32 v0  }
0x61: {  	(v2sf) =	vpush v50, $0x0  }
0x62: {  	v0 =	vmul.u32 $0x5, v0  }
0x63: {  	v63 =	vor.u32 $0xA0, v1  }
0x64: {  	v8 =	vor.u32 $0xA1, v1;
	vm2 =	vgt.s32 v58, v44;
	v0 =	vshra.s32 v0, $0x3  }
0x65: {  	v0 =	vnsel vm2, $0x0, v0  }
0x66: {  	vm13 =	vlt.s32 v0, $0xF422  }
0x67: {  	v9 =	vnsel vm13, $0xF422, v0  }
0x68: {  	[tilespmem:v63+s10+$0x0] =	vst.idx.msk $0xffff, v0;
	v10 =	vadd.s32 $0x1, v9  }
0x69: {  	[tilespmem:v8+s10+$0x0] =	vst.idx.msk $0xffff, v10  }
0x6a: {  	v0 =	vld [tilespmem:$0x56E0];
	_ =	sdelay $0x4  }
0x6b: {  	v0 =	vtrunc.f32 v0  }
0x6c: {  	s16 =	spop (v2sf);
	v0 =	vcvt.f32.s32 v0  }
0x6d: {  	p0 =	slt.s32 s16, $0x20  }
0x6e: {  	s16 =	simm.s32 @!p0 $0x20;
	v0 =	vmul.u32 $0x5, v0  }
0x6f: {  	v12 =	vor.u32 $0xC0, v1;
	v11 =	vmov s16  }
0x70: {  	v13 =	vor.u32 $0xC1, v1;
	vm1 =	vgt.s32 v11, v21;
	v0 =	vshra.s32 v0, $0x3  }
0x71: {  	v0 =	vnsel vm1, $0x0, v0  }
0x72: {  	vm14 =	vlt.s32 v0, $0xF422  }
0x73: {  	v14 =	vnsel vm14, $0xF422, v0  }
0x74: {  	[tilespmem:v12+s10+$0x0] =	vst.idx.msk $0xffff, v0;
	v15 =	vadd.s32 $0x1, v14  }
0x75: {  	[tilespmem:v13+s10+$0x0] =	vst.idx.msk $0xffff, v15  }
0x76: {  	v0 =	vld [tilespmem:$0x56F0];
	_ =	sdelay $0x4  }
0x77: {  	v0 =	vtrunc.f32 v0  }
0x78: {  	v0 =	vcvt.f32.s32 v0;
	_ =	sdelay $0x1  }
0x79: {  	v0 =	vmul.u32 $0x5, v0  }
0x7a: {  	v16 =	vor.u32 $0xE0, v1  }
0x7b: {  	v1 =	vor.u32 $0xE1, v1;
	vm15 =	vgt.s32 v11, v44;
	v0 =	vshra.s32 v0, $0x3  }
0x7c: {  	v0 =	vnsel vm15, $0x0, v0  }
0x7d: {  	vm8 =	vlt.s32 v0, $0xF422  }
0x7e: {  	v17 =	vnsel vm8, $0xF422, v0  }
0x7f: {  	[tilespmem:v16+s10+$0x0] =	vst.idx.msk $0xffff, v0;
	v18 =	vadd.s32 $0x1, v17  }
0x80: {  	[tilespmem:v1+s10+$0x0] =	vst.idx.msk $0xffff, v18  }
0x81: {  	[tilespmem:s12], [sflag:$0x1] =	stream.indirect.gather [hbm4b:s4+s11], $0x8, s10, s11, $0xb8;
	[tilespmem:$0x6420] =	vst v63  }
0x82: {  	_ =	swait.ge [sflag:s13], $0x800  }
0x83: {  	[sflag:s13] =	ssyncset.done $0x0  }
0x84: {  	[sflag:s13] =	ssyncadd.s32 $0xFFFFF800  }
0x85: {  	v19 =	vld [tilespmem:$0x5620];
	_ =	sdelay $0x4  }
0x86: {  	v0 =	vtrunc.f32 v19  }
0x87: {  	v0 =	vcvt.f32.s32 v0;
	_ =	sdelay $0x1  }
0x88: {  	v0 =	vmul.u32 $0x5, v0;
	_ =	sdelay $0x1  }
0x89: {  	v2 =	vmul.u32 $0x10, v21;
	v0 =	vand.u32 $0x7, v0  }
0x8a: {  	v0 =	vnsel vm7, $0x0, v0  }
0x8b: {  	v38 =	vor.u32 v2, v0;
	_ =	sdelay $0x4  }
0x8c: {  	v1 =	vmul.u32 $0x8, v21;
	v39 =	vld.idx.msk [tilespmem:v38+s12+$0x0], $0xffff  }
0x8d: {  	v40 =	vor.u32 $0x1, v2  }
0x8e: {  	v4 =	vadd.s32 v40, v0;
	_ =	sdelay $0x2  }
0x8f: {  	v3 =	vnsel vm7, $0x0, v39  }
0x90: {  	[tilespmem:v1+s14+$0x0] =	vst.idx.msk $0xffff, v3  }
0x91: {  	v3 =	vld.idx.msk [tilespmem:v4+s12+$0x0], $0xffff  }
0x92: {  	v42 =	vor.u32 $0x2, v2;
	v41 =	vor.u32 $0x1, v1  }
0x93: {  	v5 =	vadd.s32 v42, v0;
	_ =	sdelay $0x2  }
0x94: {  	v3 =	vnsel vm7, $0x0, v3  }
0x95: {  	[tilespmem:v41+s14+$0x0] =	vst.idx.msk $0xffff, v3  }
0x96: {  	v3 =	vld.idx.msk [tilespmem:v5+s12+$0x0], $0xffff  }
0x97: {  	v44 =	vor.u32 $0x3, v2;
	v43 =	vor.u32 $0x2, v1  }
0x98: {  	v5 =	vadd.s32 v44, v0;
	_ =	sdelay $0x2  }
0x99: {  	v3 =	vnsel vm7, $0x0, v3  }
0x9a: {  	[tilespmem:v43+s14+$0x0] =	vst.idx.msk $0xffff, v3  }
0x9b: {  	v3 =	vld.idx.msk [tilespmem:v5+s12+$0x0], $0xffff  }
0x9c: {  	v46 =	vor.u32 $0x4, v2;
	v45 =	vor.u32 $0x3, v1  }
0x9d: {  	v0 =	vadd.s32 v46, v0;
	_ =	sdelay $0x2  }
0x9e: {  	v3 =	vnsel vm7, $0x0, v3  }
0x9f: {  	[tilespmem:v45+s14+$0x0] =	vst.idx.msk $0xffff, v3  }
0xa0: {  	v0 =	vld.idx.msk [tilespmem:v0+s12+$0x0], $0xffff  }
0xa1: {  	v47 =	vor.u32 $0x4, v1  }
0xa2: {  	v48 =	vor.u32 $0x5, v1  }
0xa3: {  	v49 =	vor.u32 $0x6, v1;
	_ =	sdelay $0x1  }
0xa4: {  	v0 =	vnsel vm7, $0x0, v0  }
0xa5: {  	v50 =	vnsel vm7, $0x0, v37;
	[tilespmem:v47+s14+$0x0] =	vst.idx.msk $0xffff, v0  }
0xa6: {  	v51 =	vnsel vm7, $0x0, v36;
	[tilespmem:v48+s14+$0x0] =	vst.idx.msk $0xffff, v50  }
0xa7: {  	[tilespmem:v49+s14+$0x0] =	vst.idx.msk $0xffff, v51  }
0xa8: {  	v0 =	vld [tilespmem:$0x5630];
	_ =	sdelay $0x4  }
0xa9: {  	v0 =	vtrunc.f32 v0  }
0xaa: {  	v0 =	vcvt.f32.s32 v0;
	_ =	sdelay $0x1  }
0xab: {  	v0 =	vmul.u32 $0x5, v0;
	_ =	sdelay $0x1  }
0xac: {  	v0 =	vand.u32 $0x7, v0  }
0xad: {  	v52 =	vor.u32 $0x100, v2;
	v0 =	vnsel vm6, $0x0, v0  }
0xae: {  	v3 =	vor.u32 v52, v0;
	_ =	sdelay $0x4  }
0xaf: {  	v3 =	vld.idx.msk [tilespmem:v3+s12+$0x0], $0xffff  }
0xb0: {  	v54 =	vor.u32 $0x101, v2;
	v53 =	vor.u32 $0x80, v1  }
0xb1: {  	v5 =	vadd.s32 v54, v0;
	_ =	sdelay $0x2  }
0xb2: {  	v3 =	vnsel vm6, $0x0, v3  }
0xb3: {  	[tilespmem:v53+s14+$0x0] =	vst.idx.msk $0xffff, v3  }
0xb4: {  	v3 =	vld.idx.msk [tilespmem:v5+s12+$0x0], $0xffff  }
0xb5: {  	v56 =	vor.u32 $0x102, v2;
	v55 =	vor.u32 $0x81, v1  }
0xb6: {  	v5 =	vadd.s32 v56, v0;
	_ =	sdelay $0x2  }
0xb7: {  	v3 =	vnsel vm6, $0x0, v3  }
0xb8: {  	[tilespmem:v55+s14+$0x0] =	vst.idx.msk $0xffff, v3  }
0xb9: {  	v3 =	vld.idx.msk [tilespmem:v5+s12+$0x0], $0xffff  }
0xba: {  	v58 =	vor.u32 $0x103, v2;
	v57 =	vor.u32 $0x82, v1  }
0xbb: {  	v5 =	vadd.s32 v58, v0;
	_ =	sdelay $0x2  }
0xbc: {  	v3 =	vnsel vm6, $0x0, v3  }
0xbd: {  	[tilespmem:v57+s14+$0x0] =	vst.idx.msk $0xffff, v3  }
0xbe: {  	v3 =	vld.idx.msk [tilespmem:v5+s12+$0x0], $0xffff  }
0xbf: {  	v60 =	vor.u32 $0x104, v2;
	v59 =	vor.u32 $0x83, v1  }
0xc0: {  	v0 =	vadd.s32 v60, v0;
	_ =	sdelay $0x2  }
0xc1: {  	v3 =	vnsel vm6, $0x0, v3  }
0xc2: {  	[tilespmem:v59+s14+$0x0] =	vst.idx.msk $0xffff, v3  }
0xc3: {  	v0 =	vld.idx.msk [tilespmem:v0+s12+$0x0], $0xffff  }
0xc4: {  	v61 =	vor.u32 $0x84, v1  }
0xc5: {  	v62 =	vor.u32 $0x85, v1  }
0xc6: {  	v63 =	vor.u32 $0x86, v1;
	_ =	sdelay $0x1  }
0xc7: {  	v0 =	vnsel vm6, $0x0, v0  }
0xc8: {  	v6 =	vnsel vm6, $0x0, v37;
	[tilespmem:v61+s14+$0x0] =	vst.idx.msk $0xffff, v0  }
0xc9: {  	v7 =	vnsel vm6, $0x0, v36;
	[tilespmem:v62+s14+$0x0] =	vst.idx.msk $0xffff, v6  }
0xca: {  	[tilespmem:v63+s14+$0x0] =	vst.idx.msk $0xffff, v7  }
0xcb: {  	v0 =	vld [tilespmem:$0x5660];
	_ =	sdelay $0x4  }
0xcc: {  	v0 =	vtrunc.f32 v0  }
0xcd: {  	v0 =	vcvt.f32.s32 v0;
	_ =	sdelay $0x1  }
0xce: {  	v0 =	vmul.u32 $0x5, v0;
	_ =	sdelay $0x1  }
0xcf: {  	v0 =	vand.u32 $0x7, v0  }
0xd0: {  	v8 =	vor.u32 $0x200, v2;
	v0 =	vnsel vm5, $0x0, v0  }
0xd1: {  	v3 =	vor.u32 v8, v0;
	_ =	sdelay $0x4  }
0xd2: {  	v3 =	vld.idx.msk [tilespmem:v3+s12+$0x0], $0xffff  }
0xd3: {  	v10 =	vor.u32 $0x201, v2;
	v9 =	vor.u32 $0x100, v1  }
0xd4: {  	v5 =	vadd.s32 v10, v0;
	_ =	sdelay $0x2  }
0xd5: {  	v3 =	vnsel vm5, $0x0, v3  }
0xd6: {  	[tilespmem:v9+s14+$0x0] =	vst.idx.msk $0xffff, v3  }
0xd7: {  	v3 =	vld.idx.msk [tilespmem:v5+s12+$0x0], $0xffff  }
0xd8: {  	v12 =	vor.u32 $0x202, v2;
	v11 =	vor.u32 $0x101, v1  }
0xd9: {  	v5 =	vadd.s32 v12, v0;
	_ =	sdelay $0x2  }
0xda: {  	v3 =	vnsel vm5, $0x0, v3  }
0xdb: {  	[tilespmem:v11+s14+$0x0] =	vst.idx.msk $0xffff, v3  }
0xdc: {  	v3 =	vld.idx.msk [tilespmem:v5+s12+$0x0], $0xffff  }
0xdd: {  	v14 =	vor.u32 $0x203, v2;
	v13 =	vor.u32 $0x102, v1  }
0xde: {  	v5 =	vadd.s32 v14, v0;
	_ =	sdelay $0x2  }
0xdf: {  	v3 =	vnsel vm5, $0x0, v3  }
0xe0: {  	[tilespmem:v13+s14+$0x0] =	vst.idx.msk $0xffff, v3  }
0xe1: {  	v3 =	vld.idx.msk [tilespmem:v5+s12+$0x0], $0xffff  }
0xe2: {  	v16 =	vor.u32 $0x204, v2;
	v15 =	vor.u32 $0x103, v1  }
0xe3: {  	v0 =	vadd.s32 v16, v0;
	_ =	sdelay $0x2  }
0xe4: {  	v3 =	vnsel vm5, $0x0, v3  }
0xe5: {  	[tilespmem:v15+s14+$0x0] =	vst.idx.msk $0xffff, v3  }
0xe6: {  	v0 =	vld.idx.msk [tilespmem:v0+s12+$0x0], $0xffff  }
0xe7: {  	v17 =	vor.u32 $0x104, v1  }
0xe8: {  	v18 =	vor.u32 $0x105, v1  }
0xe9: {  	v19 =	vor.u32 $0x106, v1;
	_ =	sdelay $0x1  }
0xea: {  	v0 =	vnsel vm5, $0x0, v0  }
0xeb: {  	v36 =	vnsel vm5, $0x0, v35;
	[tilespmem:v17+s14+$0x0] =	vst.idx.msk $0xffff, v0  }
0xec: {  	v37 =	vnsel vm5, $0x0, v34;
	[tilespmem:v18+s14+$0x0] =	vst.idx.msk $0xffff, v36  }
0xed: {  	[tilespmem:v19+s14+$0x0] =	vst.idx.msk $0xffff, v37  }
0xee: {  	v0 =	vld [tilespmem:$0x5670];
	_ =	sdelay $0x4  }
0xef: {  	v0 =	vtrunc.f32 v0  }
0xf0: {  	v0 =	vcvt.f32.s32 v0;
	_ =	sdelay $0x1  }
0xf1: {  	v0 =	vmul.u32 $0x5, v0;
	_ =	sdelay $0x1  }
0xf2: {  	v0 =	vand.u32 $0x7, v0  }
0xf3: {  	v38 =	vor.u32 $0x300, v2;
	v0 =	vnsel vm4, $0x0, v0  }
0xf4: {  	v3 =	vor.u32 v38, v0;
	_ =	sdelay $0x4  }
0xf5: {  	v3 =	vld.idx.msk [tilespmem:v3+s12+$0x0], $0xffff  }
0xf6: {  	v40 =	vor.u32 $0x301, v2;
	v39 =	vor.u32 $0x180, v1  }
0xf7: {  	v5 =	vadd.s32 v40, v0;
	_ =	sdelay $0x2  }
0xf8: {  	v3 =	vnsel vm4, $0x0, v3  }
0xf9: {  	[tilespmem:v39+s14+$0x0] =	vst.idx.msk $0xffff, v3  }
0xfa: {  	v3 =	vld.idx.msk [tilespmem:v5+s12+$0x0], $0xffff  }
0xfb: {  	v42 =	vor.u32 $0x302, v2;
	v41 =	vor.u32 $0x181, v1  }
0xfc: {  	v5 =	vadd.s32 v42, v0;
	_ =	sdelay $0x2  }
0xfd: {  	v3 =	vnsel vm4, $0x0, v3  }
0xfe: {  	[tilespmem:v41+s14+$0x0] =	vst.idx.msk $0xffff, v3  }
0xff: {  	v3 =	vld.idx.msk [tilespmem:v5+s12+$0x0], $0xffff  }
0x100: {  	v44 =	vor.u32 $0x303, v2;
	v43 =	vor.u32 $0x182, v1  }
0x101: {  	v5 =	vadd.s32 v44, v0;
	_ =	sdelay $0x2  }
0x102: {  	v3 =	vnsel vm4, $0x0, v3  }
0x103: {  	[tilespmem:v43+s14+$0x0] =	vst.idx.msk $0xffff, v3  }
0x104: {  	v3 =	vld.idx.msk [tilespmem:v5+s12+$0x0], $0xffff  }
0x105: {  	v46 =	vor.u32 $0x304, v2;
	v45 =	vor.u32 $0x183, v1  }
0x106: {  	v0 =	vadd.s32 v46, v0;
	_ =	sdelay $0x2  }
0x107: {  	v3 =	vnsel vm4, $0x0, v3  }
0x108: {  	[tilespmem:v45+s14+$0x0] =	vst.idx.msk $0xffff, v3  }
0x109: {  	v0 =	vld.idx.msk [tilespmem:v0+s12+$0x0], $0xffff  }
0x10a: {  	v47 =	vor.u32 $0x184, v1  }
0x10b: {  	v48 =	vor.u32 $0x185, v1  }
0x10c: {  	v49 =	vor.u32 $0x186, v1;
	_ =	sdelay $0x1  }
0x10d: {  	v0 =	vnsel vm4, $0x0, v0  }
0x10e: {  	v50 =	vnsel vm4, $0x0, v35;
	[tilespmem:v47+s14+$0x0] =	vst.idx.msk $0xffff, v0  }
0x10f: {  	v51 =	vnsel vm4, $0x0, v34;
	[tilespmem:v48+s14+$0x0] =	vst.idx.msk $0xffff, v50  }
0x110: {  	[tilespmem:v49+s14+$0x0] =	vst.idx.msk $0xffff, v51  }
0x111: {  	v0 =	vld [tilespmem:$0x56A0];
	_ =	sdelay $0x4  }
0x112: {  	v0 =	vtrunc.f32 v0  }
0x113: {  	v0 =	vcvt.f32.s32 v0;
	_ =	sdelay $0x1  }
0x114: {  	v0 =	vmul.u32 $0x5, v0;
	_ =	sdelay $0x1  }
0x115: {  	v0 =	vand.u32 $0x7, v0  }
0x116: {  	v52 =	vor.u32 $0x400, v2;
	v0 =	vnsel vm3, $0x0, v0  }
0x117: {  	v3 =	vor.u32 v52, v0;
	_ =	sdelay $0x4  }
0x118: {  	v3 =	vld.idx.msk [tilespmem:v3+s12+$0x0], $0xffff  }
0x119: {  	v54 =	vor.u32 $0x401, v2;
	v53 =	vor.u32 $0x200, v1  }
0x11a: {  	v5 =	vadd.s32 v54, v0;
	_ =	sdelay $0x2  }
0x11b: {  	v3 =	vnsel vm3, $0x0, v3  }
0x11c: {  	[tilespmem:v53+s14+$0x0] =	vst.idx.msk $0xffff, v3  }
0x11d: {  	v3 =	vld.idx.msk [tilespmem:v5+s12+$0x0], $0xffff  }
0x11e: {  	v56 =	vor.u32 $0x402, v2;
	v55 =	vor.u32 $0x201, v1  }
0x11f: {  	v5 =	vadd.s32 v56, v0;
	_ =	sdelay $0x2  }
0x120: {  	v3 =	vnsel vm3, $0x0, v3  }
0x121: {  	[tilespmem:v55+s14+$0x0] =	vst.idx.msk $0xffff, v3  }
0x122: {  	v3 =	vld.idx.msk [tilespmem:v5+s12+$0x0], $0xffff  }
0x123: {  	v58 =	vor.u32 $0x403, v2;
	v57 =	vor.u32 $0x202, v1  }
0x124: {  	v5 =	vadd.s32 v58, v0;
	_ =	sdelay $0x2  }
0x125: {  	v3 =	vnsel vm3, $0x0, v3  }
0x126: {  	[tilespmem:v57+s14+$0x0] =	vst.idx.msk $0xffff, v3  }
0x127: {  	v3 =	vld.idx.msk [tilespmem:v5+s12+$0x0], $0xffff  }
0x128: {  	v60 =	vor.u32 $0x404, v2;
	v59 =	vor.u32 $0x203, v1  }
0x129: {  	v0 =	vadd.s32 v60, v0;
	_ =	sdelay $0x2  }
0x12a: {  	v3 =	vnsel vm3, $0x0, v3  }
0x12b: {  	[tilespmem:v59+s14+$0x0] =	vst.idx.msk $0xffff, v3  }
0x12c: {  	v0 =	vld.idx.msk [tilespmem:v0+s12+$0x0], $0xffff  }
0x12d: {  	v61 =	vor.u32 $0x204, v1  }
0x12e: {  	v62 =	vor.u32 $0x205, v1  }
0x12f: {  	v63 =	vor.u32 $0x206, v1;
	_ =	sdelay $0x1  }
0x130: {  	v0 =	vnsel vm3, $0x0, v0  }
0x131: {  	v6 =	vnsel vm3, $0x0, v32;
	[tilespmem:v61+s14+$0x0] =	vst.idx.msk $0xffff, v0  }
0x132: {  	v7 =	vnsel vm3, $0x0, v33;
	[tilespmem:v62+s14+$0x0] =	vst.idx.msk $0xffff, v6  }
0x133: {  	[tilespmem:v63+s14+$0x0] =	vst.idx.msk $0xffff, v7  }
0x134: {  	v0 =	vld [tilespmem:$0x56B0];
	_ =	sdelay $0x4  }
0x135: {  	v0 =	vtrunc.f32 v0  }
0x136: {  	v0 =	vcvt.f32.s32 v0;
	_ =	sdelay $0x1  }
0x137: {  	v0 =	vmul.u32 $0x5, v0;
	_ =	sdelay $0x1  }
0x138: {  	v0 =	vand.u32 $0x7, v0  }
0x139: {  	v8 =	vor.u32 $0x500, v2;
	v0 =	vnsel vm2, $0x0, v0  }
0x13a: {  	v3 =	vor.u32 v8, v0;
	_ =	sdelay $0x4  }
0x13b: {  	v3 =	vld.idx.msk [tilespmem:v3+s12+$0x0], $0xffff  }
0x13c: {  	v10 =	vor.u32 $0x501, v2;
	v9 =	vor.u32 $0x280, v1  }
0x13d: {  	v5 =	vadd.s32 v10, v0;
	_ =	sdelay $0x2  }
0x13e: {  	v3 =	vnsel vm2, $0x0, v3  }
0x13f: {  	[tilespmem:v9+s14+$0x0] =	vst.idx.msk $0xffff, v3  }
0x140: {  	v3 =	vld.idx.msk [tilespmem:v5+s12+$0x0], $0xffff  }
0x141: {  	v12 =	vor.u32 $0x502, v2;
	v11 =	vor.u32 $0x281, v1  }
0x142: {  	v5 =	vadd.s32 v12, v0;
	_ =	sdelay $0x2  }
0x143: {  	v3 =	vnsel vm2, $0x0, v3  }
0x144: {  	[tilespmem:v11+s14+$0x0] =	vst.idx.msk $0xffff, v3  }
0x145: {  	v3 =	vld.idx.msk [tilespmem:v5+s12+$0x0], $0xffff  }
0x146: {  	v14 =	vor.u32 $0x503, v2;
	v13 =	vor.u32 $0x282, v1  }
0x147: {  	v5 =	vadd.s32 v14, v0;
	_ =	sdelay $0x2  }
0x148: {  	v3 =	vnsel vm2, $0x0, v3  }
0x149: {  	[tilespmem:v13+s14+$0x0] =	vst.idx.msk $0xffff, v3  }
0x14a: {  	v3 =	vld.idx.msk [tilespmem:v5+s12+$0x0], $0xffff  }
0x14b: {  	v16 =	vor.u32 $0x504, v2;
	v15 =	vor.u32 $0x283, v1  }
0x14c: {  	v0 =	vadd.s32 v16, v0;
	_ =	sdelay $0x2  }
0x14d: {  	v3 =	vnsel vm2, $0x0, v3  }
0x14e: {  	[tilespmem:v15+s14+$0x0] =	vst.idx.msk $0xffff, v3  }
0x14f: {  	v0 =	vld.idx.msk [tilespmem:v0+s12+$0x0], $0xffff  }
0x150: {  	v17 =	vor.u32 $0x284, v1  }
0x151: {  	v18 =	vor.u32 $0x285, v1  }
0x152: {  	v19 =	vor.u32 $0x286, v1;
	_ =	sdelay $0x1  }
0x153: {  	v0 =	vnsel vm2, $0x0, v0  }
0x154: {  	v34 =	vnsel vm2, $0x0, v32;
	[tilespmem:v17+s14+$0x0] =	vst.idx.msk $0xffff, v0  }
0x155: {  	v35 =	vnsel vm2, $0x0, v33;
	[tilespmem:v18+s14+$0x0] =	vst.idx.msk $0xffff, v34  }
0x156: {  	[tilespmem:v19+s14+$0x0] =	vst.idx.msk $0xffff, v35  }
0x157: {  	v0 =	vld [tilespmem:$0x56E0];
	_ =	sdelay $0x4  }
0x158: {  	v0 =	vtrunc.f32 v0  }
0x159: {  	v0 =	vcvt.f32.s32 v0;
	_ =	sdelay $0x1  }
0x15a: {  	v0 =	vmul.u32 $0x5, v0;
	_ =	sdelay $0x1  }
0x15b: {  	v0 =	vand.u32 $0x7, v0  }
0x15c: {  	v36 =	vor.u32 $0x600, v2;
	v0 =	vnsel vm1, $0x0, v0  }
0x15d: {  	v3 =	vor.u32 v36, v0;
	_ =	sdelay $0x4  }
0x15e: {  	v3 =	vld.idx.msk [tilespmem:v3+s12+$0x0], $0xffff  }
0x15f: {  	v37 =	vor.u32 $0x300, v1;
	v38 =	vor.u32 $0x601, v2  }
0x160: {  	v5 =	vadd.s32 v38, v0;
	_ =	sdelay $0x2  }
0x161: {  	v3 =	vnsel vm1, $0x0, v3  }
0x162: {  	[tilespmem:v37+s14+$0x0] =	vst.idx.msk $0xffff, v3  }
0x163: {  	v3 =	vld.idx.msk [tilespmem:v5+s12+$0x0], $0xffff  }
0x164: {  	v40 =	vor.u32 $0x602, v2;
	v39 =	vor.u32 $0x301, v1  }
0x165: {  	v5 =	vadd.s32 v40, v0;
	_ =	sdelay $0x2  }
0x166: {  	v3 =	vnsel vm1, $0x0, v3  }
0x167: {  	[tilespmem:v39+s14+$0x0] =	vst.idx.msk $0xffff, v3  }
0x168: {  	v3 =	vld.idx.msk [tilespmem:v5+s12+$0x0], $0xffff  }
0x169: {  	v42 =	vor.u32 $0x603, v2;
	v41 =	vor.u32 $0x302, v1  }
0x16a: {  	v5 =	vadd.s32 v42, v0;
	_ =	sdelay $0x2  }
0x16b: {  	v3 =	vnsel vm1, $0x0, v3  }
0x16c: {  	[tilespmem:v41+s14+$0x0] =	vst.idx.msk $0xffff, v3  }
0x16d: {  	v3 =	vld.idx.msk [tilespmem:v5+s12+$0x0], $0xffff  }
0x16e: {  	v44 =	vor.u32 $0x604, v2;
	v43 =	vor.u32 $0x303, v1  }
0x16f: {  	v0 =	vadd.s32 v44, v0;
	_ =	sdelay $0x2  }
0x170: {  	v3 =	vnsel vm1, $0x0, v3  }
0x171: {  	[tilespmem:v43+s14+$0x0] =	vst.idx.msk $0xffff, v3  }
0x172: {  	v0 =	vld.idx.msk [tilespmem:v0+s12+$0x0], $0xffff  }
0x173: {  	v45 =	vor.u32 $0x304, v1;
	v48 =	vld [tilespmem:$0x1FE60]  }
0x174: {  	v46 =	vor.u32 $0x305, v1;
	v7 =	vld [tilespmem:$0x1FE70]  }
0x175: {  	v47 =	vor.u32 $0x306, v1;
	_ =	sdelay $0x1  }
0x176: {  	v0 =	vnsel vm1, $0x0, v0  }
0x177: {  	v49 =	vnsel vm1, $0x0, v48;
	[tilespmem:v45+s14+$0x0] =	vst.idx.msk $0xffff, v0  }
0x178: {  	v50 =	vnsel vm1, $0x0, v7;
	[tilespmem:v46+s14+$0x0] =	vst.idx.msk $0xffff, v49  }
0x179: {  	[tilespmem:v47+s14+$0x0] =	vst.idx.msk $0xffff, v50  }
0x17a: {  	v0 =	vld [tilespmem:$0x56F0];
	_ =	sdelay $0x4  }
0x17b: {  	v0 =	vtrunc.f32 v0  }
0x17c: {  	v0 =	vcvt.f32.s32 v0;
	_ =	sdelay $0x1  }
0x17d: {  	v0 =	vmul.u32 $0x5, v0;
	_ =	sdelay $0x1  }
0x17e: {  	v0 =	vand.u32 $0x7, v0  }
0x17f: {  	v51 =	vor.u32 $0x700, v2;
	v0 =	vnsel vm15, $0x0, v0  }
0x180: {  	v3 =	vor.u32 v51, v0;
	_ =	sdelay $0x4  }
0x181: {  	v3 =	vld.idx.msk [tilespmem:v3+s12+$0x0], $0xffff  }
0x182: {  	v52 =	vor.u32 $0x380, v1;
	v53 =	vor.u32 $0x701, v2  }
0x183: {  	v5 =	vadd.s32 v53, v0;
	_ =	sdelay $0x2  }
0x184: {  	v3 =	vnsel vm15, $0x0, v3  }
0x185: {  	[tilespmem:v52+s14+$0x0] =	vst.idx.msk $0xffff, v3  }
0x186: {  	v3 =	vld.idx.msk [tilespmem:v5+s12+$0x0], $0xffff  }
0x187: {  	v54 =	vor.u32 $0x381, v1;
	v55 =	vor.u32 $0x702, v2  }
0x188: {  	v5 =	vadd.s32 v55, v0;
	_ =	sdelay $0x2  }
0x189: {  	v3 =	vnsel vm15, $0x0, v3  }
0x18a: {  	[tilespmem:v54+s14+$0x0] =	vst.idx.msk $0xffff, v3  }
0x18b: {  	v3 =	vld.idx.msk [tilespmem:v5+s12+$0x0], $0xffff  }
0x18c: {  	v56 =	vor.u32 $0x382, v1;
	v57 =	vor.u32 $0x703, v2  }
0x18d: {  	v5 =	vadd.s32 v57, v0;
	_ =	sdelay $0x2  }
0x18e: {  	v3 =	vnsel vm15, $0x0, v3  }
0x18f: {  	[tilespmem:v56+s14+$0x0] =	vst.idx.msk $0xffff, v3  }
0x190: {  	v3 =	vld.idx.msk [tilespmem:v5+s12+$0x0], $0xffff  }
0x191: {  	v58 =	vor.u32 $0x383, v1;
	v2 =	vor.u32 $0x704, v2  }
0x192: {  	v0 =	vadd.s32 v2, v0;
	_ =	sdelay $0x2  }
0x193: {  	v59 =	vnsel vm15, $0x0, v3  }
0x194: {  	[tilespmem:v58+s14+$0x0] =	vst.idx.msk $0xffff, v59  }
0x195: {  	v0 =	vld.idx.msk [tilespmem:v0+s12+$0x0], $0xffff  }
0x196: {  	v60 =	vor.u32 $0x384, v1  }
0x197: {  	v61 =	vor.u32 $0x385, v1  }
0x198: {  	v1 =	vor.u32 $0x386, v1;
	_ =	sdelay $0x1  }
0x199: {  	v0 =	vnsel vm15, $0x0, v0  }
0x19a: {  	s15 =	sadd.s32 $0x1, s15;
	v62 =	vnsel vm15, $0x0, v48;
	[tilespmem:v60+s14+$0x0] =	vst.idx.msk $0xffff, v0  }
0x19b: {  	p0 =	sne.s32 s15, s6;
	v63 =	vnsel vm15, $0x0, v7;
	[tilespmem:v61+s14+$0x0] =	vst.idx.msk $0xffff, v62  }
.Ltmp1:
0x19c: {  	[tilespmem:v1+s14+$0x0] =	vst.idx.msk $0xffff, v63;
	(pc) =	sbr.rel @!p0 .LBB2_15-.Ltmp1, $4  }
0x19d: {  	[hbm4b:s5+s3] =	stream.linear.scatter [tilespmem:s14], [sflag:$0x2], $0x400, $0x38;
	[tilespmem:$0x6420] =	vst v63  }
0x19e: {  	_ =	swait.ge [sflag:s8], $0x400  }
0x19f: {  	[sflag:s8] =	ssyncset.done $0x0  }
0x1a0: {  	[sflag:s8] =	ssyncadd.s32 $0xFFFFFC00  }
.LBB2_1:
0x1a1: {  	[tilespmem:s7], [sflag:$0x2] =	stream.linear.gather [hbm4b:s2+s3], $0x800, $0x38;
	[tilespmem:$0x6420] =	vst v63  }
0x1a2: {  	_ =	swait.ge [sflag:s8], $0x800  }
0x1a3: {  	v0 =	vld [tilespmem:$0x1FEC0]  }
0x1a4: {  	v36 =	vld [tilespmem:$0x1FE80]  }
0x1a5: {  	v37 =	vld [tilespmem:$0x1FE90]  }
0x1a6: {  	v40 =	vld [tilespmem:$0x1FEA0]  }
0x1a7: {  	v41 =	vld [tilespmem:$0x1FEB0]  }
0x1a8: {  	v42 =	vld [tilespmem:$0x1FED0]  }
0x1a9: {  	v43 =	vld [tilespmem:$0x1FEF0]  }
0x1aa: {  	v44 =	vld [tilespmem:$0x1FF00]  }
0x1ab: {  	v45 =	vld [tilespmem:$0x1FF50]  }
0x1ac: {  	v46 =	vld [tilespmem:$0x1FF60]  }
0x1ad: {  	v47 =	vld [tilespmem:$0x1FFB0]  }
0x1ae: {  	v48 =	vld [tilespmem:$0x1FFC0]  }
0x1af: {  	v49 =	vld [tilespmem:$0x1FF20]  }
0x1b0: {  	v50 =	vld [tilespmem:$0x1FEE0]  }
0x1b1: {  	v51 =	vld [tilespmem:$0x1FF10]  }
0x1b2: {  	v52 =	vld [tilespmem:$0x1FF30]  }
0x1b3: {  	v53 =	vld [tilespmem:$0x1FF80]  }
0x1b4: {  	v54 =	vld [tilespmem:$0x1FF40]  }
0x1b5: {  	v55 =	vld [tilespmem:$0x1FF70]  }
0x1b6: {  	v57 =	vld [tilespmem:$0x1FF90]  }
0x1b7: {  	v59 =	vld [tilespmem:$0x1FFE0]  }
0x1b8: {  	v61 =	vld [tilespmem:$0x1FFA0]  }
0x1b9: {  	[sflag:s8] =	ssyncset.done $0x0;
	v62 =	vld [tilespmem:$0x1FFD0]  }
0x1ba: {  	v63 =	vld [tilespmem:$0x1FFF0];
	[sflag:s8] =	ssyncadd.s32 $0xFFFFF800  }
0x1bb: {  	v38 =	vld.idx.msk [tilespmem:v0+s7+$0x0], $0xffff  }
0x1bc: {  	v39 =	vld.idx.msk [tilespmem:v36+s7+$0x0], $0xffff  }
0x1bd: {  	v1 =	vld.idx.msk [tilespmem:v37+s7+$0x0], $0xffff  }
0x1be: {  	v2 =	vld.idx.msk [tilespmem:v40+s7+$0x0], $0xffff  }
0x1bf: {  	v37 =	vld.idx.msk [tilespmem:v41+s7+$0x0], $0xffff  }
0x1c0: {  	v3 =	vld.idx.msk [tilespmem:v43+s7+$0x0], $0xffff  }
0x1c1: {  	v4 =	vld.idx.msk [tilespmem:v44+s7+$0x0], $0xffff  }
0x1c2: {  	v5 =	vld.idx.msk [tilespmem:v45+s7+$0x0], $0xffff  }
0x1c3: {  	v7 =	vld.idx.msk [tilespmem:v46+s7+$0x0], $0xffff  }
0x1c4: {  	v8 =	vld.idx.msk [tilespmem:v47+s7+$0x0], $0xffff  }
0x1c5: {  	v9 =	vld.idx.msk [tilespmem:v48+s7+$0x0], $0xffff  }
0x1c6: {  	v36 =	vld.idx.msk [tilespmem:v42+s7+$0x0], $0xffff  }
0x1c7: {  	v40 =	vld.idx.msk [tilespmem:v49+s7+$0x0], $0xffff;
	v1 =	vmul.f32 $5.000000000e-01, v1;
	v2 =	vmul.f32 $5.000000000e-01, v2  }
0x1c8: {  	v0 =	vld.idx.msk [tilespmem:v62+s7+$0x0], $0xffff;
	v3 =	vmul.f32 $5.000000000e-01, v3;
	v4 =	vmul.f32 $5.000000000e-01, v4  }
0x1c9: {  	v41 =	vld.idx.msk [tilespmem:v50+s7+$0x0], $0xffff;
	v5 =	vmul.f32 $5.000000000e-01, v5;
	v7 =	vmul.f32 $5.000000000e-01, v7  }
0x1ca: {  	v35 =	vld.idx.msk [tilespmem:v51+s7+$0x0], $0xffff;
	v8 =	vmul.f32 $5.000000000e-01, v8;
	v9 =	vmul.f32 $5.000000000e-01, v9  }
0x1cb: {  	v34 =	vld.idx.msk [tilespmem:v52+s7+$0x0], $0xffff;
	v1 =	vmul.f32 v1, v1;
	v2 =	vmul.f32 v2, v2  }
0x1cc: {  	v42 =	vld.idx.msk [tilespmem:v53+s7+$0x0], $0xffff;
	v3 =	vmul.f32 v3, v3;
	v4 =	vmul.f32 v4, v4  }
0x1cd: {  	[tilespmem:$0x1FE60] =	vst v0;
	v0 =	vld.idx.msk [tilespmem:v63+s7+$0x0], $0xffff;
	v5 =	vmul.f32 v5, v5;
	v7 =	vmul.f32 v7, v7  }
.Ltmp2:
0x1ce: {  	v43 =	vld.idx.msk [tilespmem:v54+s7+$0x0], $0xffff;
	v8 =	vmul.f32 v8, v8;
	v9 =	vmul.f32 v9, v9;
	(pc) =	sbr.rel .LBB2_2-.Ltmp2, $4  }
0x1cf: {  	v32 =	vld.idx.msk [tilespmem:v55+s7+$0x0], $0xffff;
	v50 =	vimm.s32 $0x0;
	v1 =	vadd.f32 v2, v1;
	v56 =	vadd.f32 v4, v3  }
0x1d0: {  	v33 =	vld.idx.msk [tilespmem:v57+s7+$0x0], $0xffff;
	v51 =	vimm.s32 $0x0;
	v58 =	vadd.f32 v7, v5;
	v60 =	vadd.f32 v9, v8  }
0x1d1: {  	v44 =	vld.idx.msk [tilespmem:v59+s7+$0x0], $0xffff;
	v52 =	vimm.s32 $0x0;
	v45 =	vmul.f32 $1.210000040e+00, v1;
	v46 =	vmul.f32 $1.210000040e+00, v56  }
0x1d2: {  	s16 =	simm.s32 $0x0;
	s17 =	simm.s32 $0x0;
	v47 =	vld.idx.msk [tilespmem:v61+s7+$0x0], $0xffff;
	v53 =	vimm.s32 $0x0;
	[tilespmem:$0x1FE70] =	vst v0;
	v48 =	vmul.f32 $1.210000040e+00, v58;
	v49 =	vmul.f32 $1.210000040e+00, v60  }
.LBB2_12:
0x1d3: {  	p0 =	sgt.u32 s17, $0x17  }
0x1d4: {  	p1 =	slt.s32 @!p0 s20, $0x20  }
0x1d5: {  	p1 =	por p0, !p1  }
.Ltmp3:
0x1d6: {  	_ = 	snop;
	(pc) =	sbr.rel @p1 .LBB2_13-.Ltmp3, $2  }
0x1d7: {  	_ =	sdelay $0x2  }
0x1d8: {  	s17 =	sadd.s32 $0x1, s17;
	s16 =	sadd.s32 $0xFA0, s16  }
.LBB2_2:
0x1d9: {  	s18 =	smul.u32 $0x9C4, s17  }
0x1da: {  	vm0 =	vlt.s32 v53, v52;
	vm1 =	vlt.s32 v51, v50  }
0x1db: {  	v1 =	vsel vm0, v53, v52;
	v2 =	vsel vm1, v51, v50;
	s19 =	sadd.s32 s4, s18;
	s18 =	simm.s32 $0x0  }
0x1dc: {  	vm0 =	vlt.s32 v1, v2;
	[tilespmem:s18], [sflag:$0x2] =	stream.linear.gather [hbm4b:s19+s18], $0x4E20, $0x38;
	[tilespmem:$0x6420] =	vst v63  }
0x1dd: {  	v1 =	vsel vm0, v1, v2;
	_ =	swait.ge [sflag:s8], $0x4E20  }
0x1de: {  	(v2sf) =	vpush v1, $0x0;
	_ =	sdelay $0xe  }
0x1df: {  	s31 =	spop (v2sf)  }
0x1e0: {  	p0 =	sgt.s32 s31, $0x1F  }
.Ltmp4:
0x1e1: {  	_ = 	snop;
	(pc) =	sbr.rel @!p0 .LBB2_3-.Ltmp4, $4  }
.Ltmp5:
0x1e2: {  	_ = 	snop;
	(pc) =	sbr.rel @p0 .LBB2_14-.Ltmp5, $4  }
0x1e3: {  	_ = 	snop  }
0x1e4: {  	[sflag:s8] =	ssyncset.done $0x0  }
0x1e5: {  	s19 =	simm.s32 $0x90;
	[sflag:s8] =	ssyncadd.s32 $0xFFFFB1E0  }
0x1e6: {  	_ = 	snop  }
.LBB2_11:
0x1e7: {  	vm0 =	vlt.s32 v53, v52;
	vm1 =	vlt.s32 v51, v50  }
0x1e8: {  	v0 =	vsel vm0, v53, v52;
	v1 =	vsel vm1, v51, v50  }
0x1e9: {  	vm0 =	vlt.s32 v0, v1  }
0x1ea: {  	v0 =	vsel vm0, v0, v1  }
0x1eb: {  	(v2sf) =	vpush v0, $0x0;
	_ =	sdelay $0xe  }
0x1ec: {  	p0 =	sgt.u32 s18, $0x17;
	s20 =	spop (v2sf)  }
0x1ed: {  	p1 =	slt.s32 @!p0 s20, $0x20  }
0x1ee: {  	p0 =	por p0, !p1  }
.Ltmp6:
0x1ef: {  	_ = 	snop;
	(pc) =	sbr.rel @p0 .LBB2_12-.Ltmp6, $2  }
0x1f0: {  	_ =	sdelay $0x2  }
0x1f1: {  	s18 =	sadd.s32 $0x1, s18;
	s19 =	sadd.s32 $0xA0, s19  }
.LBB2_3:
0x1f2: {  	s20 =	sadd.s32 $0xFFFFFF70, s19  }
0x1f3: {  	v1 =	vmov s20  }
0x1f4: {  	v1 =	vmul.u32 $0x5, v1;
	_ =	sdelay $0x1  }
0x1f5: {  	s21 =	sadd.s32 $0xFFFFFF80, s19;
	s23 =	sadd.s32 $0xFFFFFF90, s19;
	v1 =	vbroadcast v1, $0x0  }
0x1f6: {  	s24 =	sadd.s32 $0xFFFFFFA0, s19;
	v3 =	vmov s21;
	v4 =	vmov s23  }
0x1f7: {  	v5 =	vmov s24;
	v3 =	vmul.u32 $0x5, v3;
	v2 =	vadd.s32 v22, v1  }
0x1f8: {  	v4 =	vmul.u32 $0x5, v4;
	v1 =	vadd.s32 v26, v1;
	v2 =	vand.u32 $0xFFFFFFF8, v2  }
0x1f9: {  	v3 =	vbroadcast v3, $0x0;
	v1 =	vand.u32 $0xFFFFFFF8, v1;
	v2 =	vor.u32 v27, v2  }
0x1fa: {  	v5 =	vmul.u32 $0x5, v5;
	v1 =	vor.u32 v28, v1  }
0x1fb: {  	s25 =	sadd.s32 $0xFFFFFFB0, s19;
	v4 =	vbroadcast v4, $0x0;
	v9 =	vadd.s32 v22, v3;
	v3 =	vadd.s32 v26, v3  }
0x1fc: {  	(v2sf) =	vpush v53, $0x0;
	v7 =	vmov s25  }
0x1fd: {  	s26 =	sadd.s32 $0xFFFFFFC0, s19;
	s28 =	sadd.s32 $0xFFFFFFD0, s19;
	v11 =	vmul.u32 $0x5, v7;
	v5 =	vbroadcast v5, $0x0;
	v10 =	vadd.s32 v22, v4  }
0x1fe: {  	v54 =	vmov s28;
	v7 =	vld.idx.msk [tilespmem:v2+s3+$0x0], $0xffff;
	v2 =	vadd.s32 v26, v4;
	v4 =	vmov s26  }
0x1ff: {  	v11 =	vbroadcast v11, $0x0;
	v8 =	vld.idx.msk [tilespmem:v1+s3+$0x0], $0xffff;
	v1 =	vadd.s32 v22, v5;
	v4 =	vmul.u32 $0x5, v4  }
0x200: {  	v13 =	vld.idx.msk [tilespmem:v3+s3+$0x0], $0xffff;
	v3 =	vmul.u32 $0x5, v54;
	v5 =	vadd.s32 v26, v5  }
0x201: {  	s29 =	sadd.s32 $0xFFFFFFE0, s19;
	v55 =	vadd.s32 v22, v11;
	v9 =	vld.idx.msk [tilespmem:v9+s3+$0x0], $0xffff;
	v4 =	vbroadcast v4, $0x0  }
0x202: {  	v56 =	vmov s29;
	v18 =	vadd.s32 v26, v11;
	v10 =	vld.idx.msk [tilespmem:v10+s3+$0x0], $0xffff;
	v58 =	vbroadcast v3, $0x0  }
0x203: {  	s30 =	sadd.s32 $0xFFFFFFF0, s19;
	v11 =	vld.idx.msk [tilespmem:v2+s3+$0x0], $0xffff;
	v57 =	vadd.s32 v22, v4;
	v2 =	vmul.u32 $0x5, v56  }
0x204: {  	v59 =	vadd.s32 v22, v58;
	v3 =	vld.idx.msk [tilespmem:v1+s3+$0x0], $0xffff;
	v1 =	vmov s30  }
0x205: {  	v19 =	vadd.s32 v26, v4;
	v5 =	vld.idx.msk [tilespmem:v5+s3+$0x0], $0xffff;
	v1 =	vmul.u32 $0x5, v1;
	v60 =	vbroadcast v2, $0x0  }
0x206: {  	v16 =	vmov s19;
	v2 =	vld.idx.msk [tilespmem:v55+s3+$0x0], $0xffff;
	v55 =	vadd.s32 v26, v58  }
0x207: {  	v4 =	vld.idx.msk [tilespmem:v18+s3+$0x0], $0xffff;
	v58 =	vmul.u32 $0x5, v16;
	v62 =	vbroadcast v1, $0x0;
	v17 =	vadd.s32 v22, v60  }
0x208: {  	v1 =	vld.idx.msk [tilespmem:v57+s3+$0x0], $0xffff;
	v57 =	vadd.s32 v26, v60  }
0x209: {  	v61 =	vld.idx.msk [tilespmem:v59+s3+$0x0], $0xffff;
	v18 =	vbroadcast v58, $0x0;
	v60 =	vadd.s32 v22, v62  }
0x20a: {  	v63 =	vld.idx.msk [tilespmem:v19+s3+$0x0], $0xffff;
	v19 =	vadd.s32 v26, v62  }
0x20b: {  	s31 =	spop (v2sf);
	v14 =	vadd.s32 v22, v18;
	v62 =	vld.idx.msk [tilespmem:v55+s3+$0x0], $0xffff  }
0x20c: {  	p0 =	sgt.s32 s31, $0x1F;
	v15 =	vadd.s32 v26, v18;
	v58 =	vld.idx.msk [tilespmem:v17+s3+$0x0], $0xffff  }
.Ltmp7:
0x20d: {  	v56 =	vld.idx.msk [tilespmem:v57+s3+$0x0], $0xffff;
	(pc) =	sbr.rel @p0 .LBB2_5-.Ltmp7, $4  }
0x20e: {  	v55 =	vld.idx.msk [tilespmem:v60+s3+$0x0], $0xffff  }
0x20f: {  	s20 =	sadd.s32 s16, s20;
	v57 =	vld.idx.msk [tilespmem:v19+s3+$0x0], $0xffff  }
0x210: {  	v60 =	vor.u32 s20, v21;
	v59 =	vld.idx.msk [tilespmem:v14+s3+$0x0], $0xffff  }
0x211: {  	v54 =	vcvt.s32.f32 v60;
	v60 =	vld.idx.msk [tilespmem:v15+s3+$0x0], $0xffff  }
0x212: {  	v14 =	vsub.f32 v7, v38;
	v15 =	vsub.f32 v8, v39;
	_ =	sdelay $0x1  }
0x213: {  	v14 =	vmul.f32 v14, v14;
	v15 =	vmul.f32 v15, v15  }
0x214: {  	v16 =	vsub.f32 v9, v38;
	v17 =	vsub.f32 v13, v39  }
0x215: {  	v19 =	vsub.f32 v11, v39;
	v14 =	vadd.f32 v15, v14  }
0x216: {  	v15 =	vmul.f32 v16, v16;
	v16 =	vmul.f32 v17, v17;
	v17 =	vsub.f32 v10, v38  }
0x217: {  	vm0 =	vle.f32 v14, v45  }
0x218: {  	v14 =	vadd.f32 v16, v15;
	v15 =	vmul.f32 v17, v17;
	v16 =	vmul.f32 v19, v19;
	_ =	sdelay $0x1  }
0x219: {  	v17 =	vsel vm0, $0x1, v29;
	vm1 =	vle.f32 v14, v45;
	v14 =	vadd.f32 v16, v15  }
0x21a: {  	(xrf0) =	vadd.scan.msk.s32 $0xffff, v17  }
0x21b: {  	v15 =	vsel vm1, $0x1, v29;
	vm2 =	vle.f32 v14, v45  }
0x21c: {  	(xrf0) =	vadd.scan.msk.s32 $0xffff, v15;
	v14 =	vmpcnt.ones.xlane vm0;
	v15 =	vsel vm2, $0x1, v29  }
0x21d: {  	(xrf0) =	vadd.scan.msk.s32 $0xffff, v15  }
0x21e: {  	v14 =	vadd.s32 v53, v14;
	v15 =	vmpcnt.ones.xlane vm1  }
0x21f: {  	vm3 =	vlt.s32 v53, $0x20;
	vm10 =	vlt.s32 v14, $0x20  }
0x220: {  	v19 =	vsub.f32 v3, v38;
	v53 =	vnsel vm3, $0x20, v53;
	v16, _, _ =	vpop (xrf0);
	v17 =	vnsel vm10, $0x20, v14  }
0x221: {  	v14 =	vadd.s32 v14, v15;
	v16 =	vadd.s32 v16, v53;
	v53 =	vsub.f32 v5, v39  }
0x222: {  	v23 =	vsub.f32 v2, v38;
	v19 =	vmul.f32 v19, v19;
	vm11 =	vlt.s32 v14, $0x20;
	v15, _, _ =	vpop (xrf0)  }
0x223: {  	v15 =	vadd.s32 v17, v15;
	v17 =	vnsel vm11, $0x20, v14;
	v53 =	vmul.f32 v53, v53;
	v20, _, _ =	vpop (xrf0)  }
0x224: {  	v25 =	vsub.f32 v63, v39;
	v17 =	vadd.s32 v17, v20;
	v20 =	vsub.f32 v4, v39  }
0x225: {  	v6 =	vsub.f32 v58, v38;
	v24 =	vmpcnt.ones.xlane vm2;
	v19 =	vadd.f32 v53, v19  }
0x226: {  	v23 =	vmul.f32 v23, v23;
	v53 =	vsub.f32 v1, v38;
	v20 =	vmul.f32 v20, v20  }
0x227: {  	v12 =	vsub.f32 v56, v39;
	v14 =	vadd.s32 v14, v24;
	vm3 =	vle.f32 v19, v45  }
0x228: {  	v19 =	vadd.f32 v20, v23;
	v20 =	vmul.f32 v53, v53;
	v23 =	vmul.f32 v25, v25  }
0x229: {  	v6 =	vmul.f32 v6, v6;
	vm4 =	vlt.s32 v14, $0x20;
	v25 =	vmpcnt.ones.xlane vm3  }
0x22a: {  	v53 =	vnsel vm4, $0x20, v14;
	vm4 =	vle.f32 v19, v45;
	v19 =	vadd.f32 v23, v20  }
0x22b: {  	v12 =	vmul.f32 v12, v12;
	v30 =	vsub.f32 v59, v38;
	v14 =	vadd.s32 v14, v25  }
0x22c: {  	v25 =	vsub.f32 v62, v39;
	vm5 =	vle.f32 v19, v45;
	v19 =	vsub.f32 v61, v38  }
0x22d: {  	v6 =	vadd.f32 v12, v6;
	v12 =	vsub.f32 v55, v38  }
0x22e: {  	v31 =	vsub.f32 v60, v39;
	v25 =	vmul.f32 v25, v25;
	v19 =	vmul.f32 v19, v19  }
0x22f: {  	v12 =	vmul.f32 v12, v12;
	v16 =	vadd.s32 $0xFFFFFFFF, v16;
	v15 =	vadd.s32 $0xFFFFFFFF, v15  }
0x230: {  	v17 =	vadd.s32 $0xFFFFFFFF, v17;
	v24 =	vsel vm3, $0x1, v29;
	v19 =	vadd.f32 v25, v19  }
0x231: {  	(xrf0) =	vadd.scan.msk.s32 $0xffff, v24;
	v24 =	vmul.f32 v30, v30;
	v30 =	vmul.f32 v31, v31;
	vm6 =	vlt.s32 v14, $0x20  }
0x232: {  	v18 =	vnsel vm6, $0x20, v14;
	vm6 =	vle.f32 v19, v45;
	v19 =	vsub.f32 v57, v39  }
0x233: {  	vm13 =	vle.f32 v6, v45;
	v6 =	vadd.f32 v30, v24;
	v30 =	vadd.f32 $1.600000000e+01, v54  }
0x234: {  	[tilespmem:v16+s9+$0x0] =	vst.idx.msk vm0, v54;
	v16 =	vadd.f32 $3.200000000e+01, v54;
	v23 =	vmpcnt.ones.xlane vm4;
	v19 =	vmul.f32 v19, v19  }
0x235: {  	v20 =	vsel vm4, $0x1, v29;
	vm9 =	vle.f32 v6, v45;
	[tilespmem:v15+s9+$0x0] =	vst.idx.msk vm1, v30;
	v15 =	vadd.f32 $4.800000000e+01, v54  }
0x236: {  	(xrf0) =	vadd.scan.msk.s32 $0xffff, v20;
	v14 =	vadd.s32 v14, v23;
	v23 =	vsel vm5, $0x1, v29;
	v12 =	vadd.f32 v19, v12  }
0x237: {  	v0 =	vmpcnt.ones.xlane vm5;
	[tilespmem:v17+s9+$0x0] =	vst.idx.msk vm2, v16;
	(xrf0) =	vadd.scan.msk.s32 $0xffff, v23;
	v20 =	vsel vm6, $0x1, v29  }
0x238: {  	v23 =	vmpcnt.ones.xlane vm13;
	(xrf0) =	vadd.scan.msk.s32 $0xffff, v20;
	v20 =	vsel vm13, $0x1, v29;
	vm8 =	vle.f32 v12, v45  }
0x239: {  	v0 =	vadd.s32 v14, v0;
	v25 =	vmpcnt.ones.xlane vm6;
	(xrf0) =	vadd.scan.msk.s32 $0xffff, v20;
	v12 =	vsel vm8, $0x1, v29  }
0x23a: {  	v16 =	vadd.f32 $6.400000000e+01, v54;
	vm12 =	vlt.s32 v0, $0x20;
	(xrf0) =	vadd.scan.msk.s32 $0xffff, v12;
	v12 =	vsel vm9, $0x1, v29  }
0x23b: {  	vm7 =	vlt.s32 v14, $0x20;
	v19 =	vnsel vm12, $0x20, v0;
	v0 =	vadd.s32 v0, v25  }
0x23c: {  	v14 =	vnsel vm7, $0x20, v14;
	vm10 =	vlt.s32 v0, $0x20;
	v6 =	vadd.s32 v0, v23;
	v23, _, _ =	vpop (xrf0);
	(xrf0) =	vadd.scan.msk.s32 $0xffff, v12  }
0x23d: {  	v0 =	vnsel vm10, $0x20, v0;
	v23 =	vadd.s32 v53, v23;
	v20 =	vmpcnt.ones.xlane vm8;
	v12, _, _ =	vpop (xrf0)  }
0x23e: {  	vm14 =	vlt.s32 v6, $0x20;
	v23 =	vadd.s32 $0xFFFFFFFF, v23;
	v24, _, _ =	vpop (xrf0);
	v12 =	vadd.s32 v18, v12  }
0x23f: {  	v20 =	vadd.s32 v6, v20;
	v53, _, _ =	vpop (xrf0);
	v12 =	vadd.s32 $0xFFFFFFFF, v12;
	v14 =	vadd.s32 v14, v24  }
0x240: {  	v6 =	vnsel vm14, $0x20, v6;
	v24, _, _ =	vpop (xrf0);
	v14 =	vadd.s32 $0xFFFFFFFF, v14;
	v18 =	vadd.s32 v19, v53  }
0x241: {  	vm15 =	vlt.s32 v20, $0x20;
	v53, _, _ =	vpop (xrf0);
	v0 =	vadd.s32 v0, v24;
	v18 =	vadd.s32 $0xFFFFFFFF, v18  }
0x242: {  	v25 =	vnsel vm15, $0x20, v20;
	v0 =	vadd.s32 $0xFFFFFFFF, v0;
	v6 =	vadd.s32 v6, v53;
	v53, _, _ =	vpop (xrf0)  }
0x243: {  	[tilespmem:v23+s9+$0x0] =	vst.idx.msk vm3, v15;
	v15 =	vadd.s32 v25, v53;
	v53 =	vadd.f32 $8.000000000e+01, v54;
	v6 =	vadd.s32 $0xFFFFFFFF, v6  }
0x244: {  	[tilespmem:v12+s9+$0x0] =	vst.idx.msk vm4, v16;
	v12 =	vadd.f32 $9.600000000e+01, v54;
	v15 =	vadd.s32 $0xFFFFFFFF, v15  }
0x245: {  	[tilespmem:v14+s9+$0x0] =	vst.idx.msk vm5, v53;
	v14 =	vadd.f32 $1.120000000e+02, v54  }
0x246: {  	[tilespmem:v18+s9+$0x0] =	vst.idx.msk vm6, v12;
	v12 =	vadd.f32 $1.280000000e+02, v54  }
0x247: {  	[tilespmem:v0+s9+$0x0] =	vst.idx.msk vm13, v14;
	v0 =	vadd.f32 $1.440000000e+02, v54;
	v14 =	vmpcnt.ones.xlane vm9  }
0x248: {  	[tilespmem:v6+s9+$0x0] =	vst.idx.msk vm8, v12  }
0x249: {  	[tilespmem:v15+s9+$0x0] =	vst.idx.msk vm9, v0;
	v53 =	vadd.s32 v20, v14  }
.LBB2_5:
0x24a: {  	(v2sf) =	vpush v52, $0x0;
	_ =	sdelay $0xe  }
0x24b: {  	s20 =	spop (v2sf)  }
0x24c: {  	p0 =	sgt.s32 s20, $0x1F  }
.Ltmp8:
0x24d: {  	_ = 	snop;
	(pc) =	sbr.rel @p0 .LBB2_7-.Ltmp8, $1  }
0x24e: {  	_ =	sdelay $0x3  }
0x24f: {  	v0 =	vsub.f32 v7, v40;
	v6 =	vsub.f32 v8, v41;
	_ =	sdelay $0x1  }
0x250: {  	v0 =	vmul.f32 v0, v0;
	v6 =	vmul.f32 v6, v6  }
0x251: {  	v12 =	vsub.f32 v9, v40;
	v14 =	vsub.f32 v13, v41  }
0x252: {  	v15 =	vsub.f32 v11, v41;
	v0 =	vadd.f32 v6, v0  }
0x253: {  	v6 =	vmul.f32 v12, v12;
	v12 =	vmul.f32 v14, v14;
	v14 =	vsub.f32 v10, v40  }
0x254: {  	vm0 =	vle.f32 v0, v46  }
0x255: {  	v0 =	vadd.f32 v12, v6;
	v6 =	vmul.f32 v14, v14;
	v12 =	vmul.f32 v15, v15;
	_ =	sdelay $0x1  }
0x256: {  	v14 =	vsel vm0, $0x1, v29;
	vm1 =	vle.f32 v0, v46;
	v0 =	vadd.f32 v12, v6  }
0x257: {  	(xrf0) =	vadd.scan.msk.s32 $0xffff, v14  }
0x258: {  	v16 =	vsub.f32 v5, v41;
	v6 =	vsel vm1, $0x1, v29;
	vm2 =	vle.f32 v0, v46  }
0x259: {  	v15 =	vsub.f32 v3, v40;
	(xrf0) =	vadd.scan.msk.s32 $0xffff, v6;
	v6 =	vsel vm2, $0x1, v29  }
0x25a: {  	v16 =	vmul.f32 v16, v16;
	v0 =	vmpcnt.ones.xlane vm0;
	(xrf0) =	vadd.scan.msk.s32 $0xffff, v6  }
0x25b: {  	vm3 =	vlt.s32 v52, $0x20;
	v15 =	vmul.f32 v15, v15;
	v6 =	vmpcnt.ones.xlane vm1  }
0x25c: {  	v18 =	vsub.f32 v2, v40;
	v20 =	vsub.f32 v63, v41;
	v0 =	vadd.s32 v52, v0  }
0x25d: {  	v14 =	vnsel vm3, $0x20, v52;
	v15 =	vadd.f32 v16, v15;
	vm10 =	vlt.s32 v0, $0x20;
	v12, _, _ =	vpop (xrf0)  }
0x25e: {  	v12 =	vadd.s32 v12, v14;
	v14 =	vnsel vm10, $0x20, v0;
	v0 =	vadd.s32 v0, v6  }
0x25f: {  	v16 =	vmul.f32 v18, v18;
	v52 =	vsub.f32 v4, v41;
	v6, _, _ =	vpop (xrf0);
	vm11 =	vlt.s32 v0, $0x20  }
0x260: {  	v19 =	vmpcnt.ones.xlane vm2;
	v6 =	vadd.s32 v14, v6;
	v14 =	vnsel vm11, $0x20, v0;
	v17, _, _ =	vpop (xrf0)  }
0x261: {  	v14 =	vadd.s32 v14, v17;
	v17 =	vmul.f32 v52, v52;
	v52 =	vsub.f32 v1, v40  }
0x262: {  	vm3 =	vle.f32 v15, v46;
	v0 =	vadd.s32 v0, v19  }
0x263: {  	v15 =	vadd.f32 v17, v16;
	v16 =	vmul.f32 v52, v52;
	v17 =	vmul.f32 v20, v20  }
0x264: {  	v24 =	vsub.f32 v58, v40;
	vm4 =	vlt.s32 v0, $0x20;
	v52 =	vmpcnt.ones.xlane vm3  }
0x265: {  	v20 =	vnsel vm4, $0x20, v0;
	vm4 =	vle.f32 v15, v46;
	v15 =	vadd.f32 v17, v16  }
0x266: {  	v25 =	vsub.f32 v56, v41;
	v24 =	vmul.f32 v24, v24;
	v0 =	vadd.s32 v0, v52  }
0x267: {  	v52 =	vsub.f32 v62, v41;
	vm5 =	vle.f32 v15, v46;
	v15 =	vsub.f32 v61, v40  }
0x268: {  	v31 =	vsub.f32 v59, v40;
	v25 =	vmul.f32 v25, v25;
	v17 =	vmpcnt.ones.xlane vm4  }
0x269: {  	v18 =	vsel vm3, $0x1, v29;
	v19 =	vmul.f32 v52, v52;
	v15 =	vmul.f32 v15, v15  }
0x26a: {  	v12 =	vadd.s32 $0x3F, v12;
	vm6 =	vlt.s32 v0, $0x20;
	v23 =	vmpcnt.ones.xlane vm5  }
0x26b: {  	v30 =	vnsel vm6, $0x20, v0;
	v0 =	vadd.s32 v0, v17;
	v15 =	vadd.f32 v19, v15  }
0x26c: {  	(xrf0) =	vadd.scan.msk.s32 $0xffff, v18;
	v18 =	vmul.f32 v31, v31;
	v19 =	vadd.s32 v0, v23;
	v23 =	vadd.f32 v25, v24  }
0x26d: {  	v24 =	vsub.f32 v57, v41;
	vm6 =	vle.f32 v15, v46;
	v15 =	vsub.f32 v55, v40  }
0x26e: {  	v6 =	vadd.s32 $0x3F, v6;
	v14 =	vadd.s32 $0x3F, v14;
	v52 =	vsub.f32 v60, v41  }
0x26f: {  	[tilespmem:v12+s9+$0x0] =	vst.idx.msk vm0, v54;
	v16 =	vsel vm4, $0x1, v29;
	v24 =	vmul.f32 v24, v24;
	v15 =	vmul.f32 v15, v15  }
0x270: {  	v12 =	vadd.f32 $3.200000000e+01, v54;
	(xrf0) =	vadd.scan.msk.s32 $0xffff, v16;
	v17 =	vsel vm5, $0x1, v29;
	v31 =	vmul.f32 v52, v52  }
0x271: {  	(xrf0) =	vadd.scan.msk.s32 $0xffff, v17;
	vm13 =	vle.f32 v23, v46;
	v52 =	vsel vm6, $0x1, v29;
	v15 =	vadd.f32 v24, v15  }
0x272: {  	vm7 =	vlt.s32 v0, $0x20;
	v18 =	vadd.f32 v31, v18;
	(xrf0) =	vadd.scan.msk.s32 $0xffff, v52;
	v52 =	vmpcnt.ones.xlane vm13  }
0x273: {  	v25 =	vmpcnt.ones.xlane vm6;
	v16 =	vsel vm13, $0x1, v29;
	vm8 =	vle.f32 v15, v46  }
0x274: {  	v0 =	vnsel vm7, $0x20, v0;
	vm9 =	vle.f32 v18, v46;
	(xrf0) =	vadd.scan.msk.s32 $0xffff, v16;
	v15 =	vsel vm8, $0x1, v29  }
0x275: {  	vm12 =	vlt.s32 v19, $0x20;
	v17 =	vadd.s32 v19, v25;
	(xrf0) =	vadd.scan.msk.s32 $0xffff, v15;
	v15 =	vsel vm9, $0x1, v29  }
0x276: {  	vm10 =	vlt.s32 v17, $0x20;
	v18 =	vadd.s32 v17, v52;
	v52, _, _ =	vpop (xrf0);
	v16 =	vmpcnt.ones.xlane vm8  }
0x277: {  	v24 =	vnsel vm12, $0x20, v19;
	v17 =	vnsel vm10, $0x20, v17;
	v19 =	vadd.s32 v20, v52;
	(xrf0) =	vadd.scan.msk.s32 $0xffff, v15  }
0x278: {  	vm14 =	vlt.s32 v18, $0x20;
	v19 =	vadd.s32 $0x3F, v19;
	v16 =	vadd.s32 v18, v16;
	v15, _, _ =	vpop (xrf0)  }
0x279: {  	v18 =	vnsel vm14, $0x20, v18;
	vm15 =	vlt.s32 v16, $0x20;
	v20, _, _ =	vpop (xrf0);
	v15 =	vadd.s32 v30, v15  }
0x27a: {  	v30 =	vadd.f32 $1.600000000e+01, v54;
	v25, _, _ =	vpop (xrf0);
	v15 =	vadd.s32 $0x3F, v15;
	v0 =	vadd.s32 v0, v20  }
0x27b: {  	v23 =	vnsel vm15, $0x20, v16;
	v20, _, _ =	vpop (xrf0);
	v0 =	vadd.s32 $0x3F, v0;
	v24 =	vadd.s32 v24, v25  }
0x27c: {  	[tilespmem:v6+s9+$0x0] =	vst.idx.msk vm1, v30;
	v25, _, _ =	vpop (xrf0);
	v6 =	vadd.s32 v17, v20;
	v17 =	vadd.f32 $4.800000000e+01, v54;
	v20 =	vadd.s32 $0x3F, v24  }
0x27d: {  	[tilespmem:v14+s9+$0x0] =	vst.idx.msk vm2, v12;
	v12 =	vadd.f32 $6.400000000e+01, v54;
	v6 =	vadd.s32 $0x3F, v6;
	v14 =	vadd.s32 v18, v25;
	v52, _, _ =	vpop (xrf0)  }
0x27e: {  	[tilespmem:v19+s9+$0x0] =	vst.idx.msk vm3, v17;
	v17 =	vadd.s32 v23, v52;
	v52 =	vadd.f32 $8.000000000e+01, v54;
	v14 =	vadd.s32 $0x3F, v14  }
0x27f: {  	[tilespmem:v15+s9+$0x0] =	vst.idx.msk vm4, v12;
	v12 =	vadd.f32 $9.600000000e+01, v54;
	v15 =	vadd.s32 $0x3F, v17  }
0x280: {  	[tilespmem:v0+s9+$0x0] =	vst.idx.msk vm5, v52;
	v0 =	vadd.f32 $1.120000000e+02, v54  }
0x281: {  	[tilespmem:v20+s9+$0x0] =	vst.idx.msk vm6, v12;
	v12 =	vadd.f32 $1.280000000e+02, v54  }
0x282: {  	[tilespmem:v6+s9+$0x0] =	vst.idx.msk vm13, v0;
	v0 =	vadd.f32 $1.440000000e+02, v54;
	v6 =	vmpcnt.ones.xlane vm9  }
0x283: {  	[tilespmem:v14+s9+$0x0] =	vst.idx.msk vm8, v12  }
0x284: {  	[tilespmem:v15+s9+$0x0] =	vst.idx.msk vm9, v0;
	v52 =	vadd.s32 v16, v6  }
.LBB2_7:
0x285: {  	(v2sf) =	vpush v51, $0x0;
	_ =	sdelay $0xe  }
0x286: {  	s20 =	spop (v2sf)  }
0x287: {  	p0 =	sgt.s32 s20, $0x1F  }
.Ltmp9:
0x288: {  	_ = 	snop;
	(pc) =	sbr.rel @p0 .LBB2_9-.Ltmp9, $1  }
0x289: {  	_ =	sdelay $0x3  }
0x28a: {  	v0 =	vsub.f32 v7, v42;
	v6 =	vsub.f32 v8, v43;
	_ =	sdelay $0x1  }
0x28b: {  	v0 =	vmul.f32 v0, v0;
	v6 =	vmul.f32 v6, v6  }
0x28c: {  	v12 =	vsub.f32 v9, v42;
	v14 =	vsub.f32 v13, v43  }
0x28d: {  	v15 =	vsub.f32 v11, v43;
	v0 =	vadd.f32 v6, v0  }
0x28e: {  	v6 =	vmul.f32 v12, v12;
	v12 =	vmul.f32 v14, v14;
	v14 =	vsub.f32 v10, v42  }
0x28f: {  	vm0 =	vle.f32 v0, v48  }
0x290: {  	v0 =	vadd.f32 v12, v6;
	v6 =	vmul.f32 v14, v14;
	v12 =	vmul.f32 v15, v15;
	_ =	sdelay $0x1  }
0x291: {  	v14 =	vsel vm0, $0x1, v29;
	vm1 =	vle.f32 v0, v48;
	v0 =	vadd.f32 v12, v6  }
0x292: {  	(xrf0) =	vadd.scan.msk.s32 $0xffff, v14  }
0x293: {  	v16 =	vsub.f32 v5, v43;
	v6 =	vsel vm1, $0x1, v29;
	vm2 =	vle.f32 v0, v48  }
0x294: {  	v15 =	vsub.f32 v3, v42;
	(xrf0) =	vadd.scan.msk.s32 $0xffff, v6;
	v6 =	vsel vm2, $0x1, v29  }
0x295: {  	v16 =	vmul.f32 v16, v16;
	v0 =	vmpcnt.ones.xlane vm0;
	(xrf0) =	vadd.scan.msk.s32 $0xffff, v6  }
0x296: {  	vm3 =	vlt.s32 v51, $0x20;
	v15 =	vmul.f32 v15, v15;
	v6 =	vmpcnt.ones.xlane vm1  }
0x297: {  	v18 =	vsub.f32 v2, v42;
	v20 =	vsub.f32 v63, v43;
	v0 =	vadd.s32 v51, v0  }
0x298: {  	v14 =	vnsel vm3, $0x20, v51;
	v15 =	vadd.f32 v16, v15;
	vm10 =	vlt.s32 v0, $0x20;
	v12, _, _ =	vpop (xrf0)  }
0x299: {  	v12 =	vadd.s32 v12, v14;
	v14 =	vnsel vm10, $0x20, v0;
	v0 =	vadd.s32 v0, v6  }
0x29a: {  	v16 =	vmul.f32 v18, v18;
	v51 =	vsub.f32 v4, v43;
	v6, _, _ =	vpop (xrf0);
	vm11 =	vlt.s32 v0, $0x20  }
0x29b: {  	v19 =	vmpcnt.ones.xlane vm2;
	v6 =	vadd.s32 v14, v6;
	v14 =	vnsel vm11, $0x20, v0;
	v17, _, _ =	vpop (xrf0)  }
0x29c: {  	v14 =	vadd.s32 v14, v17;
	v17 =	vmul.f32 v51, v51;
	v51 =	vsub.f32 v1, v42  }
0x29d: {  	vm3 =	vle.f32 v15, v48;
	v0 =	vadd.s32 v0, v19  }
0x29e: {  	v15 =	vadd.f32 v17, v16;
	v16 =	vmul.f32 v51, v51;
	v17 =	vmul.f32 v20, v20  }
0x29f: {  	v24 =	vsub.f32 v58, v42;
	vm4 =	vlt.s32 v0, $0x20;
	v51 =	vmpcnt.ones.xlane vm3  }
0x2a0: {  	v20 =	vnsel vm4, $0x20, v0;
	vm4 =	vle.f32 v15, v48;
	v15 =	vadd.f32 v17, v16  }
0x2a1: {  	v25 =	vsub.f32 v56, v43;
	v24 =	vmul.f32 v24, v24;
	v0 =	vadd.s32 v0, v51  }
0x2a2: {  	v51 =	vsub.f32 v62, v43;
	vm5 =	vle.f32 v15, v48;
	v15 =	vsub.f32 v61, v42  }
0x2a3: {  	v31 =	vsub.f32 v59, v42;
	v25 =	vmul.f32 v25, v25;
	v17 =	vmpcnt.ones.xlane vm4  }
0x2a4: {  	v18 =	vsel vm3, $0x1, v29;
	v19 =	vmul.f32 v51, v51;
	v15 =	vmul.f32 v15, v15  }
0x2a5: {  	v12 =	vadd.s32 $0x7F, v12;
	vm6 =	vlt.s32 v0, $0x20;
	v23 =	vmpcnt.ones.xlane vm5  }
0x2a6: {  	v30 =	vnsel vm6, $0x20, v0;
	v0 =	vadd.s32 v0, v17;
	v15 =	vadd.f32 v19, v15  }
0x2a7: {  	(xrf0) =	vadd.scan.msk.s32 $0xffff, v18;
	v18 =	vmul.f32 v31, v31;
	v19 =	vadd.s32 v0, v23;
	v23 =	vadd.f32 v25, v24  }
0x2a8: {  	v24 =	vsub.f32 v57, v43;
	vm6 =	vle.f32 v15, v48;
	v15 =	vsub.f32 v55, v42  }
0x2a9: {  	v6 =	vadd.s32 $0x7F, v6;
	v14 =	vadd.s32 $0x7F, v14;
	v51 =	vsub.f32 v60, v43  }
0x2aa: {  	[tilespmem:v12+s9+$0x0] =	vst.idx.msk vm0, v54;
	v16 =	vsel vm4, $0x1, v29;
	v24 =	vmul.f32 v24, v24;
	v15 =	vmul.f32 v15, v15  }
0x2ab: {  	v12 =	vadd.f32 $3.200000000e+01, v54;
	(xrf0) =	vadd.scan.msk.s32 $0xffff, v16;
	v17 =	vsel vm5, $0x1, v29;
	v31 =	vmul.f32 v51, v51  }
0x2ac: {  	(xrf0) =	vadd.scan.msk.s32 $0xffff, v17;
	vm13 =	vle.f32 v23, v48;
	v51 =	vsel vm6, $0x1, v29;
	v15 =	vadd.f32 v24, v15  }
0x2ad: {  	vm7 =	vlt.s32 v0, $0x20;
	v18 =	vadd.f32 v31, v18;
	(xrf0) =	vadd.scan.msk.s32 $0xffff, v51;
	v51 =	vmpcnt.ones.xlane vm13  }
0x2ae: {  	v25 =	vmpcnt.ones.xlane vm6;
	v16 =	vsel vm13, $0x1, v29;
	vm8 =	vle.f32 v15, v48  }
0x2af: {  	v0 =	vnsel vm7, $0x20, v0;
	vm9 =	vle.f32 v18, v48;
	(xrf0) =	vadd.scan.msk.s32 $0xffff, v16;
	v15 =	vsel vm8, $0x1, v29  }
0x2b0: {  	vm12 =	vlt.s32 v19, $0x20;
	v17 =	vadd.s32 v19, v25;
	(xrf0) =	vadd.scan.msk.s32 $0xffff, v15;
	v15 =	vsel vm9, $0x1, v29  }
0x2b1: {  	vm10 =	vlt.s32 v17, $0x20;
	v18 =	vadd.s32 v17, v51;
	v51, _, _ =	vpop (xrf0);
	v16 =	vmpcnt.ones.xlane vm8  }
0x2b2: {  	v24 =	vnsel vm12, $0x20, v19;
	v17 =	vnsel vm10, $0x20, v17;
	v19 =	vadd.s32 v20, v51;
	(xrf0) =	vadd.scan.msk.s32 $0xffff, v15  }
0x2b3: {  	vm14 =	vlt.s32 v18, $0x20;
	v19 =	vadd.s32 $0x7F, v19;
	v16 =	vadd.s32 v18, v16;
	v15, _, _ =	vpop (xrf0)  }
0x2b4: {  	v18 =	vnsel vm14, $0x20, v18;
	vm15 =	vlt.s32 v16, $0x20;
	v20, _, _ =	vpop (xrf0);
	v15 =	vadd.s32 v30, v15  }
0x2b5: {  	v30 =	vadd.f32 $1.600000000e+01, v54;
	v25, _, _ =	vpop (xrf0);
	v15 =	vadd.s32 $0x7F, v15;
	v0 =	vadd.s32 v0, v20  }
0x2b6: {  	v23 =	vnsel vm15, $0x20, v16;
	v20, _, _ =	vpop (xrf0);
	v0 =	vadd.s32 $0x7F, v0;
	v24 =	vadd.s32 v24, v25  }
0x2b7: {  	[tilespmem:v6+s9+$0x0] =	vst.idx.msk vm1, v30;
	v25, _, _ =	vpop (xrf0);
	v6 =	vadd.s32 v17, v20;
	v17 =	vadd.f32 $4.800000000e+01, v54;
	v20 =	vadd.s32 $0x7F, v24  }
0x2b8: {  	[tilespmem:v14+s9+$0x0] =	vst.idx.msk vm2, v12;
	v12 =	vadd.f32 $6.400000000e+01, v54;
	v6 =	vadd.s32 $0x7F, v6;
	v14 =	vadd.s32 v18, v25;
	v51, _, _ =	vpop (xrf0)  }
0x2b9: {  	[tilespmem:v19+s9+$0x0] =	vst.idx.msk vm3, v17;
	v17 =	vadd.s32 v23, v51;
	v51 =	vadd.f32 $8.000000000e+01, v54;
	v14 =	vadd.s32 $0x7F, v14  }
0x2ba: {  	[tilespmem:v15+s9+$0x0] =	vst.idx.msk vm4, v12;
	v12 =	vadd.f32 $9.600000000e+01, v54;
	v15 =	vadd.s32 $0x7F, v17  }
0x2bb: {  	[tilespmem:v0+s9+$0x0] =	vst.idx.msk vm5, v51;
	v0 =	vadd.f32 $1.120000000e+02, v54  }
0x2bc: {  	[tilespmem:v20+s9+$0x0] =	vst.idx.msk vm6, v12;
	v12 =	vadd.f32 $1.280000000e+02, v54  }
0x2bd: {  	[tilespmem:v6+s9+$0x0] =	vst.idx.msk vm13, v0;
	v0 =	vadd.f32 $1.440000000e+02, v54;
	v6 =	vmpcnt.ones.xlane vm9  }
0x2be: {  	[tilespmem:v14+s9+$0x0] =	vst.idx.msk vm8, v12  }
0x2bf: {  	[tilespmem:v15+s9+$0x0] =	vst.idx.msk vm9, v0;
	v51 =	vadd.s32 v16, v6  }
.LBB2_9:
0x2c0: {  	(v2sf) =	vpush v50, $0x0;
	_ =	sdelay $0xe  }
0x2c1: {  	s20 =	spop (v2sf)  }
0x2c2: {  	p0 =	sgt.s32 s20, $0x1F  }
.Ltmp10:
0x2c3: {  	_ = 	snop;
	(pc) =	sbr.rel @p0 .LBB2_11-.Ltmp10, $1  }
0x2c4: {  	_ =	sdelay $0x3  }
0x2c5: {  	v0 =	vsub.f32 v7, v44;
	v6 =	vsub.f32 v8, v47  }
0x2c6: {  	v14 =	vsub.f32 v9, v44;
	v15 =	vsub.f32 v13, v47  }
0x2c7: {  	v17 =	vsub.f32 v10, v44;
	v18 =	vsub.f32 v11, v47  }
0x2c8: {  	vm3 =	vlt.s32 v50, $0x20;
	v3 =	vsub.f32 v3, v44;
	v5 =	vsub.f32 v5, v47  }
0x2c9: {  	v2 =	vsub.f32 v2, v44;
	v0 =	vmul.f32 v0, v0;
	v6 =	vmul.f32 v6, v6  }
0x2ca: {  	v4 =	vsub.f32 v4, v47;
	v7 =	vmul.f32 v14, v14;
	v8 =	vmul.f32 v15, v15  }
0x2cb: {  	v1 =	vsub.f32 v1, v44;
	v11 =	vmul.f32 v18, v18;
	v3 =	vmul.f32 v3, v3  }
0x2cc: {  	v5 =	vmul.f32 v5, v5;
	v2 =	vmul.f32 v2, v2;
	v0 =	vadd.f32 v6, v0  }
0x2cd: {  	v4 =	vmul.f32 v4, v4;
	v1 =	vmul.f32 v1, v1;
	v16 =	vadd.f32 v8, v7  }
0x2ce: {  	v3 =	vadd.f32 v5, v3;
	vm0 =	vle.f32 v0, v49;
	v0 =	vmul.f32 v17, v17  }
0x2cf: {  	v2 =	vadd.f32 v4, v2;
	vm1 =	vle.f32 v16, v49;
	v19 =	vsel vm0, $0x1, v29  }
0x2d0: {  	v17 =	vnsel vm3, $0x20, v50;
	v13 =	vmpcnt.ones.xlane vm0;
	(xrf0) =	vadd.scan.msk.s32 $0xffff, v19;
	v0 =	vadd.f32 v11, v0  }
0x2d1: {  	vm3 =	vle.f32 v3, v49;
	vm4 =	vle.f32 v2, v49;
	v12 =	vsel vm1, $0x1, v29  }
0x2d2: {  	(xrf0) =	vadd.scan.msk.s32 $0xffff, v12;
	v14 =	vadd.s32 v50, v13;
	v12 =	vmpcnt.ones.xlane vm1;
	vm2 =	vle.f32 v0, v49  }
0x2d3: {  	v3 =	vmpcnt.ones.xlane vm3;
	vm9 =	vlt.s32 v14, $0x20;
	v15 =	vsel vm2, $0x1, v29  }
0x2d4: {  	v0 =	vadd.s32 v14, v12;
	v12 =	vsub.f32 v56, v47;
	(xrf0) =	vadd.scan.msk.s32 $0xffff, v15;
	v15 =	vmpcnt.ones.xlane vm2  }
0x2d5: {  	v4 =	vsel vm3, $0x1, v29;
	v19 =	vnsel vm9, $0x20, v14;
	vm10 =	vlt.s32 v0, $0x20  }
0x2d6: {  	v9 =	vnsel vm10, $0x20, v0;
	v12 =	vmul.f32 v12, v12;
	v16, _, _ =	vpop (xrf0);
	v0 =	vadd.s32 v0, v15  }
0x2d7: {  	v15 =	vsub.f32 v59, v44;
	v18 =	vadd.s32 v16, v17;
	v16 =	vsub.f32 v63, v47  }
0x2d8: {  	v50, _, _ =	vpop (xrf0);
	v3 =	vadd.s32 v0, v3;
	vm5 =	vlt.s32 v0, $0x20;
	v63 =	vsel vm4, $0x1, v29  }
0x2d9: {  	v6 =	vadd.s32 $0xBF, v18;
	v7 =	vadd.s32 v19, v50;
	v18 =	vsub.f32 v61, v44  }
0x2da: {  	v19 =	vsub.f32 v62, v47;
	vm6 =	vlt.s32 v3, $0x20;
	v50 =	vmpcnt.ones.xlane vm4  }
0x2db: {  	(xrf0) =	vadd.scan.msk.s32 $0xffff, v4;
	v0 =	vnsel vm5, $0x20, v0;
	v7 =	vadd.s32 $0xBF, v7;
	v17 =	vmul.f32 v16, v16  }
0x2dc: {  	v11 =	vnsel vm6, $0x20, v3;
	v16 =	vsub.f32 v60, v47;
	v61 =	vmul.f32 v18, v18  }
0x2dd: {  	v13, _, _ =	vpop (xrf0);
	v62 =	vmul.f32 v19, v19;
	v3 =	vadd.s32 v3, v50;
	v19 =	vsub.f32 v58, v44  }
0x2de: {  	v58 =	vsub.f32 v55, v44;
	v14 =	vadd.s32 v9, v13;
	v1 =	vadd.f32 v17, v1  }
0x2df: {  	vm11 =	vlt.s32 v3, $0x20;
	v5 =	vadd.s32 $0xBF, v14;
	v17 =	vadd.f32 v62, v61  }
0x2e0: {  	v10 =	vnsel vm11, $0x20, v3;
	v14 =	vsub.f32 v57, v47;
	v13 =	vmul.f32 v58, v58  }
0x2e1: {  	v61 =	vmul.f32 v15, v15;
	v62 =	vmul.f32 v16, v16;
	v59, _, _ =	vpop (xrf0);
	v16 =	vadd.f32 $1.600000000e+01, v54  }
0x2e2: {  	vm5 =	vle.f32 v1, v49;
	v1 =	vmul.f32 v19, v19;
	v0 =	vadd.s32 v0, v59  }
0x2e3: {  	(xrf0) =	vadd.scan.msk.s32 $0xffff, v63;
	v2 =	vsel vm5, $0x1, v29;
	v18 =	vmpcnt.ones.xlane vm5;
	v14 =	vmul.f32 v14, v14  }
0x2e4: {  	vm12 =	vle.f32 v17, v49;
	v0 =	vadd.s32 $0xBF, v0;
	v1 =	vadd.f32 v12, v1  }
0x2e5: {  	v50 =	vmpcnt.ones.xlane vm12;
	v63 =	vsel vm12, $0x1, v29;
	v13 =	vadd.f32 v14, v13  }
0x2e6: {  	(xrf0) =	vadd.scan.msk.s32 $0xffff, v2;
	v3 =	vadd.s32 v3, v18;
	v18 =	vadd.f32 v62, v61;
	vm13 =	vle.f32 v1, v49  }
0x2e7: {  	(xrf0) =	vadd.scan.msk.s32 $0xffff, v63;
	vm7 =	vlt.s32 v3, $0x20;
	v19 =	vsel vm13, $0x1, v29;
	vm8 =	vle.f32 v13, v49  }
0x2e8: {  	v17 =	vadd.s32 v3, v50;
	vm9 =	vle.f32 v18, v49;
	(xrf0) =	vadd.scan.msk.s32 $0xffff, v19;
	v55 =	vsel vm8, $0x1, v29  }
0x2e9: {  	v60, _, _ =	vpop (xrf0);
	v15 =	vnsel vm7, $0x20, v3;
	v50 =	vmpcnt.ones.xlane vm13;
	v58 =	vsel vm9, $0x1, v29;
	(xrf0) =	vadd.scan.msk.s32 $0xffff, v55  }
0x2ea: {  	vm10 =	vlt.s32 v17, $0x20;
	v3 =	vadd.s32 v11, v60;
	v18 =	vadd.f32 $3.200000000e+01, v54;
	(xrf0) =	vadd.scan.msk.s32 $0xffff, v58  }
0x2eb: {  	v56 =	vmpcnt.ones.xlane vm8;
	v2 =	vnsel vm10, $0x20, v17;
	v3 =	vadd.s32 $0xBF, v3  }
0x2ec: {  	v57 =	vadd.s32 v17, v50;
	v50 =	vadd.f32 $4.800000000e+01, v54;
	v55 =	vadd.f32 $6.400000000e+01, v54;
	v61, _, _ =	vpop (xrf0)  }
0x2ed: {  	vm14 =	vlt.s32 v57, $0x20;
	v8 =	vadd.s32 v57, v56;
	v63, _, _ =	vpop (xrf0);
	v4 =	vadd.s32 v10, v61  }
0x2ee: {  	[tilespmem:v6+s9+$0x0] =	vst.idx.msk vm0, v54;
	v1 =	vnsel vm14, $0x20, v57;
	v4 =	vadd.s32 $0xBF, v4;
	v11 =	vadd.s32 v15, v63;
	v17, _, _ =	vpop (xrf0)  }
0x2ef: {  	[tilespmem:v7+s9+$0x0] =	vst.idx.msk vm1, v16;
	vm15 =	vlt.s32 v8, $0x20;
	v11 =	vadd.s32 $0xBF, v11;
	v19, _, _ =	vpop (xrf0);
	v2 =	vadd.s32 v2, v17  }
0x2f0: {  	[tilespmem:v5+s9+$0x0] =	vst.idx.msk vm2, v18;
	v62 =	vnsel vm15, $0x20, v8;
	v2 =	vadd.s32 $0xBF, v2;
	v1 =	vadd.s32 v1, v19;
	v56, _, _ =	vpop (xrf0)  }
0x2f1: {  	[tilespmem:v0+s9+$0x0] =	vst.idx.msk vm3, v50;
	v57 =	vadd.f32 $8.000000000e+01, v54;
	v1 =	vadd.s32 $0xBF, v1;
	v6 =	vadd.s32 v62, v56  }
0x2f2: {  	v58 =	vadd.f32 $9.600000000e+01, v54;
	[tilespmem:v3+s9+$0x0] =	vst.idx.msk vm4, v55;
	v59 =	vadd.s32 $0xBF, v6  }
.Ltmp11:
0x2f3: {  	v60 =	vadd.f32 $1.120000000e+02, v54;
	[tilespmem:v4+s9+$0x0] =	vst.idx.msk vm5, v57;
	(pc) =	sbr.rel .LBB2_11-.Ltmp11, $4  }
0x2f4: {  	v61 =	vadd.f32 $1.280000000e+02, v54;
	[tilespmem:v11+s9+$0x0] =	vst.idx.msk vm12, v58  }
0x2f5: {  	v63 =	vmpcnt.ones.xlane vm9;
	v62 =	vadd.f32 $1.440000000e+02, v54;
	[tilespmem:v2+s9+$0x0] =	vst.idx.msk vm13, v60  }
0x2f6: {  	[tilespmem:v1+s9+$0x0] =	vst.idx.msk vm8, v61  }
0x2f7: {  	v50 =	vadd.s32 v8, v63;
	[tilespmem:v59+s9+$0x0] =	vst.idx.msk vm9, v62  }
.LBB2_15:
0x2f8: {  	_ =	sfence.sel $0x180000  }
0x2f9: {  	[bflag:$0x0] =	sbarrier.arrive $0xFFFF  }
0x2fa: {  	p0 =	sne.s32 s0, $0x0;
	_ =	strace $0x90000047  }
0x2fb: {  	s0 =	sadd.s32 @!p0 $0x100000, s1;
	[bflag:$0x2] =	sbarrier.arrive $0xFFFF  }
0x2fc: {  	[sflag:s0] =	ssyncadd.tile.s32 @!p0 $0x1;
	_ =	shalt  }
.Lfunc_end2:
_tile_overlayer_lowered:
.L_overlay_start_2:
0x2fd: {  	(tag) =	ssettag $0x2  }
0x2fe: {  	s0 =	rddreg [dreg:$0x0];
	s2 =	stileid.u32  }
0x2ff: {  	s1 =	rddreg [dreg:$0x1];
	p0 =	sne.s32 s2, $0x0  }
0x300: {  	s3 =	rddreg [dreg:$0x2];
	[bflag:$0x3] =	sbarrier.arrive $0xFFFF;
	s2 =	simm.s32 @!p0 $0x1C02  }
0x301: {  	[timem:s3], [sflag:s2] =	dma.local @!p0 [hbm:s0], s1  }
0x302: {  	s0 =	simm.s32 @!p0 $0x2  }
0x303: {  	_ =	swait.ge @!p0 [sflag:s0], s1  }
0x304: {  	s1 =	ssub.s32 @!p0 $0x0, s1;
	[sflag:s0] =	ssyncset.done @!p0 $0x0  }
0x305: {  	[sflag:s0] =	ssyncadd.s32 @!p0 s1  }
0x306: {  	[bflag:$0x3] =	sbarrier.arrive $0xFFFF  }
0x307: {  	_ =	shalt  }

</sc_bundles>
